<compile_context>
chip_gen: v7x
topology: tpu7x:2x2x1
jax: 0.10.2.dev20260603
libtpu: 0.0.44.dev20260713+nightly
codegen_flags: <defaults>
</compile_context>

<pallas_src>
import functools

import jax
import jax.numpy as jnp
from jax import lax
from jax.experimental import pallas as pl
from jax.experimental.pallas import tpu as pltpu
from jax.experimental.pallas import tpu_sc as plsc

VOCAB_CHAR = 1000
VOCAB_SEG = 4
CHAR_DIM = 64
SEG_DIM = 16
OUT_DIM = CHAR_DIM + SEG_DIM
FUSED_ROWS = VOCAB_CHAR * VOCAB_SEG

B_ROWS, L = 4096, 200
N = B_ROWS * L
NC, NS = 2, 16
NW = NC * NS
BAND = B_ROWS // NW
IDX_W = 128
SPLITS = (104, 96)
RPB = 2
NBUF = 2
PAIRS = BAND // (NBUF * RPB)
ROWS_PER_TILE = FUSED_ROWS // NS
LANES = 16

A_CHUNK = 64
A_CHUNKS = BAND // A_CHUNK
A_OFFS = tuple(range(0, L - LANES + 1, LANES)) + (L - LANES,)


def _sc_pack_ids(char_ids, seg_ids):
    mesh = plsc.VectorSubcoreMesh(core_axis_name="c", subcore_axis_name="s")

    @functools.partial(
        pl.kernel,
        out_type=jax.ShapeDtypeStruct((B_ROWS, L), jnp.int32),
        mesh=mesh,
        scratch_types=[
            pltpu.VMEM((A_CHUNK, L), jnp.int32),
            pltpu.VMEM((A_CHUNK, L), jnp.int32),
            pltpu.VMEM((A_CHUNK, L), jnp.int32),
        ],
    )
    def ka(cid_hbm, sid_hbm, fid_hbm, cbuf, sbuf, obuf):
        wid = lax.axis_index("s") * NC + lax.axis_index("c")
        for chunk in range(A_CHUNKS):
            r0 = wid * BAND + chunk * A_CHUNK
            pltpu.sync_copy(cid_hbm.at[pl.ds(r0, A_CHUNK)], cbuf)
            pltpu.sync_copy(sid_hbm.at[pl.ds(r0, A_CHUNK)], sbuf)

            def row_body(r, carry):
                for off in A_OFFS:
                    sl = pl.ds(off, LANES)
                    cv = cbuf[r, sl]
                    sv = sbuf[r, sl]
                    obuf[r, sl] = (cv << 2) + sv
                return carry

            lax.fori_loop(0, A_CHUNK, row_body, 0)
            pltpu.sync_copy(obuf, fid_hbm.at[pl.ds(r0, A_CHUNK)])

    return ka(char_ids, seg_ids)


def _sc_gather(fid, char_table, seg_table):
    mesh = plsc.VectorSubcoreMesh(core_axis_name="c", subcore_axis_name="s")

    @functools.partial(
        pl.kernel,
        out_type=jax.ShapeDtypeStruct((B_ROWS, L, OUT_DIM), jnp.float32),
        mesh=mesh,
        compiler_params=pltpu.CompilerParams(use_tc_tiling_on_sc=False),
        scratch_types=[
            pltpu.VMEM_SHARED((FUSED_ROWS, OUT_DIM), jnp.float32),
            pltpu.VMEM((NBUF, RPB, L), jnp.int32),
            pltpu.VMEM((2, IDX_W), jnp.int32),
            pltpu.VMEM((NBUF, RPB, L, OUT_DIM), jnp.float32),
            pltpu.VMEM((ROWS_PER_TILE, OUT_DIM), jnp.float32),
            pltpu.VMEM((2 * IDX_W, CHAR_DIM), jnp.float32),
            pltpu.VMEM((VOCAB_SEG, SEG_DIM), jnp.float32),
            pltpu.SemaphoreType.DMA,
            pltpu.SemaphoreType.DMA,
            pltpu.SemaphoreType.DMA,
            pltpu.SemaphoreType.DMA,
        ],
    )
    def kb(fid_hbm, ctab_hbm, stab_hbm, out_hbm,
           ftab, fidx, bidx, frows, cbuild, ctmp, stab_v,
           gsem0, gsem1, wsem0, wsem1):
        sid = lax.axis_index("s")
        wid = sid * NC + lax.axis_index("c")
        iot = lax.iota(jnp.int32, LANES)

        r0 = sid * ROWS_PER_TILE
        for j in range(2):
            for l in range(IDX_W // LANES):
                rvec = r0 + (j * IDX_W + l * LANES) + iot
                cvec = jnp.minimum(rvec >> 2, VOCAB_CHAR - 1)
                bidx[j, pl.ds(l * LANES, LANES)] = cvec
        pltpu.sync_copy(stab_hbm, stab_v)
        g0 = pltpu.async_copy(ctab_hbm.at[bidx.at[0]],
                              ctmp.at[pl.ds(0, IDX_W)], gsem0)
        g1 = pltpu.async_copy(ctab_hbm.at[bidx.at[1]],
                              ctmp.at[pl.ds(IDX_W, IDX_W)], gsem0)
        g0.wait()
        g1.wait()

        def asm_body(i, carry):
            for c4 in range(CHAR_DIM // LANES):
                cbuild[i, pl.ds(c4 * LANES, LANES)] = (
                    ctmp[i, pl.ds(c4 * LANES, LANES)])
            s = (r0 + i) & (VOCAB_SEG - 1)
            cbuild[i, pl.ds(CHAR_DIM, SEG_DIM)] = stab_v[s, pl.ds(0, SEG_DIM)]
            return carry

        lax.fori_loop(0, ROWS_PER_TILE, asm_body, 0)
        pltpu.sync_copy(cbuild, ftab.at[pl.ds(r0, ROWS_PER_TILE)])
        plsc.subcore_barrier()

        gsems = (gsem0, gsem1)
        wsems = (wsem0, wsem1)

        def pair_body(p, carry):
            gathers = []
            for buf in range(NBUF):
                b = wid * BAND + (p * NBUF + buf) * RPB

                @pl.when(p > 0)
                def _drain():
                    pltpu.make_async_copy(
                        frows.at[buf],
                        out_hbm.at[pl.ds(b - NBUF * RPB, RPB)],
                        wsems[buf]).wait()

                pltpu.sync_copy(fid_hbm.at[pl.ds(b, RPB)], fidx.at[buf])
                bg = []
                for r in range(RPB):
                    off = 0
                    for w in SPLITS:
                        bg.append(pltpu.async_copy(
                            ftab.at[fidx.at[buf, r, pl.ds(off, w)]],
                            frows.at[buf, r, pl.ds(off, w)],
                            gsems[buf]))
                        off += w
                gathers.append(bg)
            for buf in range(NBUF):
                b = wid * BAND + (p * NBUF + buf) * RPB
                for g in gathers[buf]:
                    g.wait()
                pltpu.async_copy(frows.at[buf],
                                 out_hbm.at[pl.ds(b, RPB)], wsems[buf])
            return carry

        lax.fori_loop(0, PAIRS, pair_body, 0)
        for buf in range(NBUF):
            b = wid * BAND + BAND - (NBUF - buf) * RPB
            pltpu.make_async_copy(frows.at[buf],
                                  out_hbm.at[pl.ds(b, RPB)],
                                  wsems[buf]).wait()

    return kb(fid, char_table, seg_table)


def kernel(char_ids, seg_ids, char_table, seg_table):
    fid = _sc_pack_ids(char_ids, seg_ids)
    return _sc_gather(fid, char_table, seg_table)

# --- scband reference (transcript-rebuilt; emitter-appended) ---
"""Pipeline reference for scband-bi-lstmcrf-21440476742169 (READ-ONLY COPY).

The authoritative reference and input builder live on the scoring server;
editing this copy changes nothing except your own understanding.
"""

import jax, jax.numpy as jnp
import numpy as np

VOCAB_CHAR = 1000
VOCAB_SEG = 4
CHAR_DIM = 64
SEG_DIM = 16
B, L = 4096, 200

def setup_inputs(seed: int = 0) -> dict:
    key = jax.random.key(seed)
    k1, k2, k3, k4 = jax.random.split(key, 4)
    char_ids = jax.random.randint(k1, (B, L), 0, VOCAB_CHAR)
    seg_ids = jax.random.randint(k2, (B, L), 0, VOCAB_SEG)
    # learned embedding tables sized per init_kwargs (vocab_size x embed_dim)
    char_table = jax.random.normal(k3, (VOCAB_CHAR, CHAR_DIM), dtype=jnp.float32)
    seg_table = jax.random.normal(k4, (VOCAB_SEG, SEG_DIM), dtype=jnp.float32)
    return {"char_ids": char_ids, "seg_ids": seg_ids, "char_table": char_table, "seg_table": seg_table}

def reference(char_ids, seg_ids, char_table, seg_table):
    # Faithful translation of BiLSTMCRF.embed_concat:
    # for each non-label feature, look up its embedding table with the
    # corresponding batch_data tensor, collect, then concatenate along the
    # last (feature) dimension. 'label' feature is skipped (no embedding).
    embedding = []
    char_emb = jnp.take(char_table, char_ids, axis=0)  # [B, L, CHAR_DIM]
    embedding.append(char_emb)
    seg_emb = jnp.take(seg_table, seg_ids, axis=0)     # [B, L, SEG_DIM]
    embedding.append(seg_emb)
    return jnp.concatenate(embedding, axis=-1)         # [B, L, CHAR_DIM+SEG_DIM]

if __name__ == "__main__":
    import jax
    _d = setup_inputs()
    print(jax.jit(kernel)(*tuple(_d.values())))

</pallas_src>

<mosaic_0001>
#map = affine_map<(d0, d1) -> (0, 0)>
#map1 = affine_map<(d0, d1) -> (0, 0, 0)>
module attributes {stable_mosaic.version = 14 : i64} {
  func.func @kb(%arg0: i32, %arg1: i32, %arg2: memref<4096x200xi32, #tpu.memory_space<hbm>>, %arg3: memref<1000x64xf32, #tpu.memory_space<hbm>>, %arg4: memref<4x16xf32, #tpu.memory_space<hbm>>, %arg5: memref<4096x200x80xf32, #tpu.memory_space<hbm>>, %arg6: memref<4000x80xf32, #tpu.memory_space<vmem_shared>>, %arg7: memref<2x2x200xi32, #tpu.memory_space<vmem>>, %arg8: memref<2x128xi32, #tpu.memory_space<vmem>>, %arg9: memref<2x2x200x80xf32, #tpu.memory_space<vmem>>, %arg10: memref<250x80xf32, #tpu.memory_space<vmem>>, %arg11: memref<256x64xf32, #tpu.memory_space<vmem>>, %arg12: memref<4x16xf32, #tpu.memory_space<vmem>>, %arg13: memref<!tpu.dma_semaphore, #tpu.memory_space<semaphore_mem>>, %arg14: memref<!tpu.dma_semaphore, #tpu.memory_space<semaphore_mem>>, %arg15: memref<!tpu.dma_semaphore, #tpu.memory_space<semaphore_mem>>, %arg16: memref<!tpu.dma_semaphore, #tpu.memory_space<semaphore_mem>>) attributes {dimension_semantics = [#tpu.dimension_semantics<core_parallel>, #tpu.dimension_semantics<subcore_parallel>], iteration_bounds = array<i64: 2, 16>, scalar_prefetch = 0 : i64, scratch_operands = 11 : i64, tpu.core_type = #tpu.core_type<sc_vector_subcore>, window_params = [{transform_indices = #map}, {transform_indices = #map}, {transform_indices = #map}, {transform_indices = #map1}]} {
    %mul3A = arith.constant 2 : i32
    %mul3A_0 = arith.muli %arg1, %mul3A : i32
    %add3A = arith.addi %mul3A_0, %arg0 : i32
    %iota3A = tpu.iota {dimensions = array<i32: 0>} : vector<16xi32>
    %mul3A_1 = arith.constant 250 : i32
    %mul3A_2 = arith.muli %arg1, %mul3A_1 : i32
    %add3A_3 = arith.constant 0 : i32
    %add3A_4 = arith.addi %mul3A_2, %add3A_3 : i32
    %add3A_5 = vector.broadcast %add3A_4 : i32 to vector<16xi32>
    %add3A_6 = arith.addi %add3A_5, %iota3A : vector<16xi32>
    %shift_right_arithmetic3A = arith.constant 2 : i32
    %shift_right_arithmetic3A_7 = vector.broadcast %shift_right_arithmetic3A : i32 to vector<16xi32>
    %shift_right_arithmetic3A_8 = arith.shrsi %add3A_6, %shift_right_arithmetic3A_7 : vector<16xi32>
    %min3A = arith.constant 999 : i32
    %min3A_9 = vector.broadcast %min3A : i32 to vector<16xi32>
    %min3A_10 = arith.minsi %shift_right_arithmetic3A_8, %min3A_9 : vector<16xi32>
    %swap3A = arith.constant 0 : i32
    %swap3A_11 = arith.index_cast %swap3A : i32 to index
    %swap3A_12 = arith.constant 0 : index
    %swap3A_13 = tpu.vector_load %arg8[%swap3A_11, %swap3A_12] {strides = array<i32>} : memref<2x128xi32, #tpu.memory_space<vmem>>, vector<1x16xi32>,
    %swap3A_14 = vector.shape_cast %swap3A_13 : vector<1x16xi32> to vector<16xi32>
    %swap3A_15 = vector.shape_cast %min3A_10 : vector<16xi32> to vector<1x16xi32>
    tpu.vector_store %arg8[%swap3A_11, %swap3A_12], %swap3A_15 {strides = array<i32>} : memref<2x128xi32, #tpu.memory_space<vmem>>, vector<1x16xi32>,
    %add3A_16 = arith.constant 16 : i32
    %add3A_17 = arith.addi %mul3A_2, %add3A_16 : i32
    %add3A_18 = vector.broadcast %add3A_17 : i32 to vector<16xi32>
    %add3A_19 = arith.addi %add3A_18, %iota3A : vector<16xi32>
    %shift_right_arithmetic3A_20 = arith.constant 2 : i32
    %shift_right_arithmetic3A_21 = vector.broadcast %shift_right_arithmetic3A_20 : i32 to vector<16xi32>
    %shift_right_arithmetic3A_22 = arith.shrsi %add3A_19, %shift_right_arithmetic3A_21 : vector<16xi32>
    %min3A_23 = arith.constant 999 : i32
    %min3A_24 = vector.broadcast %min3A_23 : i32 to vector<16xi32>
    %min3A_25 = arith.minsi %shift_right_arithmetic3A_22, %min3A_24 : vector<16xi32>
    %swap3A_26 = arith.constant 0 : i32
    %swap3A_27 = arith.index_cast %swap3A_26 : i32 to index
    %swap3A_28 = arith.constant 16 : index
    %swap3A_29 = tpu.vector_load %arg8[%swap3A_27, %swap3A_28] {strides = array<i32>} : memref<2x128xi32, #tpu.memory_space<vmem>>, vector<1x16xi32>,
    %swap3A_30 = vector.shape_cast %swap3A_29 : vector<1x16xi32> to vector<16xi32>
    %swap3A_31 = vector.shape_cast %min3A_25 : vector<16xi32> to vector<1x16xi32>
    tpu.vector_store %arg8[%swap3A_27, %swap3A_28], %swap3A_31 {strides = array<i32>} : memref<2x128xi32, #tpu.memory_space<vmem>>, vector<1x16xi32>,
    %add3A_32 = arith.constant 32 : i32
    %add3A_33 = arith.addi %mul3A_2, %add3A_32 : i32
    %add3A_34 = vector.broadcast %add3A_33 : i32 to vector<16xi32>
    %add3A_35 = arith.addi %add3A_34, %iota3A : vector<16xi32>
    %shift_right_arithmetic3A_36 = arith.constant 2 : i32
    %shift_right_arithmetic3A_37 = vector.broadcast %shift_right_arithmetic3A_36 : i32 to vector<16xi32>
    %shift_right_arithmetic3A_38 = arith.shrsi %add3A_35, %shift_right_arithmetic3A_37 : vector<16xi32>
    %min3A_39 = arith.constant 999 : i32
    %min3A_40 = vector.broadcast %min3A_39 : i32 to vector<16xi32>
    %min3A_41 = arith.minsi %shift_right_arithmetic3A_38, %min3A_40 : vector<16xi32>
    %swap3A_42 = arith.constant 0 : i32
    %swap3A_43 = arith.index_cast %swap3A_42 : i32 to index
    %swap3A_44 = arith.constant 32 : index
    %swap3A_45 = tpu.vector_load %arg8[%swap3A_43, %swap3A_44] {strides = array<i32>} : memref<2x128xi32, #tpu.memory_space<vmem>>, vector<1x16xi32>,
    %swap3A_46 = vector.shape_cast %swap3A_45 : vector<1x16xi32> to vector<16xi32>
    %swap3A_47 = vector.shape_cast %min3A_41 : vector<16xi32> to vector<1x16xi32>
    tpu.vector_store %arg8[%swap3A_43, %swap3A_44], %swap3A_47 {strides = array<i32>} : memref<2x128xi32, #tpu.memory_space<vmem>>, vector<1x16xi32>,
    %add3A_48 = arith.constant 48 : i32
    %add3A_49 = arith.addi %mul3A_2, %add3A_48 : i32
    %add3A_50 = vector.broadcast %add3A_49 : i32 to vector<16xi32>
    %add3A_51 = arith.addi %add3A_50, %iota3A : vector<16xi32>
    %shift_right_arithmetic3A_52 = arith.constant 2 : i32
    %shift_right_arithmetic3A_53 = vector.broadcast %shift_right_arithmetic3A_52 : i32 to vector<16xi32>
    %shift_right_arithmetic3A_54 = arith.shrsi %add3A_51, %shift_right_arithmetic3A_53 : vector<16xi32>
    %min3A_55 = arith.constant 999 : i32
    %min3A_56 = vector.broadcast %min3A_55 : i32 to vector<16xi32>
    %min3A_57 = arith.minsi %shift_right_arithmetic3A_54, %min3A_56 : vector<16xi32>
    %swap3A_58 = arith.constant 0 : i32
    %swap3A_59 = arith.index_cast %swap3A_58 : i32 to index
    %swap3A_60 = arith.constant 48 : index
    %swap3A_61 = tpu.vector_load %arg8[%swap3A_59, %swap3A_60] {strides = array<i32>} : memref<2x128xi32, #tpu.memory_space<vmem>>, vector<1x16xi32>,
    %swap3A_62 = vector.shape_cast %swap3A_61 : vector<1x16xi32> to vector<16xi32>
    %swap3A_63 = vector.shape_cast %min3A_57 : vector<16xi32> to vector<1x16xi32>
    tpu.vector_store %arg8[%swap3A_59, %swap3A_60], %swap3A_63 {strides = array<i32>} : memref<2x128xi32, #tpu.memory_space<vmem>>, vector<1x16xi32>,
    %add3A_64 = arith.constant 64 : i32
    %add3A_65 = arith.addi %mul3A_2, %add3A_64 : i32
    %add3A_66 = vector.broadcast %add3A_65 : i32 to vector<16xi32>
    %add3A_67 = arith.addi %add3A_66, %iota3A : vector<16xi32>
    %shift_right_arithmetic3A_68 = arith.constant 2 : i32
    %shift_right_arithmetic3A_69 = vector.broadcast %shift_right_arithmetic3A_68 : i32 to vector<16xi32>
    %shift_right_arithmetic3A_70 = arith.shrsi %add3A_67, %shift_right_arithmetic3A_69 : vector<16xi32>
    %min3A_71 = arith.constant 999 : i32
    %min3A_72 = vector.broadcast %min3A_71 : i32 to vector<16xi32>
    %min3A_73 = arith.minsi %shift_right_arithmetic3A_70, %min3A_72 : vector<16xi32>
    %swap3A_74 = arith.constant 0 : i32
    %swap3A_75 = arith.index_cast %swap3A_74 : i32 to index
    %swap3A_76 = arith.constant 64 : index
    %swap3A_77 = tpu.vector_load %arg8[%swap3A_75, %swap3A_76] {strides = array<i32>} : memref<2x128xi32, #tpu.memory_space<vmem>>, vector<1x16xi32>,
    %swap3A_78 = vector.shape_cast %swap3A_77 : vector<1x16xi32> to vector<16xi32>
    %swap3A_79 = vector.shape_cast %min3A_73 : vector<16xi32> to vector<1x16xi32>
    tpu.vector_store %arg8[%swap3A_75, %swap3A_76], %swap3A_79 {strides = array<i32>} : memref<2x128xi32, #tpu.memory_space<vmem>>, vector<1x16xi32>,
    %add3A_80 = arith.constant 80 : i32
    %add3A_81 = arith.addi %mul3A_2, %add3A_80 : i32
    %add3A_82 = vector.broadcast %add3A_81 : i32 to vector<16xi32>
    %add3A_83 = arith.addi %add3A_82, %iota3A : vector<16xi32>
    %shift_right_arithmetic3A_84 = arith.constant 2 : i32
    %shift_right_arithmetic3A_85 = vector.broadcast %shift_right_arithmetic3A_84 : i32 to vector<16xi32>
    %shift_right_arithmetic3A_86 = arith.shrsi %add3A_83, %shift_right_arithmetic3A_85 : vector<16xi32>
    %min3A_87 = arith.constant 999 : i32
    %min3A_88 = vector.broadcast %min3A_87 : i32 to vector<16xi32>
    %min3A_89 = arith.minsi %shift_right_arithmetic3A_86, %min3A_88 : vector<16xi32>
    %swap3A_90 = arith.constant 0 : i32
    %swap3A_91 = arith.index_cast %swap3A_90 : i32 to index
    %swap3A_92 = arith.constant 80 : index
    %swap3A_93 = tpu.vector_load %arg8[%swap3A_91, %swap3A_92] {strides = array<i32>} : memref<2x128xi32, #tpu.memory_space<vmem>>, vector<1x16xi32>,
    %swap3A_94 = vector.shape_cast %swap3A_93 : vector<1x16xi32> to vector<16xi32>
    %swap3A_95 = vector.shape_cast %min3A_89 : vector<16xi32> to vector<1x16xi32>
    tpu.vector_store %arg8[%swap3A_91, %swap3A_92], %swap3A_95 {strides = array<i32>} : memref<2x128xi32, #tpu.memory_space<vmem>>, vector<1x16xi32>,
    %add3A_96 = arith.constant 96 : i32
    %add3A_97 = arith.addi %mul3A_2, %add3A_96 : i32
    %add3A_98 = vector.broadcast %add3A_97 : i32 to vector<16xi32>
    %add3A_99 = arith.addi %add3A_98, %iota3A : vector<16xi32>
    %shift_right_arithmetic3A_100 = arith.constant 2 : i32
    %shift_right_arithmetic3A_101 = vector.broadcast %shift_right_arithmetic3A_100 : i32 to vector<16xi32>
    %shift_right_arithmetic3A_102 = arith.shrsi %add3A_99, %shift_right_arithmetic3A_101 : vector<16xi32>
    %min3A_103 = arith.constant 999 : i32
    %min3A_104 = vector.broadcast %min3A_103 : i32 to vector<16xi32>
    %min3A_105 = arith.minsi %shift_right_arithmetic3A_102, %min3A_104 : vector<16xi32>
    %swap3A_106 = arith.constant 0 : i32
    %swap3A_107 = arith.index_cast %swap3A_106 : i32 to index
    %swap3A_108 = arith.constant 96 : index
    %swap3A_109 = tpu.vector_load %arg8[%swap3A_107, %swap3A_108] {strides = array<i32>} : memref<2x128xi32, #tpu.memory_space<vmem>>, vector<1x16xi32>,
    %swap3A_110 = vector.shape_cast %swap3A_109 : vector<1x16xi32> to vector<16xi32>
    %swap3A_111 = vector.shape_cast %min3A_105 : vector<16xi32> to vector<1x16xi32>
    tpu.vector_store %arg8[%swap3A_107, %swap3A_108], %swap3A_111 {strides = array<i32>} : memref<2x128xi32, #tpu.memory_space<vmem>>, vector<1x16xi32>,
    %add3A_112 = arith.constant 112 : i32
    %add3A_113 = arith.addi %mul3A_2, %add3A_112 : i32
    %add3A_114 = vector.broadcast %add3A_113 : i32 to vector<16xi32>
    %add3A_115 = arith.addi %add3A_114, %iota3A : vector<16xi32>
    %shift_right_arithmetic3A_116 = arith.constant 2 : i32
    %shift_right_arithmetic3A_117 = vector.broadcast %shift_right_arithmetic3A_116 : i32 to vector<16xi32>
    %shift_right_arithmetic3A_118 = arith.shrsi %add3A_115, %shift_right_arithmetic3A_117 : vector<16xi32>
    %min3A_119 = arith.constant 999 : i32
    %min3A_120 = vector.broadcast %min3A_119 : i32 to vector<16xi32>
    %min3A_121 = arith.minsi %shift_right_arithmetic3A_118, %min3A_120 : vector<16xi32>
    %swap3A_122 = arith.constant 0 : i32
    %swap3A_123 = arith.index_cast %swap3A_122 : i32 to index
    %swap3A_124 = arith.constant 112 : index
    %swap3A_125 = tpu.vector_load %arg8[%swap3A_123, %swap3A_124] {strides = array<i32>} : memref<2x128xi32, #tpu.memory_space<vmem>>, vector<1x16xi32>,
    %swap3A_126 = vector.shape_cast %swap3A_125 : vector<1x16xi32> to vector<16xi32>
    %swap3A_127 = vector.shape_cast %min3A_121 : vector<16xi32> to vector<1x16xi32>
    tpu.vector_store %arg8[%swap3A_123, %swap3A_124], %swap3A_127 {strides = array<i32>} : memref<2x128xi32, #tpu.memory_space<vmem>>, vector<1x16xi32>,
    %add3A_128 = arith.constant 128 : i32
    %add3A_129 = arith.addi %mul3A_2, %add3A_128 : i32
    %add3A_130 = vector.broadcast %add3A_129 : i32 to vector<16xi32>
    %add3A_131 = arith.addi %add3A_130, %iota3A : vector<16xi32>
    %shift_right_arithmetic3A_132 = arith.constant 2 : i32
    %shift_right_arithmetic3A_133 = vector.broadcast %shift_right_arithmetic3A_132 : i32 to vector<16xi32>
    %shift_right_arithmetic3A_134 = arith.shrsi %add3A_131, %shift_right_arithmetic3A_133 : vector<16xi32>
    %min3A_135 = arith.constant 999 : i32
    %min3A_136 = vector.broadcast %min3A_135 : i32 to vector<16xi32>
    %min3A_137 = arith.minsi %shift_right_arithmetic3A_134, %min3A_136 : vector<16xi32>
    %swap3A_138 = arith.constant 1 : i32
    %swap3A_139 = arith.index_cast %swap3A_138 : i32 to index
    %swap3A_140 = arith.constant 0 : index
    %swap3A_141 = tpu.vector_load %arg8[%swap3A_139, %swap3A_140] {strides = array<i32>} : memref<2x128xi32, #tpu.memory_space<vmem>>, vector<1x16xi32>,
    %swap3A_142 = vector.shape_cast %swap3A_141 : vector<1x16xi32> to vector<16xi32>
    %swap3A_143 = vector.shape_cast %min3A_137 : vector<16xi32> to vector<1x16xi32>
    tpu.vector_store %arg8[%swap3A_139, %swap3A_140], %swap3A_143 {strides = array<i32>} : memref<2x128xi32, #tpu.memory_space<vmem>>, vector<1x16xi32>,
    %add3A_144 = arith.constant 144 : i32
    %add3A_145 = arith.addi %mul3A_2, %add3A_144 : i32
    %add3A_146 = vector.broadcast %add3A_145 : i32 to vector<16xi32>
    %add3A_147 = arith.addi %add3A_146, %iota3A : vector<16xi32>
    %shift_right_arithmetic3A_148 = arith.constant 2 : i32
    %shift_right_arithmetic3A_149 = vector.broadcast %shift_right_arithmetic3A_148 : i32 to vector<16xi32>
    %shift_right_arithmetic3A_150 = arith.shrsi %add3A_147, %shift_right_arithmetic3A_149 : vector<16xi32>
    %min3A_151 = arith.constant 999 : i32
    %min3A_152 = vector.broadcast %min3A_151 : i32 to vector<16xi32>
    %min3A_153 = arith.minsi %shift_right_arithmetic3A_150, %min3A_152 : vector<16xi32>
    %swap3A_154 = arith.constant 1 : i32
    %swap3A_155 = arith.index_cast %swap3A_154 : i32 to index
    %swap3A_156 = arith.constant 16 : index
    %swap3A_157 = tpu.vector_load %arg8[%swap3A_155, %swap3A_156] {strides = array<i32>} : memref<2x128xi32, #tpu.memory_space<vmem>>, vector<1x16xi32>,
    %swap3A_158 = vector.shape_cast %swap3A_157 : vector<1x16xi32> to vector<16xi32>
    %swap3A_159 = vector.shape_cast %min3A_153 : vector<16xi32> to vector<1x16xi32>
    tpu.vector_store %arg8[%swap3A_155, %swap3A_156], %swap3A_159 {strides = array<i32>} : memref<2x128xi32, #tpu.memory_space<vmem>>, vector<1x16xi32>,
    %add3A_160 = arith.constant 160 : i32
    %add3A_161 = arith.addi %mul3A_2, %add3A_160 : i32
    %add3A_162 = vector.broadcast %add3A_161 : i32 to vector<16xi32>
    %add3A_163 = arith.addi %add3A_162, %iota3A : vector<16xi32>
    %shift_right_arithmetic3A_164 = arith.constant 2 : i32
    %shift_right_arithmetic3A_165 = vector.broadcast %shift_right_arithmetic3A_164 : i32 to vector<16xi32>
    %shift_right_arithmetic3A_166 = arith.shrsi %add3A_163, %shift_right_arithmetic3A_165 : vector<16xi32>
    %min3A_167 = arith.constant 999 : i32
    %min3A_168 = vector.broadcast %min3A_167 : i32 to vector<16xi32>
    %min3A_169 = arith.minsi %shift_right_arithmetic3A_166, %min3A_168 : vector<16xi32>
    %swap3A_170 = arith.constant 1 : i32
    %swap3A_171 = arith.index_cast %swap3A_170 : i32 to index
    %swap3A_172 = arith.constant 32 : index
    %swap3A_173 = tpu.vector_load %arg8[%swap3A_171, %swap3A_172] {strides = array<i32>} : memref<2x128xi32, #tpu.memory_space<vmem>>, vector<1x16xi32>,
    %swap3A_174 = vector.shape_cast %swap3A_173 : vector<1x16xi32> to vector<16xi32>
    %swap3A_175 = vector.shape_cast %min3A_169 : vector<16xi32> to vector<1x16xi32>
    tpu.vector_store %arg8[%swap3A_171, %swap3A_172], %swap3A_175 {strides = array<i32>} : memref<2x128xi32, #tpu.memory_space<vmem>>, vector<1x16xi32>,
    %add3A_176 = arith.constant 176 : i32
    %add3A_177 = arith.addi %mul3A_2, %add3A_176 : i32
    %add3A_178 = vector.broadcast %add3A_177 : i32 to vector<16xi32>
    %add3A_179 = arith.addi %add3A_178, %iota3A : vector<16xi32>
    %shift_right_arithmetic3A_180 = arith.constant 2 : i32
    %shift_right_arithmetic3A_181 = vector.broadcast %shift_right_arithmetic3A_180 : i32 to vector<16xi32>
    %shift_right_arithmetic3A_182 = arith.shrsi %add3A_179, %shift_right_arithmetic3A_181 : vector<16xi32>
    %min3A_183 = arith.constant 999 : i32
    %min3A_184 = vector.broadcast %min3A_183 : i32 to vector<16xi32>
    %min3A_185 = arith.minsi %shift_right_arithmetic3A_182, %min3A_184 : vector<16xi32>
    %swap3A_186 = arith.constant 1 : i32
    %swap3A_187 = arith.index_cast %swap3A_186 : i32 to index
    %swap3A_188 = arith.constant 48 : index
    %swap3A_189 = tpu.vector_load %arg8[%swap3A_187, %swap3A_188] {strides = array<i32>} : memref<2x128xi32, #tpu.memory_space<vmem>>, vector<1x16xi32>,
    %swap3A_190 = vector.shape_cast %swap3A_189 : vector<1x16xi32> to vector<16xi32>
    %swap3A_191 = vector.shape_cast %min3A_185 : vector<16xi32> to vector<1x16xi32>
    tpu.vector_store %arg8[%swap3A_187, %swap3A_188], %swap3A_191 {strides = array<i32>} : memref<2x128xi32, #tpu.memory_space<vmem>>, vector<1x16xi32>,
    %add3A_192 = arith.constant 192 : i32
    %add3A_193 = arith.addi %mul3A_2, %add3A_192 : i32
    %add3A_194 = vector.broadcast %add3A_193 : i32 to vector<16xi32>
    %add3A_195 = arith.addi %add3A_194, %iota3A : vector<16xi32>
    %shift_right_arithmetic3A_196 = arith.constant 2 : i32
    %shift_right_arithmetic3A_197 = vector.broadcast %shift_right_arithmetic3A_196 : i32 to vector<16xi32>
    %shift_right_arithmetic3A_198 = arith.shrsi %add3A_195, %shift_right_arithmetic3A_197 : vector<16xi32>
    %min3A_199 = arith.constant 999 : i32
    %min3A_200 = vector.broadcast %min3A_199 : i32 to vector<16xi32>
    %min3A_201 = arith.minsi %shift_right_arithmetic3A_198, %min3A_200 : vector<16xi32>
    %swap3A_202 = arith.constant 1 : i32
    %swap3A_203 = arith.index_cast %swap3A_202 : i32 to index
    %swap3A_204 = arith.constant 64 : index
    %swap3A_205 = tpu.vector_load %arg8[%swap3A_203, %swap3A_204] {strides = array<i32>} : memref<2x128xi32, #tpu.memory_space<vmem>>, vector<1x16xi32>,
    %swap3A_206 = vector.shape_cast %swap3A_205 : vector<1x16xi32> to vector<16xi32>
    %swap3A_207 = vector.shape_cast %min3A_201 : vector<16xi32> to vector<1x16xi32>
    tpu.vector_store %arg8[%swap3A_203, %swap3A_204], %swap3A_207 {strides = array<i32>} : memref<2x128xi32, #tpu.memory_space<vmem>>, vector<1x16xi32>,
    %add3A_208 = arith.constant 208 : i32
    %add3A_209 = arith.addi %mul3A_2, %add3A_208 : i32
    %add3A_210 = vector.broadcast %add3A_209 : i32 to vector<16xi32>
    %add3A_211 = arith.addi %add3A_210, %iota3A : vector<16xi32>
    %shift_right_arithmetic3A_212 = arith.constant 2 : i32
    %shift_right_arithmetic3A_213 = vector.broadcast %shift_right_arithmetic3A_212 : i32 to vector<16xi32>
    %shift_right_arithmetic3A_214 = arith.shrsi %add3A_211, %shift_right_arithmetic3A_213 : vector<16xi32>
    %min3A_215 = arith.constant 999 : i32
    %min3A_216 = vector.broadcast %min3A_215 : i32 to vector<16xi32>
    %min3A_217 = arith.minsi %shift_right_arithmetic3A_214, %min3A_216 : vector<16xi32>
    %swap3A_218 = arith.constant 1 : i32
    %swap3A_219 = arith.index_cast %swap3A_218 : i32 to index
    %swap3A_220 = arith.constant 80 : index
    %swap3A_221 = tpu.vector_load %arg8[%swap3A_219, %swap3A_220] {strides = array<i32>} : memref<2x128xi32, #tpu.memory_space<vmem>>, vector<1x16xi32>,
    %swap3A_222 = vector.shape_cast %swap3A_221 : vector<1x16xi32> to vector<16xi32>
    %swap3A_223 = vector.shape_cast %min3A_217 : vector<16xi32> to vector<1x16xi32>
    tpu.vector_store %arg8[%swap3A_219, %swap3A_220], %swap3A_223 {strides = array<i32>} : memref<2x128xi32, #tpu.memory_space<vmem>>, vector<1x16xi32>,
    %add3A_224 = arith.constant 224 : i32
    %add3A_225 = arith.addi %mul3A_2, %add3A_224 : i32
    %add3A_226 = vector.broadcast %add3A_225 : i32 to vector<16xi32>
    %add3A_227 = arith.addi %add3A_226, %iota3A : vector<16xi32>
    %shift_right_arithmetic3A_228 = arith.constant 2 : i32
    %shift_right_arithmetic3A_229 = vector.broadcast %shift_right_arithmetic3A_228 : i32 to vector<16xi32>
    %shift_right_arithmetic3A_230 = arith.shrsi %add3A_227, %shift_right_arithmetic3A_229 : vector<16xi32>
    %min3A_231 = arith.constant 999 : i32
    %min3A_232 = vector.broadcast %min3A_231 : i32 to vector<16xi32>
    %min3A_233 = arith.minsi %shift_right_arithmetic3A_230, %min3A_232 : vector<16xi32>
    %swap3A_234 = arith.constant 1 : i32
    %swap3A_235 = arith.index_cast %swap3A_234 : i32 to index
    %swap3A_236 = arith.constant 96 : index
    %swap3A_237 = tpu.vector_load %arg8[%swap3A_235, %swap3A_236] {strides = array<i32>} : memref<2x128xi32, #tpu.memory_space<vmem>>, vector<1x16xi32>,
    %swap3A_238 = vector.shape_cast %swap3A_237 : vector<1x16xi32> to vector<16xi32>
    %swap3A_239 = vector.shape_cast %min3A_233 : vector<16xi32> to vector<1x16xi32>
    tpu.vector_store %arg8[%swap3A_235, %swap3A_236], %swap3A_239 {strides = array<i32>} : memref<2x128xi32, #tpu.memory_space<vmem>>, vector<1x16xi32>,
    %add3A_240 = arith.constant 240 : i32
    %add3A_241 = arith.addi %mul3A_2, %add3A_240 : i32
    %add3A_242 = vector.broadcast %add3A_241 : i32 to vector<16xi32>
    %add3A_243 = arith.addi %add3A_242, %iota3A : vector<16xi32>
    %shift_right_arithmetic3A_244 = arith.constant 2 : i32
    %shift_right_arithmetic3A_245 = vector.broadcast %shift_right_arithmetic3A_244 : i32 to vector<16xi32>
    %shift_right_arithmetic3A_246 = arith.shrsi %add3A_243, %shift_right_arithmetic3A_245 : vector<16xi32>
    %min3A_247 = arith.constant 999 : i32
    %min3A_248 = vector.broadcast %min3A_247 : i32 to vector<16xi32>
    %min3A_249 = arith.minsi %shift_right_arithmetic3A_246, %min3A_248 : vector<16xi32>
    %swap3A_250 = arith.constant 1 : i32
    %swap3A_251 = arith.index_cast %swap3A_250 : i32 to index
    %swap3A_252 = arith.constant 112 : index
    %swap3A_253 = tpu.vector_load %arg8[%swap3A_251, %swap3A_252] {strides = array<i32>} : memref<2x128xi32, #tpu.memory_space<vmem>>, vector<1x16xi32>,
    %swap3A_254 = vector.shape_cast %swap3A_253 : vector<1x16xi32> to vector<16xi32>
    %swap3A_255 = vector.shape_cast %min3A_249 : vector<16xi32> to vector<1x16xi32>
    tpu.vector_store %arg8[%swap3A_251, %swap3A_252], %swap3A_255 {strides = array<i32>} : memref<2x128xi32, #tpu.memory_space<vmem>>, vector<1x16xi32>,
    "tpu.region"() ({
      %run_scoped3A = tpu.sem_alloc : memref<!tpu.dma_semaphore, #tpu.memory_space<semaphore_mem>>
      tpu.enqueue_dma source(%arg4 : memref<4x16xf32, #tpu.memory_space<hbm>>) target(%arg12 : memref<4x16xf32, #tpu.memory_space<vmem>>) target_semaphore(%run_scoped3A : memref<!tpu.dma_semaphore, #tpu.memory_space<semaphore_mem>>)
      tpu.wait_dma2 semaphore(%run_scoped3A : memref<!tpu.dma_semaphore, #tpu.memory_space<semaphore_mem>>) src(%arg4 : memref<4x16xf32, #tpu.memory_space<hbm>>) dst(%arg12 : memref<4x16xf32, #tpu.memory_space<vmem>>)
      tpu.yield
    }) : () -> ()
    %dma_start3A = arith.constant 0 : i32
    %dma_start3A_256 = arith.constant 0 : i32
    %dma_start3A_257 = arith.constant 0 : i32
    %dma_start3A_258 = tpu.memref_slice %arg11[%dma_start3A_256, %dma_start3A_257] : memref<256x64xf32, #tpu.memory_space<vmem>> -> memref<128x64xf32, #tpu.memory_space<vmem>>
    %dma_start3A_259 = arith.constant 0 : i32
    %dma_start3A_260 = tpu.memref_slice %arg8[%dma_start3A, %dma_start3A_259] : memref<2x128xi32, #tpu.memory_space<vmem>> -> memref<1x128xi32, #tpu.memory_space<vmem>>
    %dma_start3A_261 = tpu.memref_squeeze %dma_start3A_260 : memref<1x128xi32, #tpu.memory_space<vmem>> -> memref<128xi32, #tpu.memory_space<vmem>>
    %dma_start3A_262 = arith.constant 0 : i32
    %dma_start3A_263 = arith.constant 0 : i32
    %dma_start3A_264 = tpu.memref_slice %arg3[%dma_start3A_262, %dma_start3A_263] : memref<1000x64xf32, #tpu.memory_space<hbm>> -> memref<1000x64xf32, #tpu.memory_space<hbm>>
    tpu.enqueue_indirect_dma source(%dma_start3A_264 : memref<1000x64xf32, #tpu.memory_space<hbm>>) target(%dma_start3A_258 : memref<128x64xf32, #tpu.memory_space<vmem>>) offsets(%dma_start3A_261 : memref<128xi32, #tpu.memory_space<vmem>>) semaphore(%arg13 : memref<!tpu.dma_semaphore, #tpu.memory_space<semaphore_mem>>)
    %dma_start3A_265 = arith.constant 1 : i32
    %dma_start3A_266 = arith.constant 128 : i32
    %dma_start3A_267 = arith.constant 0 : i32
    %dma_start3A_268 = tpu.memref_slice %arg11[%dma_start3A_266, %dma_start3A_267] : memref<256x64xf32, #tpu.memory_space<vmem>> -> memref<128x64xf32, #tpu.memory_space<vmem>>
    %dma_start3A_269 = arith.constant 0 : i32
    %dma_start3A_270 = tpu.memref_slice %arg8[%dma_start3A_265, %dma_start3A_269] : memref<2x128xi32, #tpu.memory_space<vmem>> -> memref<1x128xi32, #tpu.memory_space<vmem>>
    %dma_start3A_271 = tpu.memref_squeeze %dma_start3A_270 : memref<1x128xi32, #tpu.memory_space<vmem>> -> memref<128xi32, #tpu.memory_space<vmem>>
    %dma_start3A_272 = arith.constant 0 : i32
    %dma_start3A_273 = arith.constant 0 : i32
    %dma_start3A_274 = tpu.memref_slice %arg3[%dma_start3A_272, %dma_start3A_273] : memref<1000x64xf32, #tpu.memory_space<hbm>> -> memref<1000x64xf32, #tpu.memory_space<hbm>>
    tpu.enqueue_indirect_dma source(%dma_start3A_274 : memref<1000x64xf32, #tpu.memory_space<hbm>>) target(%dma_start3A_268 : memref<128x64xf32, #tpu.memory_space<vmem>>) offsets(%dma_start3A_271 : memref<128xi32, #tpu.memory_space<vmem>>) semaphore(%arg13 : memref<!tpu.dma_semaphore, #tpu.memory_space<semaphore_mem>>)
    %dma_wait3A = arith.constant 0 : i32
    %dma_wait3A_275 = arith.constant 0 : i32
    %dma_wait3A_276 = arith.constant 0 : i32
    %dma_wait3A_277 = tpu.memref_slice %arg11[%dma_wait3A_275, %dma_wait3A_276] : memref<256x64xf32, #tpu.memory_space<vmem>> -> memref<128x64xf32, #tpu.memory_space<vmem>>
    %dma_wait3A_278 = arith.constant 0 : i32
    %dma_wait3A_279 = tpu.memref_slice %arg8[%dma_wait3A, %dma_wait3A_278] : memref<2x128xi32, #tpu.memory_space<vmem>> -> memref<1x128xi32, #tpu.memory_space<vmem>>
    %dma_wait3A_280 = tpu.memref_squeeze %dma_wait3A_279 : memref<1x128xi32, #tpu.memory_space<vmem>> -> memref<128xi32, #tpu.memory_space<vmem>>
    %dma_wait3A_281 = arith.constant 0 : i32
    %dma_wait3A_282 = arith.constant 0 : i32
    %dma_wait3A_283 = tpu.memref_slice %arg3[%dma_wait3A_281, %dma_wait3A_282] : memref<1000x64xf32, #tpu.memory_space<hbm>> -> memref<1000x64xf32, #tpu.memory_space<hbm>>
    tpu.wait_indirect_dma semaphore(%arg13 : memref<!tpu.dma_semaphore, #tpu.memory_space<semaphore_mem>>) src(%dma_wait3A_283 : memref<1000x64xf32, #tpu.memory_space<hbm>>) dst(%dma_wait3A_277 : memref<128x64xf32, #tpu.memory_space<vmem>>)
    %dma_wait3A_284 = arith.constant 1 : i32
    %dma_wait3A_285 = arith.constant 128 : i32
    %dma_wait3A_286 = arith.constant 0 : i32
    %dma_wait3A_287 = tpu.memref_slice %arg11[%dma_wait3A_285, %dma_wait3A_286] : memref<256x64xf32, #tpu.memory_space<vmem>> -> memref<128x64xf32, #tpu.memory_space<vmem>>
    %dma_wait3A_288 = arith.constant 0 : i32
    %dma_wait3A_289 = tpu.memref_slice %arg8[%dma_wait3A_284, %dma_wait3A_288] : memref<2x128xi32, #tpu.memory_space<vmem>> -> memref<1x128xi32, #tpu.memory_space<vmem>>
    %dma_wait3A_290 = tpu.memref_squeeze %dma_wait3A_289 : memref<1x128xi32, #tpu.memory_space<vmem>> -> memref<128xi32, #tpu.memory_space<vmem>>
    %dma_wait3A_291 = arith.constant 0 : i32
    %dma_wait3A_292 = arith.constant 0 : i32
    %dma_wait3A_293 = tpu.memref_slice %arg3[%dma_wait3A_291, %dma_wait3A_292] : memref<1000x64xf32, #tpu.memory_space<hbm>> -> memref<1000x64xf32, #tpu.memory_space<hbm>>
    tpu.wait_indirect_dma semaphore(%arg13 : memref<!tpu.dma_semaphore, #tpu.memory_space<semaphore_mem>>) src(%dma_wait3A_293 : memref<1000x64xf32, #tpu.memory_space<hbm>>) dst(%dma_wait3A_287 : memref<128x64xf32, #tpu.memory_space<vmem>>)
    %scan3A = arith.constant 0 : i32
    %scan3A_294 = arith.constant 0 : i32
    %scan3A_295 = arith.constant 250 : i32
    %scan3A_296 = arith.addi %scan3A_294, %scan3A_295 : i32
    %scan3A_297 = arith.constant 1 : i32
    scf.for %scan3A_350 = %scan3A_294 to %scan3A_296 step %scan3A_297  : i32 {
      %get3A = arith.index_cast %scan3A_350 : i32 to index
      %get3A_351 = arith.constant 0 : index
      %get3A_352 = tpu.vector_load %arg11[%get3A, %get3A_351] {strides = array<i32>} : memref<256x64xf32, #tpu.memory_space<vmem>>, vector<1x16xf32>,
      %get3A_353 = vector.shape_cast %get3A_352 : vector<1x16xf32> to vector<16xf32>
      %swap3A_354 = arith.index_cast %scan3A_350 : i32 to index
      %swap3A_355 = arith.constant 0 : index
      %swap3A_356 = tpu.vector_load %arg10[%swap3A_354, %swap3A_355] {strides = array<i32>} : memref<250x80xf32, #tpu.memory_space<vmem>>, vector<1x16xf32>,
      %swap3A_357 = vector.shape_cast %swap3A_356 : vector<1x16xf32> to vector<16xf32>
      %swap3A_358 = vector.shape_cast %get3A_353 : vector<16xf32> to vector<1x16xf32>
      tpu.vector_store %arg10[%swap3A_354, %swap3A_355], %swap3A_358 {strides = array<i32>} : memref<250x80xf32, #tpu.memory_space<vmem>>, vector<1x16xf32>,
      %get3A_359 = arith.index_cast %scan3A_350 : i32 to index
      %get3A_360 = arith.constant 16 : index
      %get3A_361 = tpu.vector_load %arg11[%get3A_359, %get3A_360] {strides = array<i32>} : memref<256x64xf32, #tpu.memory_space<vmem>>, vector<1x16xf32>,
      %get3A_362 = vector.shape_cast %get3A_361 : vector<1x16xf32> to vector<16xf32>
      %swap3A_363 = arith.index_cast %scan3A_350 : i32 to index
      %swap3A_364 = arith.constant 16 : index
      %swap3A_365 = tpu.vector_load %arg10[%swap3A_363, %swap3A_364] {strides = array<i32>} : memref<250x80xf32, #tpu.memory_space<vmem>>, vector<1x16xf32>,
      %swap3A_366 = vector.shape_cast %swap3A_365 : vector<1x16xf32> to vector<16xf32>
      %swap3A_367 = vector.shape_cast %get3A_362 : vector<16xf32> to vector<1x16xf32>
      tpu.vector_store %arg10[%swap3A_363, %swap3A_364], %swap3A_367 {strides = array<i32>} : memref<250x80xf32, #tpu.memory_space<vmem>>, vector<1x16xf32>,
      %get3A_368 = arith.index_cast %scan3A_350 : i32 to index
      %get3A_369 = arith.constant 32 : index
      %get3A_370 = tpu.vector_load %arg11[%get3A_368, %get3A_369] {strides = array<i32>} : memref<256x64xf32, #tpu.memory_space<vmem>>, vector<1x16xf32>,
      %get3A_371 = vector.shape_cast %get3A_370 : vector<1x16xf32> to vector<16xf32>
      %swap3A_372 = arith.index_cast %scan3A_350 : i32 to index
      %swap3A_373 = arith.constant 32 : index
      %swap3A_374 = tpu.vector_load %arg10[%swap3A_372, %swap3A_373] {strides = array<i32>} : memref<250x80xf32, #tpu.memory_space<vmem>>, vector<1x16xf32>,
      %swap3A_375 = vector.shape_cast %swap3A_374 : vector<1x16xf32> to vector<16xf32>
      %swap3A_376 = vector.shape_cast %get3A_371 : vector<16xf32> to vector<1x16xf32>
      tpu.vector_store %arg10[%swap3A_372, %swap3A_373], %swap3A_376 {strides = array<i32>} : memref<250x80xf32, #tpu.memory_space<vmem>>, vector<1x16xf32>,
      %get3A_377 = arith.index_cast %scan3A_350 : i32 to index
      %get3A_378 = arith.constant 48 : index
      %get3A_379 = tpu.vector_load %arg11[%get3A_377, %get3A_378] {strides = array<i32>} : memref<256x64xf32, #tpu.memory_space<vmem>>, vector<1x16xf32>,
      %get3A_380 = vector.shape_cast %get3A_379 : vector<1x16xf32> to vector<16xf32>
      %swap3A_381 = arith.index_cast %scan3A_350 : i32 to index
      %swap3A_382 = arith.constant 48 : index
      %swap3A_383 = tpu.vector_load %arg10[%swap3A_381, %swap3A_382] {strides = array<i32>} : memref<250x80xf32, #tpu.memory_space<vmem>>, vector<1x16xf32>,
      %swap3A_384 = vector.shape_cast %swap3A_383 : vector<1x16xf32> to vector<16xf32>
      %swap3A_385 = vector.shape_cast %get3A_380 : vector<16xf32> to vector<1x16xf32>
      tpu.vector_store %arg10[%swap3A_381, %swap3A_382], %swap3A_385 {strides = array<i32>} : memref<250x80xf32, #tpu.memory_space<vmem>>, vector<1x16xf32>,
      %add3A_386 = arith.addi %mul3A_2, %scan3A_350 : i32
      %and3A = arith.constant 3 : i32
      %and3A_387 = arith.andi %add3A_386, %and3A : i32
      %get3A_388 = arith.index_cast %and3A_387 : i32 to index
      %get3A_389 = arith.constant 0 : index
      %get3A_390 = tpu.vector_load %arg12[%get3A_388, %get3A_389] {strides = array<i32>} : memref<4x16xf32, #tpu.memory_space<vmem>>, vector<1x16xf32>,
      %get3A_391 = vector.shape_cast %get3A_390 : vector<1x16xf32> to vector<16xf32>
      %swap3A_392 = arith.index_cast %scan3A_350 : i32 to index
      %swap3A_393 = arith.constant 64 : index
      %swap3A_394 = tpu.vector_load %arg10[%swap3A_392, %swap3A_393] {strides = array<i32>} : memref<250x80xf32, #tpu.memory_space<vmem>>, vector<1x16xf32>,
      %swap3A_395 = vector.shape_cast %swap3A_394 : vector<1x16xf32> to vector<16xf32>
      %swap3A_396 = vector.shape_cast %get3A_391 : vector<16xf32> to vector<1x16xf32>
      tpu.vector_store %arg10[%swap3A_392, %swap3A_393], %swap3A_396 {strides = array<i32>} : memref<250x80xf32, #tpu.memory_space<vmem>>, vector<1x16xf32>,
    }
    %scan3A_298 = arith.constant 250 : i32
    "tpu.region"() ({
      %run_scoped3A = tpu.sem_alloc : memref<!tpu.dma_semaphore, #tpu.memory_space<semaphore_mem>>
      %dma_start3A_350 = arith.constant 0 : i32
      %dma_start3A_351 = tpu.memref_slice %arg6[%mul3A_2, %dma_start3A_350] : memref<4000x80xf32, #tpu.memory_space<vmem_shared>> -> memref<250x80xf32, #tpu.memory_space<vmem_shared>>
      %dma_start3A_352 = arith.constant 0 : i32
      %dma_start3A_353 = tpu.memref_slice %arg6[%mul3A_2, %dma_start3A_352] : memref<4000x80xf32, #tpu.memory_space<vmem_shared>> -> memref<250x80xf32, #tpu.memory_space<vmem_shared>>
      tpu.enqueue_dma source(%arg10 : memref<250x80xf32, #tpu.memory_space<vmem>>) target(%dma_start3A_353 : memref<250x80xf32, #tpu.memory_space<vmem_shared>>) target_semaphore(%run_scoped3A : memref<!tpu.dma_semaphore, #tpu.memory_space<semaphore_mem>>)
      %dma_wait3A_354 = arith.constant 0 : i32
      %dma_wait3A_355 = tpu.memref_slice %arg6[%mul3A_2, %dma_wait3A_354] : memref<4000x80xf32, #tpu.memory_space<vmem_shared>> -> memref<250x80xf32, #tpu.memory_space<vmem_shared>>
      %dma_wait3A_356 = arith.constant 0 : i32
      %dma_wait3A_357 = tpu.memref_slice %arg6[%mul3A_2, %dma_wait3A_356] : memref<4000x80xf32, #tpu.memory_space<vmem_shared>> -> memref<250x80xf32, #tpu.memory_space<vmem_shared>>
      tpu.wait_dma2 semaphore(%run_scoped3A : memref<!tpu.dma_semaphore, #tpu.memory_space<semaphore_mem>>) src(%arg10 : memref<250x80xf32, #tpu.memory_space<vmem>>) dst(%dma_wait3A_357 : memref<250x80xf32, #tpu.memory_space<vmem_shared>>)
      tpu.yield
    }) : () -> ()
    %barrier3A = arith.constant 0 : index
    tpu.barrier barrier_id(%barrier3A)
    %scan3A_299 = arith.constant 0 : i32
    %scan3A_300 = arith.constant 0 : i32
    %scan3A_301 = arith.constant 32 : i32
    %scan3A_302 = arith.addi %scan3A_300, %scan3A_301 : i32
    %scan3A_303 = arith.constant 1 : i32
    scf.for %scan3A_350 = %scan3A_300 to %scan3A_302 step %scan3A_303  : i32 {
      %mul3A_351 = arith.constant 128 : i32
      %mul3A_352 = arith.muli %add3A, %mul3A_351 : i32
      %mul3A_353 = arith.constant 2 : i32
      %mul3A_354 = arith.muli %scan3A_350, %mul3A_353 : i32
      %add3A_355 = arith.constant 0 : i32
      %add3A_356 = arith.addi %mul3A_354, %add3A_355 : i32
      %mul3A_357 = arith.constant 2 : i32
      %mul3A_358 = arith.muli %add3A_356, %mul3A_357 : i32
      %add3A_359 = arith.addi %mul3A_352, %mul3A_358 : i32
      %gt3A = arith.constant 0 : i32
      %gt3A_360 = arith.cmpi sgt, %scan3A_350, %gt3A : i32
      %convert_element_type3A = arith.extui %gt3A_360 : i1 to i32
      %cond3A = arith.constant 0 : i32
      %cond3A_361 = arith.cmpi ne, %convert_element_type3A, %cond3A : i32
      scf.if %cond3A_361 {
        %sub3A_653 = arith.constant 4 : i32
        %sub3A_654 = arith.subi %add3A_359, %sub3A_653 : i32
        %dma_wait3A_655 = arith.constant 0 : i32
        %dma_wait3A_656 = arith.constant 0 : i32
        %dma_wait3A_657 = arith.constant 0 : i32
        %dma_wait3A_658 = arith.constant 0 : i32
        %dma_wait3A_659 = tpu.memref_slice %arg9[%dma_wait3A_655, %dma_wait3A_656, %dma_wait3A_657, %dma_wait3A_658] : memref<2x2x200x80xf32, #tpu.memory_space<vmem>> -> memref<1x2x200x80xf32, #tpu.memory_space<vmem>>
        %dma_wait3A_660 = tpu.memref_squeeze %dma_wait3A_659 : memref<1x2x200x80xf32, #tpu.memory_space<vmem>> -> memref<2x200x80xf32, #tpu.memory_space<vmem>>
        %dma_wait3A_661 = arith.constant 0 : i32
        %dma_wait3A_662 = arith.constant 0 : i32
        %dma_wait3A_663 = tpu.memref_slice %arg5[%sub3A_654, %dma_wait3A_661, %dma_wait3A_662] : memref<4096x200x80xf32, #tpu.memory_space<hbm>> -> memref<2x200x80xf32, #tpu.memory_space<hbm>>
        %dma_wait3A_664 = arith.constant 0 : i32
        %dma_wait3A_665 = arith.constant 0 : i32
        %dma_wait3A_666 = tpu.memref_slice %arg5[%sub3A_654, %dma_wait3A_664, %dma_wait3A_665] : memref<4096x200x80xf32, #tpu.memory_space<hbm>> -> memref<2x200x80xf32, #tpu.memory_space<hbm>>
        %dma_wait3A_667 = arith.constant 0 : i32
        %dma_wait3A_668 = arith.constant 0 : i32
        %dma_wait3A_669 = arith.constant 0 : i32
        %dma_wait3A_670 = tpu.memref_slice %arg9[%dma_wait3A_655, %dma_wait3A_667, %dma_wait3A_668, %dma_wait3A_669] : memref<2x2x200x80xf32, #tpu.memory_space<vmem>> -> memref<1x2x200x80xf32, #tpu.memory_space<vmem>>
        %dma_wait3A_671 = tpu.memref_squeeze %dma_wait3A_670 : memref<1x2x200x80xf32, #tpu.memory_space<vmem>> -> memref<2x200x80xf32, #tpu.memory_space<vmem>>
        tpu.wait_dma2 semaphore(%arg15 : memref<!tpu.dma_semaphore, #tpu.memory_space<semaphore_mem>>) src(%dma_wait3A_671 : memref<2x200x80xf32, #tpu.memory_space<vmem>>) dst(%dma_wait3A_666 : memref<2x200x80xf32, #tpu.memory_space<hbm>>)
      } else {
      }
      %run_scoped3A = arith.constant 0 : i32
      "tpu.region"() ({
        %run_scoped3A_653 = tpu.sem_alloc : memref<!tpu.dma_semaphore, #tpu.memory_space<semaphore_mem>>
        %dma_start3A_654 = arith.constant 0 : i32
        %dma_start3A_655 = arith.constant 0 : i32
        %dma_start3A_656 = tpu.memref_slice %arg7[%run_scoped3A, %dma_start3A_654, %dma_start3A_655] : memref<2x2x200xi32, #tpu.memory_space<vmem>> -> memref<1x2x200xi32, #tpu.memory_space<vmem>>
        %dma_start3A_657 = tpu.memref_squeeze %dma_start3A_656 : memref<1x2x200xi32, #tpu.memory_space<vmem>> -> memref<2x200xi32, #tpu.memory_space<vmem>>
        %dma_start3A_658 = arith.constant 0 : i32
        %dma_start3A_659 = tpu.memref_slice %arg2[%add3A_359, %dma_start3A_658] : memref<4096x200xi32, #tpu.memory_space<hbm>> -> memref<2x200xi32, #tpu.memory_space<hbm>>
        %dma_start3A_660 = arith.constant 0 : i32
        %dma_start3A_661 = arith.constant 0 : i32
        %dma_start3A_662 = tpu.memref_slice %arg7[%run_scoped3A, %dma_start3A_660, %dma_start3A_661] : memref<2x2x200xi32, #tpu.memory_space<vmem>> -> memref<1x2x200xi32, #tpu.memory_space<vmem>>
        %dma_start3A_663 = tpu.memref_squeeze %dma_start3A_662 : memref<1x2x200xi32, #tpu.memory_space<vmem>> -> memref<2x200xi32, #tpu.memory_space<vmem>>
        %dma_start3A_664 = arith.constant 0 : i32
        %dma_start3A_665 = tpu.memref_slice %arg2[%add3A_359, %dma_start3A_664] : memref<4096x200xi32, #tpu.memory_space<hbm>> -> memref<2x200xi32, #tpu.memory_space<hbm>>
        tpu.enqueue_dma source(%dma_start3A_665 : memref<2x200xi32, #tpu.memory_space<hbm>>) target(%dma_start3A_663 : memref<2x200xi32, #tpu.memory_space<vmem>>) target_semaphore(%run_scoped3A_653 : memref<!tpu.dma_semaphore, #tpu.memory_space<semaphore_mem>>)
        %dma_wait3A_666 = arith.constant 0 : i32
        %dma_wait3A_667 = arith.constant 0 : i32
        %dma_wait3A_668 = tpu.memref_slice %arg7[%run_scoped3A, %dma_wait3A_666, %dma_wait3A_667] : memref<2x2x200xi32, #tpu.memory_space<vmem>> -> memref<1x2x200xi32, #tpu.memory_space<vmem>>
        %dma_wait3A_669 = tpu.memref_squeeze %dma_wait3A_668 : memref<1x2x200xi32, #tpu.memory_space<vmem>> -> memref<2x200xi32, #tpu.memory_space<vmem>>
        %dma_wait3A_670 = arith.constant 0 : i32
        %dma_wait3A_671 = tpu.memref_slice %arg2[%add3A_359, %dma_wait3A_670] : memref<4096x200xi32, #tpu.memory_space<hbm>> -> memref<2x200xi32, #tpu.memory_space<hbm>>
        %dma_wait3A_672 = arith.constant 0 : i32
        %dma_wait3A_673 = arith.constant 0 : i32
        %dma_wait3A_674 = tpu.memref_slice %arg7[%run_scoped3A, %dma_wait3A_672, %dma_wait3A_673] : memref<2x2x200xi32, #tpu.memory_space<vmem>> -> memref<1x2x200xi32, #tpu.memory_space<vmem>>
        %dma_wait3A_675 = tpu.memref_squeeze %dma_wait3A_674 : memref<1x2x200xi32, #tpu.memory_space<vmem>> -> memref<2x200xi32, #tpu.memory_space<vmem>>
        %dma_wait3A_676 = arith.constant 0 : i32
        %dma_wait3A_677 = tpu.memref_slice %arg2[%add3A_359, %dma_wait3A_676] : memref<4096x200xi32, #tpu.memory_space<hbm>> -> memref<2x200xi32, #tpu.memory_space<hbm>>
        tpu.wait_dma2 semaphore(%run_scoped3A_653 : memref<!tpu.dma_semaphore, #tpu.memory_space<semaphore_mem>>) src(%dma_wait3A_677 : memref<2x200xi32, #tpu.memory_space<hbm>>) dst(%dma_wait3A_675 : memref<2x200xi32, #tpu.memory_space<vmem>>)
        tpu.yield
      }) : () -> ()
      %dma_start3A_362 = arith.constant 0 : i32
      %dma_start3A_363 = arith.constant 0 : i32
      %dma_start3A_364 = arith.constant 0 : i32
      %dma_start3A_365 = arith.constant 0 : i32
      %dma_start3A_366 = arith.constant 0 : i32
      %dma_start3A_367 = arith.constant 0 : i32
      %dma_start3A_368 = tpu.memref_slice %arg9[%dma_start3A_364, %dma_start3A_365, %dma_start3A_366, %dma_start3A_367] : memref<2x2x200x80xf32, #tpu.memory_space<vmem>> -> memref<1x1x104x80xf32, #tpu.memory_space<vmem>>
      %dma_start3A_369 = tpu.memref_squeeze %dma_start3A_368 : memref<1x1x104x80xf32, #tpu.memory_space<vmem>> -> memref<104x80xf32, #tpu.memory_space<vmem>>
      %dma_start3A_370 = arith.constant 0 : i32
      %dma_start3A_371 = tpu.memref_slice %arg7[%dma_start3A_362, %dma_start3A_363, %dma_start3A_370] : memref<2x2x200xi32, #tpu.memory_space<vmem>> -> memref<1x1x104xi32, #tpu.memory_space<vmem>>
      %dma_start3A_372 = tpu.memref_squeeze %dma_start3A_371 : memref<1x1x104xi32, #tpu.memory_space<vmem>> -> memref<104xi32, #tpu.memory_space<vmem>>
      %dma_start3A_373 = arith.constant 0 : i32
      %dma_start3A_374 = arith.constant 0 : i32
      %dma_start3A_375 = tpu.memref_slice %arg6[%dma_start3A_373, %dma_start3A_374] : memref<4000x80xf32, #tpu.memory_space<vmem_shared>> -> memref<4000x80xf32, #tpu.memory_space<vmem_shared>>
      tpu.enqueue_indirect_dma source(%dma_start3A_375 : memref<4000x80xf32, #tpu.memory_space<vmem_shared>>) target(%dma_start3A_369 : memref<104x80xf32, #tpu.memory_space<vmem>>) offsets(%dma_start3A_372 : memref<104xi32, #tpu.memory_space<vmem>>) semaphore(%arg13 : memref<!tpu.dma_semaphore, #tpu.memory_space<semaphore_mem>>)
      %dma_start3A_376 = arith.constant 0 : i32
      %dma_start3A_377 = arith.constant 0 : i32
      %dma_start3A_378 = arith.constant 0 : i32
      %dma_start3A_379 = arith.constant 0 : i32
      %dma_start3A_380 = arith.constant 104 : i32
      %dma_start3A_381 = arith.constant 0 : i32
      %dma_start3A_382 = tpu.memref_slice %arg9[%dma_start3A_378, %dma_start3A_379, %dma_start3A_380, %dma_start3A_381] : memref<2x2x200x80xf32, #tpu.memory_space<vmem>> -> memref<1x1x96x80xf32, #tpu.memory_space<vmem>>
      %dma_start3A_383 = tpu.memref_squeeze %dma_start3A_382 : memref<1x1x96x80xf32, #tpu.memory_space<vmem>> -> memref<96x80xf32, #tpu.memory_space<vmem>>
      %dma_start3A_384 = arith.constant 104 : i32
      %dma_start3A_385 = tpu.memref_slice %arg7[%dma_start3A_376, %dma_start3A_377, %dma_start3A_384] : memref<2x2x200xi32, #tpu.memory_space<vmem>> -> memref<1x1x96xi32, #tpu.memory_space<vmem>>
      %dma_start3A_386 = tpu.memref_squeeze %dma_start3A_385 : memref<1x1x96xi32, #tpu.memory_space<vmem>> -> memref<96xi32, #tpu.memory_space<vmem>>
      %dma_start3A_387 = arith.constant 0 : i32
      %dma_start3A_388 = arith.constant 0 : i32
      %dma_start3A_389 = tpu.memref_slice %arg6[%dma_start3A_387, %dma_start3A_388] : memref<4000x80xf32, #tpu.memory_space<vmem_shared>> -> memref<4000x80xf32, #tpu.memory_space<vmem_shared>>
      tpu.enqueue_indirect_dma source(%dma_start3A_389 : memref<4000x80xf32, #tpu.memory_space<vmem_shared>>) target(%dma_start3A_383 : memref<96x80xf32, #tpu.memory_space<vmem>>) offsets(%dma_start3A_386 : memref<96xi32, #tpu.memory_space<vmem>>) semaphore(%arg13 : memref<!tpu.dma_semaphore, #tpu.memory_space<semaphore_mem>>)
      %dma_start3A_390 = arith.constant 0 : i32
      %dma_start3A_391 = arith.constant 1 : i32
      %dma_start3A_392 = arith.constant 0 : i32
      %dma_start3A_393 = arith.constant 1 : i32
      %dma_start3A_394 = arith.constant 0 : i32
      %dma_start3A_395 = arith.constant 0 : i32
      %dma_start3A_396 = tpu.memref_slice %arg9[%dma_start3A_392, %dma_start3A_393, %dma_start3A_394, %dma_start3A_395] : memref<2x2x200x80xf32, #tpu.memory_space<vmem>> -> memref<1x1x104x80xf32, #tpu.memory_space<vmem>>
      %dma_start3A_397 = tpu.memref_squeeze %dma_start3A_396 : memref<1x1x104x80xf32, #tpu.memory_space<vmem>> -> memref<104x80xf32, #tpu.memory_space<vmem>>
      %dma_start3A_398 = arith.constant 0 : i32
      %dma_start3A_399 = tpu.memref_slice %arg7[%dma_start3A_390, %dma_start3A_391, %dma_start3A_398] : memref<2x2x200xi32, #tpu.memory_space<vmem>> -> memref<1x1x104xi32, #tpu.memory_space<vmem>>
      %dma_start3A_400 = tpu.memref_squeeze %dma_start3A_399 : memref<1x1x104xi32, #tpu.memory_space<vmem>> -> memref<104xi32, #tpu.memory_space<vmem>>
      %dma_start3A_401 = arith.constant 0 : i32
      %dma_start3A_402 = arith.constant 0 : i32
      %dma_start3A_403 = tpu.memref_slice %arg6[%dma_start3A_401, %dma_start3A_402] : memref<4000x80xf32, #tpu.memory_space<vmem_shared>> -> memref<4000x80xf32, #tpu.memory_space<vmem_shared>>
      tpu.enqueue_indirect_dma source(%dma_start3A_403 : memref<4000x80xf32, #tpu.memory_space<vmem_shared>>) target(%dma_start3A_397 : memref<104x80xf32, #tpu.memory_space<vmem>>) offsets(%dma_start3A_400 : memref<104xi32, #tpu.memory_space<vmem>>) semaphore(%arg13 : memref<!tpu.dma_semaphore, #tpu.memory_space<semaphore_mem>>)
      %dma_start3A_404 = arith.constant 0 : i32
      %dma_start3A_405 = arith.constant 1 : i32
      %dma_start3A_406 = arith.constant 0 : i32
      %dma_start3A_407 = arith.constant 1 : i32
      %dma_start3A_408 = arith.constant 104 : i32
      %dma_start3A_409 = arith.constant 0 : i32
      %dma_start3A_410 = tpu.memref_slice %arg9[%dma_start3A_406, %dma_start3A_407, %dma_start3A_408, %dma_start3A_409] : memref<2x2x200x80xf32, #tpu.memory_space<vmem>> -> memref<1x1x96x80xf32, #tpu.memory_space<vmem>>
      %dma_start3A_411 = tpu.memref_squeeze %dma_start3A_410 : memref<1x1x96x80xf32, #tpu.memory_space<vmem>> -> memref<96x80xf32, #tpu.memory_space<vmem>>
      %dma_start3A_412 = arith.constant 104 : i32
      %dma_start3A_413 = tpu.memref_slice %arg7[%dma_start3A_404, %dma_start3A_405, %dma_start3A_412] : memref<2x2x200xi32, #tpu.memory_space<vmem>> -> memref<1x1x96xi32, #tpu.memory_space<vmem>>
      %dma_start3A_414 = tpu.memref_squeeze %dma_start3A_413 : memref<1x1x96xi32, #tpu.memory_space<vmem>> -> memref<96xi32, #tpu.memory_space<vmem>>
      %dma_start3A_415 = arith.constant 0 : i32
      %dma_start3A_416 = arith.constant 0 : i32
      %dma_start3A_417 = tpu.memref_slice %arg6[%dma_start3A_415, %dma_start3A_416] : memref<4000x80xf32, #tpu.memory_space<vmem_shared>> -> memref<4000x80xf32, #tpu.memory_space<vmem_shared>>
      tpu.enqueue_indirect_dma source(%dma_start3A_417 : memref<4000x80xf32, #tpu.memory_space<vmem_shared>>) target(%dma_start3A_411 : memref<96x80xf32, #tpu.memory_space<vmem>>) offsets(%dma_start3A_414 : memref<96xi32, #tpu.memory_space<vmem>>) semaphore(%arg13 : memref<!tpu.dma_semaphore, #tpu.memory_space<semaphore_mem>>)
      %mul3A_418 = arith.constant 128 : i32
      %mul3A_419 = arith.muli %add3A, %mul3A_418 : i32
      %mul3A_420 = arith.constant 2 : i32
      %mul3A_421 = arith.muli %scan3A_350, %mul3A_420 : i32
      %add3A_422 = arith.constant 1 : i32
      %add3A_423 = arith.addi %mul3A_421, %add3A_422 : i32
      %mul3A_424 = arith.constant 2 : i32
      %mul3A_425 = arith.muli %add3A_423, %mul3A_424 : i32
      %add3A_426 = arith.addi %mul3A_419, %mul3A_425 : i32
      %gt3A_427 = arith.constant 0 : i32
      %gt3A_428 = arith.cmpi sgt, %scan3A_350, %gt3A_427 : i32
      %convert_element_type3A_429 = arith.extui %gt3A_428 : i1 to i32
      %cond3A_430 = arith.constant 0 : i32
      %cond3A_431 = arith.cmpi ne, %convert_element_type3A_429, %cond3A_430 : i32
      scf.if %cond3A_431 {
        %sub3A_653 = arith.constant 4 : i32
        %sub3A_654 = arith.subi %add3A_426, %sub3A_653 : i32
        %dma_wait3A_655 = arith.constant 1 : i32
        %dma_wait3A_656 = arith.constant 0 : i32
        %dma_wait3A_657 = arith.constant 0 : i32
        %dma_wait3A_658 = arith.constant 0 : i32
        %dma_wait3A_659 = tpu.memref_slice %arg9[%dma_wait3A_655, %dma_wait3A_656, %dma_wait3A_657, %dma_wait3A_658] : memref<2x2x200x80xf32, #tpu.memory_space<vmem>> -> memref<1x2x200x80xf32, #tpu.memory_space<vmem>>
        %dma_wait3A_660 = tpu.memref_squeeze %dma_wait3A_659 : memref<1x2x200x80xf32, #tpu.memory_space<vmem>> -> memref<2x200x80xf32, #tpu.memory_space<vmem>>
        %dma_wait3A_661 = arith.constant 0 : i32
        %dma_wait3A_662 = arith.constant 0 : i32
        %dma_wait3A_663 = tpu.memref_slice %arg5[%sub3A_654, %dma_wait3A_661, %dma_wait3A_662] : memref<4096x200x80xf32, #tpu.memory_space<hbm>> -> memref<2x200x80xf32, #tpu.memory_space<hbm>>
        %dma_wait3A_664 = arith.constant 0 : i32
        %dma_wait3A_665 = arith.constant 0 : i32
        %dma_wait3A_666 = tpu.memref_slice %arg5[%sub3A_654, %dma_wait3A_664, %dma_wait3A_665] : memref<4096x200x80xf32, #tpu.memory_space<hbm>> -> memref<2x200x80xf32, #tpu.memory_space<hbm>>
        %dma_wait3A_667 = arith.constant 0 : i32
        %dma_wait3A_668 = arith.constant 0 : i32
        %dma_wait3A_669 = arith.constant 0 : i32
        %dma_wait3A_670 = tpu.memref_slice %arg9[%dma_wait3A_655, %dma_wait3A_667, %dma_wait3A_668, %dma_wait3A_669] : memref<2x2x200x80xf32, #tpu.memory_space<vmem>> -> memref<1x2x200x80xf32, #tpu.memory_space<vmem>>
        %dma_wait3A_671 = tpu.memref_squeeze %dma_wait3A_670 : memref<1x2x200x80xf32, #tpu.memory_space<vmem>> -> memref<2x200x80xf32, #tpu.memory_space<vmem>>
        tpu.wait_dma2 semaphore(%arg16 : memref<!tpu.dma_semaphore, #tpu.memory_space<semaphore_mem>>) src(%dma_wait3A_671 : memref<2x200x80xf32, #tpu.memory_space<vmem>>) dst(%dma_wait3A_666 : memref<2x200x80xf32, #tpu.memory_space<hbm>>)
      } else {
      }
      %run_scoped3A_432 = arith.constant 1 : i32
      "tpu.region"() ({
        %run_scoped3A_653 = tpu.sem_alloc : memref<!tpu.dma_semaphore, #tpu.memory_space<semaphore_mem>>
        %dma_start3A_654 = arith.constant 0 : i32
        %dma_start3A_655 = arith.constant 0 : i32
        %dma_start3A_656 = tpu.memref_slice %arg7[%run_scoped3A_432, %dma_start3A_654, %dma_start3A_655] : memref<2x2x200xi32, #tpu.memory_space<vmem>> -> memref<1x2x200xi32, #tpu.memory_space<vmem>>
        %dma_start3A_657 = tpu.memref_squeeze %dma_start3A_656 : memref<1x2x200xi32, #tpu.memory_space<vmem>> -> memref<2x200xi32, #tpu.memory_space<vmem>>
        %dma_start3A_658 = arith.constant 0 : i32
        %dma_start3A_659 = tpu.memref_slice %arg2[%add3A_426, %dma_start3A_658] : memref<4096x200xi32, #tpu.memory_space<hbm>> -> memref<2x200xi32, #tpu.memory_space<hbm>>
        %dma_start3A_660 = arith.constant 0 : i32
        %dma_start3A_661 = arith.constant 0 : i32
        %dma_start3A_662 = tpu.memref_slice %arg7[%run_scoped3A_432, %dma_start3A_660, %dma_start3A_661] : memref<2x2x200xi32, #tpu.memory_space<vmem>> -> memref<1x2x200xi32, #tpu.memory_space<vmem>>
        %dma_start3A_663 = tpu.memref_squeeze %dma_start3A_662 : memref<1x2x200xi32, #tpu.memory_space<vmem>> -> memref<2x200xi32, #tpu.memory_space<vmem>>
        %dma_start3A_664 = arith.constant 0 : i32
        %dma_start3A_665 = tpu.memref_slice %arg2[%add3A_426, %dma_start3A_664] : memref<4096x200xi32, #tpu.memory_space<hbm>> -> memref<2x200xi32, #tpu.memory_space<hbm>>
        tpu.enqueue_dma source(%dma_start3A_665 : memref<2x200xi32, #tpu.memory_space<hbm>>) target(%dma_start3A_663 : memref<2x200xi32, #tpu.memory_space<vmem>>) target_semaphore(%run_scoped3A_653 : memref<!tpu.dma_semaphore, #tpu.memory_space<semaphore_mem>>)
        %dma_wait3A_666 = arith.constant 0 : i32
        %dma_wait3A_667 = arith.constant 0 : i32
        %dma_wait3A_668 = tpu.memref_slice %arg7[%run_scoped3A_432, %dma_wait3A_666, %dma_wait3A_667] : memref<2x2x200xi32, #tpu.memory_space<vmem>> -> memref<1x2x200xi32, #tpu.memory_space<vmem>>
        %dma_wait3A_669 = tpu.memref_squeeze %dma_wait3A_668 : memref<1x2x200xi32, #tpu.memory_space<vmem>> -> memref<2x200xi32, #tpu.memory_space<vmem>>
        %dma_wait3A_670 = arith.constant 0 : i32
        %dma_wait3A_671 = tpu.memref_slice %arg2[%add3A_426, %dma_wait3A_670] : memref<4096x200xi32, #tpu.memory_space<hbm>> -> memref<2x200xi32, #tpu.memory_space<hbm>>
        %dma_wait3A_672 = arith.constant 0 : i32
        %dma_wait3A_673 = arith.constant 0 : i32
        %dma_wait3A_674 = tpu.memref_slice %arg7[%run_scoped3A_432, %dma_wait3A_672, %dma_wait3A_673] : memref<2x2x200xi32, #tpu.memory_space<vmem>> -> memref<1x2x200xi32, #tpu.memory_space<vmem>>
        %dma_wait3A_675 = tpu.memref_squeeze %dma_wait3A_674 : memref<1x2x200xi32, #tpu.memory_space<vmem>> -> memref<2x200xi32, #tpu.memory_space<vmem>>
        %dma_wait3A_676 = arith.constant 0 : i32
        %dma_wait3A_677 = tpu.memref_slice %arg2[%add3A_426, %dma_wait3A_676] : memref<4096x200xi32, #tpu.memory_space<hbm>> -> memref<2x200xi32, #tpu.memory_space<hbm>>
        tpu.wait_dma2 semaphore(%run_scoped3A_653 : memref<!tpu.dma_semaphore, #tpu.memory_space<semaphore_mem>>) src(%dma_wait3A_677 : memref<2x200xi32, #tpu.memory_space<hbm>>) dst(%dma_wait3A_675 : memref<2x200xi32, #tpu.memory_space<vmem>>)
        tpu.yield
      }) : () -> ()
      %dma_start3A_433 = arith.constant 1 : i32
      %dma_start3A_434 = arith.constant 0 : i32
      %dma_start3A_435 = arith.constant 1 : i32
      %dma_start3A_436 = arith.constant 0 : i32
      %dma_start3A_437 = arith.constant 0 : i32
      %dma_start3A_438 = arith.constant 0 : i32
      %dma_start3A_439 = tpu.memref_slice %arg9[%dma_start3A_435, %dma_start3A_436, %dma_start3A_437, %dma_start3A_438] : memref<2x2x200x80xf32, #tpu.memory_space<vmem>> -> memref<1x1x104x80xf32, #tpu.memory_space<vmem>>
      %dma_start3A_440 = tpu.memref_squeeze %dma_start3A_439 : memref<1x1x104x80xf32, #tpu.memory_space<vmem>> -> memref<104x80xf32, #tpu.memory_space<vmem>>
      %dma_start3A_441 = arith.constant 0 : i32
      %dma_start3A_442 = tpu.memref_slice %arg7[%dma_start3A_433, %dma_start3A_434, %dma_start3A_441] : memref<2x2x200xi32, #tpu.memory_space<vmem>> -> memref<1x1x104xi32, #tpu.memory_space<vmem>>
      %dma_start3A_443 = tpu.memref_squeeze %dma_start3A_442 : memref<1x1x104xi32, #tpu.memory_space<vmem>> -> memref<104xi32, #tpu.memory_space<vmem>>
      %dma_start3A_444 = arith.constant 0 : i32
      %dma_start3A_445 = arith.constant 0 : i32
      %dma_start3A_446 = tpu.memref_slice %arg6[%dma_start3A_444, %dma_start3A_445] : memref<4000x80xf32, #tpu.memory_space<vmem_shared>> -> memref<4000x80xf32, #tpu.memory_space<vmem_shared>>
      tpu.enqueue_indirect_dma source(%dma_start3A_446 : memref<4000x80xf32, #tpu.memory_space<vmem_shared>>) target(%dma_start3A_440 : memref<104x80xf32, #tpu.memory_space<vmem>>) offsets(%dma_start3A_443 : memref<104xi32, #tpu.memory_space<vmem>>) semaphore(%arg14 : memref<!tpu.dma_semaphore, #tpu.memory_space<semaphore_mem>>)
      %dma_start3A_447 = arith.constant 1 : i32
      %dma_start3A_448 = arith.constant 0 : i32
      %dma_start3A_449 = arith.constant 1 : i32
      %dma_start3A_450 = arith.constant 0 : i32
      %dma_start3A_451 = arith.constant 104 : i32
      %dma_start3A_452 = arith.constant 0 : i32
      %dma_start3A_453 = tpu.memref_slice %arg9[%dma_start3A_449, %dma_start3A_450, %dma_start3A_451, %dma_start3A_452] : memref<2x2x200x80xf32, #tpu.memory_space<vmem>> -> memref<1x1x96x80xf32, #tpu.memory_space<vmem>>
      %dma_start3A_454 = tpu.memref_squeeze %dma_start3A_453 : memref<1x1x96x80xf32, #tpu.memory_space<vmem>> -> memref<96x80xf32, #tpu.memory_space<vmem>>
      %dma_start3A_455 = arith.constant 104 : i32
      %dma_start3A_456 = tpu.memref_slice %arg7[%dma_start3A_447, %dma_start3A_448, %dma_start3A_455] : memref<2x2x200xi32, #tpu.memory_space<vmem>> -> memref<1x1x96xi32, #tpu.memory_space<vmem>>
      %dma_start3A_457 = tpu.memref_squeeze %dma_start3A_456 : memref<1x1x96xi32, #tpu.memory_space<vmem>> -> memref<96xi32, #tpu.memory_space<vmem>>
      %dma_start3A_458 = arith.constant 0 : i32
      %dma_start3A_459 = arith.constant 0 : i32
      %dma_start3A_460 = tpu.memref_slice %arg6[%dma_start3A_458, %dma_start3A_459] : memref<4000x80xf32, #tpu.memory_space<vmem_shared>> -> memref<4000x80xf32, #tpu.memory_space<vmem_shared>>
      tpu.enqueue_indirect_dma source(%dma_start3A_460 : memref<4000x80xf32, #tpu.memory_space<vmem_shared>>) target(%dma_start3A_454 : memref<96x80xf32, #tpu.memory_space<vmem>>) offsets(%dma_start3A_457 : memref<96xi32, #tpu.memory_space<vmem>>) semaphore(%arg14 : memref<!tpu.dma_semaphore, #tpu.memory_space<semaphore_mem>>)
      %dma_start3A_461 = arith.constant 1 : i32
      %dma_start3A_462 = arith.constant 1 : i32
      %dma_start3A_463 = arith.constant 1 : i32
      %dma_start3A_464 = arith.constant 1 : i32
      %dma_start3A_465 = arith.constant 0 : i32
      %dma_start3A_466 = arith.constant 0 : i32
      %dma_start3A_467 = tpu.memref_slice %arg9[%dma_start3A_463, %dma_start3A_464, %dma_start3A_465, %dma_start3A_466] : memref<2x2x200x80xf32, #tpu.memory_space<vmem>> -> memref<1x1x104x80xf32, #tpu.memory_space<vmem>>
      %dma_start3A_468 = tpu.memref_squeeze %dma_start3A_467 : memref<1x1x104x80xf32, #tpu.memory_space<vmem>> -> memref<104x80xf32, #tpu.memory_space<vmem>>
      %dma_start3A_469 = arith.constant 0 : i32
      %dma_start3A_470 = tpu.memref_slice %arg7[%dma_start3A_461, %dma_start3A_462, %dma_start3A_469] : memref<2x2x200xi32, #tpu.memory_space<vmem>> -> memref<1x1x104xi32, #tpu.memory_space<vmem>>
      %dma_start3A_471 = tpu.memref_squeeze %dma_start3A_470 : memref<1x1x104xi32, #tpu.memory_space<vmem>> -> memref<104xi32, #tpu.memory_space<vmem>>
      %dma_start3A_472 = arith.constant 0 : i32
      %dma_start3A_473 = arith.constant 0 : i32
      %dma_start3A_474 = tpu.memref_slice %arg6[%dma_start3A_472, %dma_start3A_473] : memref<4000x80xf32, #tpu.memory_space<vmem_shared>> -> memref<4000x80xf32, #tpu.memory_space<vmem_shared>>
      tpu.enqueue_indirect_dma source(%dma_start3A_474 : memref<4000x80xf32, #tpu.memory_space<vmem_shared>>) target(%dma_start3A_468 : memref<104x80xf32, #tpu.memory_space<vmem>>) offsets(%dma_start3A_471 : memref<104xi32, #tpu.memory_space<vmem>>) semaphore(%arg14 : memref<!tpu.dma_semaphore, #tpu.memory_space<semaphore_mem>>)
      %dma_start3A_475 = arith.constant 1 : i32
      %dma_start3A_476 = arith.constant 1 : i32
      %dma_start3A_477 = arith.constant 1 : i32
      %dma_start3A_478 = arith.constant 1 : i32
      %dma_start3A_479 = arith.constant 104 : i32
      %dma_start3A_480 = arith.constant 0 : i32
      %dma_start3A_481 = tpu.memref_slice %arg9[%dma_start3A_477, %dma_start3A_478, %dma_start3A_479, %dma_start3A_480] : memref<2x2x200x80xf32, #tpu.memory_space<vmem>> -> memref<1x1x96x80xf32, #tpu.memory_space<vmem>>
      %dma_start3A_482 = tpu.memref_squeeze %dma_start3A_481 : memref<1x1x96x80xf32, #tpu.memory_space<vmem>> -> memref<96x80xf32, #tpu.memory_space<vmem>>
      %dma_start3A_483 = arith.constant 104 : i32
      %dma_start3A_484 = tpu.memref_slice %arg7[%dma_start3A_475, %dma_start3A_476, %dma_start3A_483] : memref<2x2x200xi32, #tpu.memory_space<vmem>> -> memref<1x1x96xi32, #tpu.memory_space<vmem>>
      %dma_start3A_485 = tpu.memref_squeeze %dma_start3A_484 : memref<1x1x96xi32, #tpu.memory_space<vmem>> -> memref<96xi32, #tpu.memory_space<vmem>>
      %dma_start3A_486 = arith.constant 0 : i32
      %dma_start3A_487 = arith.constant 0 : i32
      %dma_start3A_488 = tpu.memref_slice %arg6[%dma_start3A_486, %dma_start3A_487] : memref<4000x80xf32, #tpu.memory_space<vmem_shared>> -> memref<4000x80xf32, #tpu.memory_space<vmem_shared>>
      tpu.enqueue_indirect_dma source(%dma_start3A_488 : memref<4000x80xf32, #tpu.memory_space<vmem_shared>>) target(%dma_start3A_482 : memref<96x80xf32, #tpu.memory_space<vmem>>) offsets(%dma_start3A_485 : memref<96xi32, #tpu.memory_space<vmem>>) semaphore(%arg14 : memref<!tpu.dma_semaphore, #tpu.memory_space<semaphore_mem>>)
      %mul3A_489 = arith.constant 128 : i32
      %mul3A_490 = arith.muli %add3A, %mul3A_489 : i32
      %mul3A_491 = arith.constant 2 : i32
      %mul3A_492 = arith.muli %scan3A_350, %mul3A_491 : i32
      %add3A_493 = arith.constant 0 : i32
      %add3A_494 = arith.addi %mul3A_492, %add3A_493 : i32
      %mul3A_495 = arith.constant 2 : i32
      %mul3A_496 = arith.muli %add3A_494, %mul3A_495 : i32
      %add3A_497 = arith.addi %mul3A_490, %mul3A_496 : i32
      %dma_wait3A_498 = arith.constant 0 : i32
      %dma_wait3A_499 = arith.constant 0 : i32
      %dma_wait3A_500 = arith.constant 0 : i32
      %dma_wait3A_501 = arith.constant 0 : i32
      %dma_wait3A_502 = arith.constant 0 : i32
      %dma_wait3A_503 = arith.constant 0 : i32
      %dma_wait3A_504 = tpu.memref_slice %arg9[%dma_wait3A_500, %dma_wait3A_501, %dma_wait3A_502, %dma_wait3A_503] : memref<2x2x200x80xf32, #tpu.memory_space<vmem>> -> memref<1x1x104x80xf32, #tpu.memory_space<vmem>>
      %dma_wait3A_505 = tpu.memref_squeeze %dma_wait3A_504 : memref<1x1x104x80xf32, #tpu.memory_space<vmem>> -> memref<104x80xf32, #tpu.memory_space<vmem>>
      %dma_wait3A_506 = arith.constant 0 : i32
      %dma_wait3A_507 = tpu.memref_slice %arg7[%dma_wait3A_498, %dma_wait3A_499, %dma_wait3A_506] : memref<2x2x200xi32, #tpu.memory_space<vmem>> -> memref<1x1x104xi32, #tpu.memory_space<vmem>>
      %dma_wait3A_508 = tpu.memref_squeeze %dma_wait3A_507 : memref<1x1x104xi32, #tpu.memory_space<vmem>> -> memref<104xi32, #tpu.memory_space<vmem>>
      %dma_wait3A_509 = arith.constant 0 : i32
      %dma_wait3A_510 = arith.constant 0 : i32
      %dma_wait3A_511 = tpu.memref_slice %arg6[%dma_wait3A_509, %dma_wait3A_510] : memref<4000x80xf32, #tpu.memory_space<vmem_shared>> -> memref<4000x80xf32, #tpu.memory_space<vmem_shared>>
      tpu.wait_indirect_dma semaphore(%arg13 : memref<!tpu.dma_semaphore, #tpu.memory_space<semaphore_mem>>) src(%dma_wait3A_511 : memref<4000x80xf32, #tpu.memory_space<vmem_shared>>) dst(%dma_wait3A_505 : memref<104x80xf32, #tpu.memory_space<vmem>>)
      %dma_wait3A_512 = arith.constant 0 : i32
      %dma_wait3A_513 = arith.constant 0 : i32
      %dma_wait3A_514 = arith.constant 0 : i32
      %dma_wait3A_515 = arith.constant 0 : i32
      %dma_wait3A_516 = arith.constant 104 : i32
      %dma_wait3A_517 = arith.constant 0 : i32
      %dma_wait3A_518 = tpu.memref_slice %arg9[%dma_wait3A_514, %dma_wait3A_515, %dma_wait3A_516, %dma_wait3A_517] : memref<2x2x200x80xf32, #tpu.memory_space<vmem>> -> memref<1x1x96x80xf32, #tpu.memory_space<vmem>>
      %dma_wait3A_519 = tpu.memref_squeeze %dma_wait3A_518 : memref<1x1x96x80xf32, #tpu.memory_space<vmem>> -> memref<96x80xf32, #tpu.memory_space<vmem>>
      %dma_wait3A_520 = arith.constant 104 : i32
      %dma_wait3A_521 = tpu.memref_slice %arg7[%dma_wait3A_512, %dma_wait3A_513, %dma_wait3A_520] : memref<2x2x200xi32, #tpu.memory_space<vmem>> -> memref<1x1x96xi32, #tpu.memory_space<vmem>>
      %dma_wait3A_522 = tpu.memref_squeeze %dma_wait3A_521 : memref<1x1x96xi32, #tpu.memory_space<vmem>> -> memref<96xi32, #tpu.memory_space<vmem>>
      %dma_wait3A_523 = arith.constant 0 : i32
      %dma_wait3A_524 = arith.constant 0 : i32
      %dma_wait3A_525 = tpu.memref_slice %arg6[%dma_wait3A_523, %dma_wait3A_524] : memref<4000x80xf32, #tpu.memory_space<vmem_shared>> -> memref<4000x80xf32, #tpu.memory_space<vmem_shared>>
      tpu.wait_indirect_dma semaphore(%arg13 : memref<!tpu.dma_semaphore, #tpu.memory_space<semaphore_mem>>) src(%dma_wait3A_525 : memref<4000x80xf32, #tpu.memory_space<vmem_shared>>) dst(%dma_wait3A_519 : memref<96x80xf32, #tpu.memory_space<vmem>>)
      %dma_wait3A_526 = arith.constant 0 : i32
      %dma_wait3A_527 = arith.constant 1 : i32
      %dma_wait3A_528 = arith.constant 0 : i32
      %dma_wait3A_529 = arith.constant 1 : i32
      %dma_wait3A_530 = arith.constant 0 : i32
      %dma_wait3A_531 = arith.constant 0 : i32
      %dma_wait3A_532 = tpu.memref_slice %arg9[%dma_wait3A_528, %dma_wait3A_529, %dma_wait3A_530, %dma_wait3A_531] : memref<2x2x200x80xf32, #tpu.memory_space<vmem>> -> memref<1x1x104x80xf32, #tpu.memory_space<vmem>>
      %dma_wait3A_533 = tpu.memref_squeeze %dma_wait3A_532 : memref<1x1x104x80xf32, #tpu.memory_space<vmem>> -> memref<104x80xf32, #tpu.memory_space<vmem>>
      %dma_wait3A_534 = arith.constant 0 : i32
      %dma_wait3A_535 = tpu.memref_slice %arg7[%dma_wait3A_526, %dma_wait3A_527, %dma_wait3A_534] : memref<2x2x200xi32, #tpu.memory_space<vmem>> -> memref<1x1x104xi32, #tpu.memory_space<vmem>>
      %dma_wait3A_536 = tpu.memref_squeeze %dma_wait3A_535 : memref<1x1x104xi32, #tpu.memory_space<vmem>> -> memref<104xi32, #tpu.memory_space<vmem>>
      %dma_wait3A_537 = arith.constant 0 : i32
      %dma_wait3A_538 = arith.constant 0 : i32
      %dma_wait3A_539 = tpu.memref_slice %arg6[%dma_wait3A_537, %dma_wait3A_538] : memref<4000x80xf32, #tpu.memory_space<vmem_shared>> -> memref<4000x80xf32, #tpu.memory_space<vmem_shared>>
      tpu.wait_indirect_dma semaphore(%arg13 : memref<!tpu.dma_semaphore, #tpu.memory_space<semaphore_mem>>) src(%dma_wait3A_539 : memref<4000x80xf32, #tpu.memory_space<vmem_shared>>) dst(%dma_wait3A_533 : memref<104x80xf32, #tpu.memory_space<vmem>>)
      %dma_wait3A_540 = arith.constant 0 : i32
      %dma_wait3A_541 = arith.constant 1 : i32
      %dma_wait3A_542 = arith.constant 0 : i32
      %dma_wait3A_543 = arith.constant 1 : i32
      %dma_wait3A_544 = arith.constant 104 : i32
      %dma_wait3A_545 = arith.constant 0 : i32
      %dma_wait3A_546 = tpu.memref_slice %arg9[%dma_wait3A_542, %dma_wait3A_543, %dma_wait3A_544, %dma_wait3A_545] : memref<2x2x200x80xf32, #tpu.memory_space<vmem>> -> memref<1x1x96x80xf32, #tpu.memory_space<vmem>>
      %dma_wait3A_547 = tpu.memref_squeeze %dma_wait3A_546 : memref<1x1x96x80xf32, #tpu.memory_space<vmem>> -> memref<96x80xf32, #tpu.memory_space<vmem>>
      %dma_wait3A_548 = arith.constant 104 : i32
      %dma_wait3A_549 = tpu.memref_slice %arg7[%dma_wait3A_540, %dma_wait3A_541, %dma_wait3A_548] : memref<2x2x200xi32, #tpu.memory_space<vmem>> -> memref<1x1x96xi32, #tpu.memory_space<vmem>>
      %dma_wait3A_550 = tpu.memref_squeeze %dma_wait3A_549 : memref<1x1x96xi32, #tpu.memory_space<vmem>> -> memref<96xi32, #tpu.memory_space<vmem>>
      %dma_wait3A_551 = arith.constant 0 : i32
      %dma_wait3A_552 = arith.constant 0 : i32
      %dma_wait3A_553 = tpu.memref_slice %arg6[%dma_wait3A_551, %dma_wait3A_552] : memref<4000x80xf32, #tpu.memory_space<vmem_shared>> -> memref<4000x80xf32, #tpu.memory_space<vmem_shared>>
      tpu.wait_indirect_dma semaphore(%arg13 : memref<!tpu.dma_semaphore, #tpu.memory_space<semaphore_mem>>) src(%dma_wait3A_553 : memref<4000x80xf32, #tpu.memory_space<vmem_shared>>) dst(%dma_wait3A_547 : memref<96x80xf32, #tpu.memory_space<vmem>>)
      %dma_start3A_554 = arith.constant 0 : i32
      %dma_start3A_555 = arith.constant 0 : i32
      %dma_start3A_556 = arith.constant 0 : i32
      %dma_start3A_557 = arith.constant 0 : i32
      %dma_start3A_558 = tpu.memref_slice %arg9[%dma_start3A_554, %dma_start3A_555, %dma_start3A_556, %dma_start3A_557] : memref<2x2x200x80xf32, #tpu.memory_space<vmem>> -> memref<1x2x200x80xf32, #tpu.memory_space<vmem>>
      %dma_start3A_559 = tpu.memref_squeeze %dma_start3A_558 : memref<1x2x200x80xf32, #tpu.memory_space<vmem>> -> memref<2x200x80xf32, #tpu.memory_space<vmem>>
      %dma_start3A_560 = arith.constant 0 : i32
      %dma_start3A_561 = arith.constant 0 : i32
      %dma_start3A_562 = tpu.memref_slice %arg5[%add3A_497, %dma_start3A_560, %dma_start3A_561] : memref<4096x200x80xf32, #tpu.memory_space<hbm>> -> memref<2x200x80xf32, #tpu.memory_space<hbm>>
      %dma_start3A_563 = arith.constant 0 : i32
      %dma_start3A_564 = arith.constant 0 : i32
      %dma_start3A_565 = tpu.memref_slice %arg5[%add3A_497, %dma_start3A_563, %dma_start3A_564] : memref<4096x200x80xf32, #tpu.memory_space<hbm>> -> memref<2x200x80xf32, #tpu.memory_space<hbm>>
      %dma_start3A_566 = arith.constant 0 : i32
      %dma_start3A_567 = arith.constant 0 : i32
      %dma_start3A_568 = arith.constant 0 : i32
      %dma_start3A_569 = tpu.memref_slice %arg9[%dma_start3A_554, %dma_start3A_566, %dma_start3A_567, %dma_start3A_568] : memref<2x2x200x80xf32, #tpu.memory_space<vmem>> -> memref<1x2x200x80xf32, #tpu.memory_space<vmem>>
      %dma_start3A_570 = tpu.memref_squeeze %dma_start3A_569 : memref<1x2x200x80xf32, #tpu.memory_space<vmem>> -> memref<2x200x80xf32, #tpu.memory_space<vmem>>
      tpu.enqueue_dma source(%dma_start3A_570 : memref<2x200x80xf32, #tpu.memory_space<vmem>>) target(%dma_start3A_565 : memref<2x200x80xf32, #tpu.memory_space<hbm>>) target_semaphore(%arg15 : memref<!tpu.dma_semaphore, #tpu.memory_space<semaphore_mem>>)
      %mul3A_571 = arith.constant 128 : i32
      %mul3A_572 = arith.muli %add3A, %mul3A_571 : i32
      %mul3A_573 = arith.constant 2 : i32
      %mul3A_574 = arith.muli %scan3A_350, %mul3A_573 : i32
      %add3A_575 = arith.constant 1 : i32
      %add3A_576 = arith.addi %mul3A_574, %add3A_575 : i32
      %mul3A_577 = arith.constant 2 : i32
      %mul3A_578 = arith.muli %add3A_576, %mul3A_577 : i32
      %add3A_579 = arith.addi %mul3A_572, %mul3A_578 : i32
      %dma_wait3A_580 = arith.constant 1 : i32
      %dma_wait3A_581 = arith.constant 0 : i32
      %dma_wait3A_582 = arith.constant 1 : i32
      %dma_wait3A_583 = arith.constant 0 : i32
      %dma_wait3A_584 = arith.constant 0 : i32
      %dma_wait3A_585 = arith.constant 0 : i32
      %dma_wait3A_586 = tpu.memref_slice %arg9[%dma_wait3A_582, %dma_wait3A_583, %dma_wait3A_584, %dma_wait3A_585] : memref<2x2x200x80xf32, #tpu.memory_space<vmem>> -> memref<1x1x104x80xf32, #tpu.memory_space<vmem>>
      %dma_wait3A_587 = tpu.memref_squeeze %dma_wait3A_586 : memref<1x1x104x80xf32, #tpu.memory_space<vmem>> -> memref<104x80xf32, #tpu.memory_space<vmem>>
      %dma_wait3A_588 = arith.constant 0 : i32
      %dma_wait3A_589 = tpu.memref_slice %arg7[%dma_wait3A_580, %dma_wait3A_581, %dma_wait3A_588] : memref<2x2x200xi32, #tpu.memory_space<vmem>> -> memref<1x1x104xi32, #tpu.memory_space<vmem>>
      %dma_wait3A_590 = tpu.memref_squeeze %dma_wait3A_589 : memref<1x1x104xi32, #tpu.memory_space<vmem>> -> memref<104xi32, #tpu.memory_space<vmem>>
      %dma_wait3A_591 = arith.constant 0 : i32
      %dma_wait3A_592 = arith.constant 0 : i32
      %dma_wait3A_593 = tpu.memref_slice %arg6[%dma_wait3A_591, %dma_wait3A_592] : memref<4000x80xf32, #tpu.memory_space<vmem_shared>> -> memref<4000x80xf32, #tpu.memory_space<vmem_shared>>
      tpu.wait_indirect_dma semaphore(%arg14 : memref<!tpu.dma_semaphore, #tpu.memory_space<semaphore_mem>>) src(%dma_wait3A_593 : memref<4000x80xf32, #tpu.memory_space<vmem_shared>>) dst(%dma_wait3A_587 : memref<104x80xf32, #tpu.memory_space<vmem>>)
      %dma_wait3A_594 = arith.constant 1 : i32
      %dma_wait3A_595 = arith.constant 0 : i32
      %dma_wait3A_596 = arith.constant 1 : i32
      %dma_wait3A_597 = arith.constant 0 : i32
      %dma_wait3A_598 = arith.constant 104 : i32
      %dma_wait3A_599 = arith.constant 0 : i32
      %dma_wait3A_600 = tpu.memref_slice %arg9[%dma_wait3A_596, %dma_wait3A_597, %dma_wait3A_598, %dma_wait3A_599] : memref<2x2x200x80xf32, #tpu.memory_space<vmem>> -> memref<1x1x96x80xf32, #tpu.memory_space<vmem>>
      %dma_wait3A_601 = tpu.memref_squeeze %dma_wait3A_600 : memref<1x1x96x80xf32, #tpu.memory_space<vmem>> -> memref<96x80xf32, #tpu.memory_space<vmem>>
      %dma_wait3A_602 = arith.constant 104 : i32
      %dma_wait3A_603 = tpu.memref_slice %arg7[%dma_wait3A_594, %dma_wait3A_595, %dma_wait3A_602] : memref<2x2x200xi32, #tpu.memory_space<vmem>> -> memref<1x1x96xi32, #tpu.memory_space<vmem>>
      %dma_wait3A_604 = tpu.memref_squeeze %dma_wait3A_603 : memref<1x1x96xi32, #tpu.memory_space<vmem>> -> memref<96xi32, #tpu.memory_space<vmem>>
      %dma_wait3A_605 = arith.constant 0 : i32
      %dma_wait3A_606 = arith.constant 0 : i32
      %dma_wait3A_607 = tpu.memref_slice %arg6[%dma_wait3A_605, %dma_wait3A_606] : memref<4000x80xf32, #tpu.memory_space<vmem_shared>> -> memref<4000x80xf32, #tpu.memory_space<vmem_shared>>
      tpu.wait_indirect_dma semaphore(%arg14 : memref<!tpu.dma_semaphore, #tpu.memory_space<semaphore_mem>>) src(%dma_wait3A_607 : memref<4000x80xf32, #tpu.memory_space<vmem_shared>>) dst(%dma_wait3A_601 : memref<96x80xf32, #tpu.memory_space<vmem>>)
      %dma_wait3A_608 = arith.constant 1 : i32
      %dma_wait3A_609 = arith.constant 1 : i32
      %dma_wait3A_610 = arith.constant 1 : i32
      %dma_wait3A_611 = arith.constant 1 : i32
      %dma_wait3A_612 = arith.constant 0 : i32
      %dma_wait3A_613 = arith.constant 0 : i32
      %dma_wait3A_614 = tpu.memref_slice %arg9[%dma_wait3A_610, %dma_wait3A_611, %dma_wait3A_612, %dma_wait3A_613] : memref<2x2x200x80xf32, #tpu.memory_space<vmem>> -> memref<1x1x104x80xf32, #tpu.memory_space<vmem>>
      %dma_wait3A_615 = tpu.memref_squeeze %dma_wait3A_614 : memref<1x1x104x80xf32, #tpu.memory_space<vmem>> -> memref<104x80xf32, #tpu.memory_space<vmem>>
      %dma_wait3A_616 = arith.constant 0 : i32
      %dma_wait3A_617 = tpu.memref_slice %arg7[%dma_wait3A_608, %dma_wait3A_609, %dma_wait3A_616] : memref<2x2x200xi32, #tpu.memory_space<vmem>> -> memref<1x1x104xi32, #tpu.memory_space<vmem>>
      %dma_wait3A_618 = tpu.memref_squeeze %dma_wait3A_617 : memref<1x1x104xi32, #tpu.memory_space<vmem>> -> memref<104xi32, #tpu.memory_space<vmem>>
      %dma_wait3A_619 = arith.constant 0 : i32
      %dma_wait3A_620 = arith.constant 0 : i32
      %dma_wait3A_621 = tpu.memref_slice %arg6[%dma_wait3A_619, %dma_wait3A_620] : memref<4000x80xf32, #tpu.memory_space<vmem_shared>> -> memref<4000x80xf32, #tpu.memory_space<vmem_shared>>
      tpu.wait_indirect_dma semaphore(%arg14 : memref<!tpu.dma_semaphore, #tpu.memory_space<semaphore_mem>>) src(%dma_wait3A_621 : memref<4000x80xf32, #tpu.memory_space<vmem_shared>>) dst(%dma_wait3A_615 : memref<104x80xf32, #tpu.memory_space<vmem>>)
      %dma_wait3A_622 = arith.constant 1 : i32
      %dma_wait3A_623 = arith.constant 1 : i32
      %dma_wait3A_624 = arith.constant 1 : i32
      %dma_wait3A_625 = arith.constant 1 : i32
      %dma_wait3A_626 = arith.constant 104 : i32
      %dma_wait3A_627 = arith.constant 0 : i32
      %dma_wait3A_628 = tpu.memref_slice %arg9[%dma_wait3A_624, %dma_wait3A_625, %dma_wait3A_626, %dma_wait3A_627] : memref<2x2x200x80xf32, #tpu.memory_space<vmem>> -> memref<1x1x96x80xf32, #tpu.memory_space<vmem>>
      %dma_wait3A_629 = tpu.memref_squeeze %dma_wait3A_628 : memref<1x1x96x80xf32, #tpu.memory_space<vmem>> -> memref<96x80xf32, #tpu.memory_space<vmem>>
      %dma_wait3A_630 = arith.constant 104 : i32
      %dma_wait3A_631 = tpu.memref_slice %arg7[%dma_wait3A_622, %dma_wait3A_623, %dma_wait3A_630] : memref<2x2x200xi32, #tpu.memory_space<vmem>> -> memref<1x1x96xi32, #tpu.memory_space<vmem>>
      %dma_wait3A_632 = tpu.memref_squeeze %dma_wait3A_631 : memref<1x1x96xi32, #tpu.memory_space<vmem>> -> memref<96xi32, #tpu.memory_space<vmem>>
      %dma_wait3A_633 = arith.constant 0 : i32
      %dma_wait3A_634 = arith.constant 0 : i32
      %dma_wait3A_635 = tpu.memref_slice %arg6[%dma_wait3A_633, %dma_wait3A_634] : memref<4000x80xf32, #tpu.memory_space<vmem_shared>> -> memref<4000x80xf32, #tpu.memory_space<vmem_shared>>
      tpu.wait_indirect_dma semaphore(%arg14 : memref<!tpu.dma_semaphore, #tpu.memory_space<semaphore_mem>>) src(%dma_wait3A_635 : memref<4000x80xf32, #tpu.memory_space<vmem_shared>>) dst(%dma_wait3A_629 : memref<96x80xf32, #tpu.memory_space<vmem>>)
      %dma_start3A_636 = arith.constant 1 : i32
      %dma_start3A_637 = arith.constant 0 : i32
      %dma_start3A_638 = arith.constant 0 : i32
      %dma_start3A_639 = arith.constant 0 : i32
      %dma_start3A_640 = tpu.memref_slice %arg9[%dma_start3A_636, %dma_start3A_637, %dma_start3A_638, %dma_start3A_639] : memref<2x2x200x80xf32, #tpu.memory_space<vmem>> -> memref<1x2x200x80xf32, #tpu.memory_space<vmem>>
      %dma_start3A_641 = tpu.memref_squeeze %dma_start3A_640 : memref<1x2x200x80xf32, #tpu.memory_space<vmem>> -> memref<2x200x80xf32, #tpu.memory_space<vmem>>
      %dma_start3A_642 = arith.constant 0 : i32
      %dma_start3A_643 = arith.constant 0 : i32
      %dma_start3A_644 = tpu.memref_slice %arg5[%add3A_579, %dma_start3A_642, %dma_start3A_643] : memref<4096x200x80xf32, #tpu.memory_space<hbm>> -> memref<2x200x80xf32, #tpu.memory_space<hbm>>
      %dma_start3A_645 = arith.constant 0 : i32
      %dma_start3A_646 = arith.constant 0 : i32
      %dma_start3A_647 = tpu.memref_slice %arg5[%add3A_579, %dma_start3A_645, %dma_start3A_646] : memref<4096x200x80xf32, #tpu.memory_space<hbm>> -> memref<2x200x80xf32, #tpu.memory_space<hbm>>
      %dma_start3A_648 = arith.constant 0 : i32
      %dma_start3A_649 = arith.constant 0 : i32
      %dma_start3A_650 = arith.constant 0 : i32
      %dma_start3A_651 = tpu.memref_slice %arg9[%dma_start3A_636, %dma_start3A_648, %dma_start3A_649, %dma_start3A_650] : memref<2x2x200x80xf32, #tpu.memory_space<vmem>> -> memref<1x2x200x80xf32, #tpu.memory_space<vmem>>
      %dma_start3A_652 = tpu.memref_squeeze %dma_start3A_651 : memref<1x2x200x80xf32, #tpu.memory_space<vmem>> -> memref<2x200x80xf32, #tpu.memory_space<vmem>>
      tpu.enqueue_dma source(%dma_start3A_652 : memref<2x200x80xf32, #tpu.memory_space<vmem>>) target(%dma_start3A_647 : memref<2x200x80xf32, #tpu.memory_space<hbm>>) target_semaphore(%arg16 : memref<!tpu.dma_semaphore, #tpu.memory_space<semaphore_mem>>)
    }
    %scan3A_304 = arith.constant 32 : i32
    %mul3A_305 = arith.constant 128 : i32
    %mul3A_306 = arith.muli %add3A, %mul3A_305 : i32
    %add3A_307 = arith.constant 128 : i32
    %add3A_308 = arith.addi %mul3A_306, %add3A_307 : i32
    %sub3A = arith.constant 4 : i32
    %sub3A_309 = arith.subi %add3A_308, %sub3A : i32
    %dma_wait3A_310 = arith.constant 0 : i32
    %dma_wait3A_311 = arith.constant 0 : i32
    %dma_wait3A_312 = arith.constant 0 : i32
    %dma_wait3A_313 = arith.constant 0 : i32
    %dma_wait3A_314 = tpu.memref_slice %arg9[%dma_wait3A_310, %dma_wait3A_311, %dma_wait3A_312, %dma_wait3A_313] : memref<2x2x200x80xf32, #tpu.memory_space<vmem>> -> memref<1x2x200x80xf32, #tpu.memory_space<vmem>>
    %dma_wait3A_315 = tpu.memref_squeeze %dma_wait3A_314 : memref<1x2x200x80xf32, #tpu.memory_space<vmem>> -> memref<2x200x80xf32, #tpu.memory_space<vmem>>
    %dma_wait3A_316 = arith.constant 0 : i32
    %dma_wait3A_317 = arith.constant 0 : i32
    %dma_wait3A_318 = tpu.memref_slice %arg5[%sub3A_309, %dma_wait3A_316, %dma_wait3A_317] : memref<4096x200x80xf32, #tpu.memory_space<hbm>> -> memref<2x200x80xf32, #tpu.memory_space<hbm>>
    %dma_wait3A_319 = arith.constant 0 : i32
    %dma_wait3A_320 = arith.constant 0 : i32
    %dma_wait3A_321 = tpu.memref_slice %arg5[%sub3A_309, %dma_wait3A_319, %dma_wait3A_320] : memref<4096x200x80xf32, #tpu.memory_space<hbm>> -> memref<2x200x80xf32, #tpu.memory_space<hbm>>
    %dma_wait3A_322 = arith.constant 0 : i32
    %dma_wait3A_323 = arith.constant 0 : i32
    %dma_wait3A_324 = arith.constant 0 : i32
    %dma_wait3A_325 = tpu.memref_slice %arg9[%dma_wait3A_310, %dma_wait3A_322, %dma_wait3A_323, %dma_wait3A_324] : memref<2x2x200x80xf32, #tpu.memory_space<vmem>> -> memref<1x2x200x80xf32, #tpu.memory_space<vmem>>
    %dma_wait3A_326 = tpu.memref_squeeze %dma_wait3A_325 : memref<1x2x200x80xf32, #tpu.memory_space<vmem>> -> memref<2x200x80xf32, #tpu.memory_space<vmem>>
    tpu.wait_dma2 semaphore(%arg15 : memref<!tpu.dma_semaphore, #tpu.memory_space<semaphore_mem>>) src(%dma_wait3A_326 : memref<2x200x80xf32, #tpu.memory_space<vmem>>) dst(%dma_wait3A_321 : memref<2x200x80xf32, #tpu.memory_space<hbm>>)
    %mul3A_327 = arith.constant 128 : i32
    %mul3A_328 = arith.muli %add3A, %mul3A_327 : i32
    %add3A_329 = arith.constant 128 : i32
    %add3A_330 = arith.addi %mul3A_328, %add3A_329 : i32
    %sub3A_331 = arith.constant 2 : i32
    %sub3A_332 = arith.subi %add3A_330, %sub3A_331 : i32
    %dma_wait3A_333 = arith.constant 1 : i32
    %dma_wait3A_334 = arith.constant 0 : i32
    %dma_wait3A_335 = arith.constant 0 : i32
    %dma_wait3A_336 = arith.constant 0 : i32
    %dma_wait3A_337 = tpu.memref_slice %arg9[%dma_wait3A_333, %dma_wait3A_334, %dma_wait3A_335, %dma_wait3A_336] : memref<2x2x200x80xf32, #tpu.memory_space<vmem>> -> memref<1x2x200x80xf32, #tpu.memory_space<vmem>>
    %dma_wait3A_338 = tpu.memref_squeeze %dma_wait3A_337 : memref<1x2x200x80xf32, #tpu.memory_space<vmem>> -> memref<2x200x80xf32, #tpu.memory_space<vmem>>
    %dma_wait3A_339 = arith.constant 0 : i32
    %dma_wait3A_340 = arith.constant 0 : i32
    %dma_wait3A_341 = tpu.memref_slice %arg5[%sub3A_332, %dma_wait3A_339, %dma_wait3A_340] : memref<4096x200x80xf32, #tpu.memory_space<hbm>> -> memref<2x200x80xf32, #tpu.memory_space<hbm>>
    %dma_wait3A_342 = arith.constant 0 : i32
    %dma_wait3A_343 = arith.constant 0 : i32
    %dma_wait3A_344 = tpu.memref_slice %arg5[%sub3A_332, %dma_wait3A_342, %dma_wait3A_343] : memref<4096x200x80xf32, #tpu.memory_space<hbm>> -> memref<2x200x80xf32, #tpu.memory_space<hbm>>
    %dma_wait3A_345 = arith.constant 0 : i32
    %dma_wait3A_346 = arith.constant 0 : i32
    %dma_wait3A_347 = arith.constant 0 : i32
    %dma_wait3A_348 = tpu.memref_slice %arg9[%dma_wait3A_333, %dma_wait3A_345, %dma_wait3A_346, %dma_wait3A_347] : memref<2x2x200x80xf32, #tpu.memory_space<vmem>> -> memref<1x2x200x80xf32, #tpu.memory_space<vmem>>
    %dma_wait3A_349 = tpu.memref_squeeze %dma_wait3A_348 : memref<1x2x200x80xf32, #tpu.memory_space<vmem>> -> memref<2x200x80xf32, #tpu.memory_space<vmem>>
    tpu.wait_dma2 semaphore(%arg16 : memref<!tpu.dma_semaphore, #tpu.memory_space<semaphore_mem>>) src(%dma_wait3A_349 : memref<2x200x80xf32, #tpu.memory_space<vmem>>) dst(%dma_wait3A_344 : memref<2x200x80xf32, #tpu.memory_space<hbm>>)
    return
  }
}

#map = affine_map<(d0, d1) -> (0, 0)>
module attributes {stable_mosaic.version = 14 : i64} {
  func.func @ka(%arg0: i32, %arg1: i32, %arg2: memref<4096x200xi32, #tpu.memory_space<hbm>>, %arg3: memref<4096x200xi32, #tpu.memory_space<hbm>>, %arg4: memref<4096x200xi32, #tpu.memory_space<hbm>>, %arg5: memref<64x200xi32, #tpu.memory_space<vmem>>, %arg6: memref<64x200xi32, #tpu.memory_space<vmem>>, %arg7: memref<64x200xi32, #tpu.memory_space<vmem>>) attributes {dimension_semantics = [#tpu.dimension_semantics<core_parallel>, #tpu.dimension_semantics<subcore_parallel>], iteration_bounds = array<i64: 2, 16>, scalar_prefetch = 0 : i64, scratch_operands = 3 : i64, tpu.core_type = #tpu.core_type<sc_vector_subcore>, window_params = [{transform_indices = #map}, {transform_indices = #map}, {transform_indices = #map}]} {
    %mul3A = arith.constant 2 : i32
    %mul3A_0 = arith.muli %arg1, %mul3A : i32
    %add3A = arith.addi %mul3A_0, %arg0 : i32
    %mul3A_1 = arith.constant 128 : i32
    %mul3A_2 = arith.muli %add3A, %mul3A_1 : i32
    %add3A_3 = arith.constant 0 : i32
    %add3A_4 = arith.addi %mul3A_2, %add3A_3 : i32
    "tpu.region"() ({
      %run_scoped3A = tpu.sem_alloc : memref<!tpu.dma_semaphore, #tpu.memory_space<semaphore_mem>>
      %dma_start3A = arith.constant 0 : i32
      %dma_start3A_20 = tpu.memref_slice %arg2[%add3A_4, %dma_start3A] : memref<4096x200xi32, #tpu.memory_space<hbm>> -> memref<64x200xi32, #tpu.memory_space<hbm>>
      %dma_start3A_21 = arith.constant 0 : i32
      %dma_start3A_22 = tpu.memref_slice %arg2[%add3A_4, %dma_start3A_21] : memref<4096x200xi32, #tpu.memory_space<hbm>> -> memref<64x200xi32, #tpu.memory_space<hbm>>
      tpu.enqueue_dma source(%dma_start3A_22 : memref<64x200xi32, #tpu.memory_space<hbm>>) target(%arg5 : memref<64x200xi32, #tpu.memory_space<vmem>>) target_semaphore(%run_scoped3A : memref<!tpu.dma_semaphore, #tpu.memory_space<semaphore_mem>>)
      %dma_wait3A = arith.constant 0 : i32
      %dma_wait3A_23 = tpu.memref_slice %arg2[%add3A_4, %dma_wait3A] : memref<4096x200xi32, #tpu.memory_space<hbm>> -> memref<64x200xi32, #tpu.memory_space<hbm>>
      %dma_wait3A_24 = arith.constant 0 : i32
      %dma_wait3A_25 = tpu.memref_slice %arg2[%add3A_4, %dma_wait3A_24] : memref<4096x200xi32, #tpu.memory_space<hbm>> -> memref<64x200xi32, #tpu.memory_space<hbm>>
      tpu.wait_dma2 semaphore(%run_scoped3A : memref<!tpu.dma_semaphore, #tpu.memory_space<semaphore_mem>>) src(%dma_wait3A_25 : memref<64x200xi32, #tpu.memory_space<hbm>>) dst(%arg5 : memref<64x200xi32, #tpu.memory_space<vmem>>)
      tpu.yield
    }) : () -> ()
    "tpu.region"() ({
      %run_scoped3A = tpu.sem_alloc : memref<!tpu.dma_semaphore, #tpu.memory_space<semaphore_mem>>
      %dma_start3A = arith.constant 0 : i32
      %dma_start3A_20 = tpu.memref_slice %arg3[%add3A_4, %dma_start3A] : memref<4096x200xi32, #tpu.memory_space<hbm>> -> memref<64x200xi32, #tpu.memory_space<hbm>>
      %dma_start3A_21 = arith.constant 0 : i32
      %dma_start3A_22 = tpu.memref_slice %arg3[%add3A_4, %dma_start3A_21] : memref<4096x200xi32, #tpu.memory_space<hbm>> -> memref<64x200xi32, #tpu.memory_space<hbm>>
      tpu.enqueue_dma source(%dma_start3A_22 : memref<64x200xi32, #tpu.memory_space<hbm>>) target(%arg6 : memref<64x200xi32, #tpu.memory_space<vmem>>) target_semaphore(%run_scoped3A : memref<!tpu.dma_semaphore, #tpu.memory_space<semaphore_mem>>)
      %dma_wait3A = arith.constant 0 : i32
      %dma_wait3A_23 = tpu.memref_slice %arg3[%add3A_4, %dma_wait3A] : memref<4096x200xi32, #tpu.memory_space<hbm>> -> memref<64x200xi32, #tpu.memory_space<hbm>>
      %dma_wait3A_24 = arith.constant 0 : i32
      %dma_wait3A_25 = tpu.memref_slice %arg3[%add3A_4, %dma_wait3A_24] : memref<4096x200xi32, #tpu.memory_space<hbm>> -> memref<64x200xi32, #tpu.memory_space<hbm>>
      tpu.wait_dma2 semaphore(%run_scoped3A : memref<!tpu.dma_semaphore, #tpu.memory_space<semaphore_mem>>) src(%dma_wait3A_25 : memref<64x200xi32, #tpu.memory_space<hbm>>) dst(%arg6 : memref<64x200xi32, #tpu.memory_space<vmem>>)
      tpu.yield
    }) : () -> ()
    %scan3A = arith.constant 0 : i32
    %scan3A_5 = arith.constant 0 : i32
    %scan3A_6 = arith.constant 64 : i32
    %scan3A_7 = arith.addi %scan3A_5, %scan3A_6 : i32
    %scan3A_8 = arith.constant 1 : i32
    scf.for %scan3A_20 = %scan3A_5 to %scan3A_7 step %scan3A_8  : i32 {
      %get3A = arith.index_cast %scan3A_20 : i32 to index
      %get3A_21 = arith.constant 0 : index
      %get3A_22 = tpu.vector_load %arg5[%get3A, %get3A_21] {strides = array<i32>} : memref<64x200xi32, #tpu.memory_space<vmem>>, vector<1x16xi32>,
      %get3A_23 = vector.shape_cast %get3A_22 : vector<1x16xi32> to vector<16xi32>
      %get3A_24 = arith.index_cast %scan3A_20 : i32 to index
      %get3A_25 = arith.constant 0 : index
      %get3A_26 = tpu.vector_load %arg6[%get3A_24, %get3A_25] {strides = array<i32>} : memref<64x200xi32, #tpu.memory_space<vmem>>, vector<1x16xi32>,
      %get3A_27 = vector.shape_cast %get3A_26 : vector<1x16xi32> to vector<16xi32>
      %shift_left3A = arith.constant 2 : i32
      %shift_left3A_28 = vector.broadcast %shift_left3A : i32 to vector<16xi32>
      %shift_left3A_29 = arith.shli %get3A_23, %shift_left3A_28 : vector<16xi32>
      %add3A_30 = arith.addi %shift_left3A_29, %get3A_27 : vector<16xi32>
      %swap3A = arith.index_cast %scan3A_20 : i32 to index
      %swap3A_31 = arith.constant 0 : index
      %swap3A_32 = tpu.vector_load %arg7[%swap3A, %swap3A_31] {strides = array<i32>} : memref<64x200xi32, #tpu.memory_space<vmem>>, vector<1x16xi32>,
      %swap3A_33 = vector.shape_cast %swap3A_32 : vector<1x16xi32> to vector<16xi32>
      %swap3A_34 = vector.shape_cast %add3A_30 : vector<16xi32> to vector<1x16xi32>
      tpu.vector_store %arg7[%swap3A, %swap3A_31], %swap3A_34 {strides = array<i32>} : memref<64x200xi32, #tpu.memory_space<vmem>>, vector<1x16xi32>,
      %get3A_35 = arith.index_cast %scan3A_20 : i32 to index
      %get3A_36 = arith.constant 16 : index
      %get3A_37 = tpu.vector_load %arg5[%get3A_35, %get3A_36] {strides = array<i32>} : memref<64x200xi32, #tpu.memory_space<vmem>>, vector<1x16xi32>,
      %get3A_38 = vector.shape_cast %get3A_37 : vector<1x16xi32> to vector<16xi32>
      %get3A_39 = arith.index_cast %scan3A_20 : i32 to index
      %get3A_40 = arith.constant 16 : index
      %get3A_41 = tpu.vector_load %arg6[%get3A_39, %get3A_40] {strides = array<i32>} : memref<64x200xi32, #tpu.memory_space<vmem>>, vector<1x16xi32>,
      %get3A_42 = vector.shape_cast %get3A_41 : vector<1x16xi32> to vector<16xi32>
      %shift_left3A_43 = arith.constant 2 : i32
      %shift_left3A_44 = vector.broadcast %shift_left3A_43 : i32 to vector<16xi32>
      %shift_left3A_45 = arith.shli %get3A_38, %shift_left3A_44 : vector<16xi32>
      %add3A_46 = arith.addi %shift_left3A_45, %get3A_42 : vector<16xi32>
      %swap3A_47 = arith.index_cast %scan3A_20 : i32 to index
      %swap3A_48 = arith.constant 16 : index
      %swap3A_49 = tpu.vector_load %arg7[%swap3A_47, %swap3A_48] {strides = array<i32>} : memref<64x200xi32, #tpu.memory_space<vmem>>, vector<1x16xi32>,
      %swap3A_50 = vector.shape_cast %swap3A_49 : vector<1x16xi32> to vector<16xi32>
      %swap3A_51 = vector.shape_cast %add3A_46 : vector<16xi32> to vector<1x16xi32>
      tpu.vector_store %arg7[%swap3A_47, %swap3A_48], %swap3A_51 {strides = array<i32>} : memref<64x200xi32, #tpu.memory_space<vmem>>, vector<1x16xi32>,
      %get3A_52 = arith.index_cast %scan3A_20 : i32 to index
      %get3A_53 = arith.constant 32 : index
      %get3A_54 = tpu.vector_load %arg5[%get3A_52, %get3A_53] {strides = array<i32>} : memref<64x200xi32, #tpu.memory_space<vmem>>, vector<1x16xi32>,
      %get3A_55 = vector.shape_cast %get3A_54 : vector<1x16xi32> to vector<16xi32>
      %get3A_56 = arith.index_cast %scan3A_20 : i32 to index
      %get3A_57 = arith.constant 32 : index
      %get3A_58 = tpu.vector_load %arg6[%get3A_56, %get3A_57] {strides = array<i32>} : memref<64x200xi32, #tpu.memory_space<vmem>>, vector<1x16xi32>,
      %get3A_59 = vector.shape_cast %get3A_58 : vector<1x16xi32> to vector<16xi32>
      %shift_left3A_60 = arith.constant 2 : i32
      %shift_left3A_61 = vector.broadcast %shift_left3A_60 : i32 to vector<16xi32>
      %shift_left3A_62 = arith.shli %get3A_55, %shift_left3A_61 : vector<16xi32>
      %add3A_63 = arith.addi %shift_left3A_62, %get3A_59 : vector<16xi32>
      %swap3A_64 = arith.index_cast %scan3A_20 : i32 to index
      %swap3A_65 = arith.constant 32 : index
      %swap3A_66 = tpu.vector_load %arg7[%swap3A_64, %swap3A_65] {strides = array<i32>} : memref<64x200xi32, #tpu.memory_space<vmem>>, vector<1x16xi32>,
      %swap3A_67 = vector.shape_cast %swap3A_66 : vector<1x16xi32> to vector<16xi32>
      %swap3A_68 = vector.shape_cast %add3A_63 : vector<16xi32> to vector<1x16xi32>
      tpu.vector_store %arg7[%swap3A_64, %swap3A_65], %swap3A_68 {strides = array<i32>} : memref<64x200xi32, #tpu.memory_space<vmem>>, vector<1x16xi32>,
      %get3A_69 = arith.index_cast %scan3A_20 : i32 to index
      %get3A_70 = arith.constant 48 : index
      %get3A_71 = tpu.vector_load %arg5[%get3A_69, %get3A_70] {strides = array<i32>} : memref<64x200xi32, #tpu.memory_space<vmem>>, vector<1x16xi32>,
      %get3A_72 = vector.shape_cast %get3A_71 : vector<1x16xi32> to vector<16xi32>
      %get3A_73 = arith.index_cast %scan3A_20 : i32 to index
      %get3A_74 = arith.constant 48 : index
      %get3A_75 = tpu.vector_load %arg6[%get3A_73, %get3A_74] {strides = array<i32>} : memref<64x200xi32, #tpu.memory_space<vmem>>, vector<1x16xi32>,
      %get3A_76 = vector.shape_cast %get3A_75 : vector<1x16xi32> to vector<16xi32>
      %shift_left3A_77 = arith.constant 2 : i32
      %shift_left3A_78 = vector.broadcast %shift_left3A_77 : i32 to vector<16xi32>
      %shift_left3A_79 = arith.shli %get3A_72, %shift_left3A_78 : vector<16xi32>
      %add3A_80 = arith.addi %shift_left3A_79, %get3A_76 : vector<16xi32>
      %swap3A_81 = arith.index_cast %scan3A_20 : i32 to index
      %swap3A_82 = arith.constant 48 : index
      %swap3A_83 = tpu.vector_load %arg7[%swap3A_81, %swap3A_82] {strides = array<i32>} : memref<64x200xi32, #tpu.memory_space<vmem>>, vector<1x16xi32>,
      %swap3A_84 = vector.shape_cast %swap3A_83 : vector<1x16xi32> to vector<16xi32>
      %swap3A_85 = vector.shape_cast %add3A_80 : vector<16xi32> to vector<1x16xi32>
      tpu.vector_store %arg7[%swap3A_81, %swap3A_82], %swap3A_85 {strides = array<i32>} : memref<64x200xi32, #tpu.memory_space<vmem>>, vector<1x16xi32>,
      %get3A_86 = arith.index_cast %scan3A_20 : i32 to index
      %get3A_87 = arith.constant 64 : index
      %get3A_88 = tpu.vector_load %arg5[%get3A_86, %get3A_87] {strides = array<i32>} : memref<64x200xi32, #tpu.memory_space<vmem>>, vector<1x16xi32>,
      %get3A_89 = vector.shape_cast %get3A_88 : vector<1x16xi32> to vector<16xi32>
      %get3A_90 = arith.index_cast %scan3A_20 : i32 to index
      %get3A_91 = arith.constant 64 : index
      %get3A_92 = tpu.vector_load %arg6[%get3A_90, %get3A_91] {strides = array<i32>} : memref<64x200xi32, #tpu.memory_space<vmem>>, vector<1x16xi32>,
      %get3A_93 = vector.shape_cast %get3A_92 : vector<1x16xi32> to vector<16xi32>
      %shift_left3A_94 = arith.constant 2 : i32
      %shift_left3A_95 = vector.broadcast %shift_left3A_94 : i32 to vector<16xi32>
      %shift_left3A_96 = arith.shli %get3A_89, %shift_left3A_95 : vector<16xi32>
      %add3A_97 = arith.addi %shift_left3A_96, %get3A_93 : vector<16xi32>
      %swap3A_98 = arith.index_cast %scan3A_20 : i32 to index
      %swap3A_99 = arith.constant 64 : index
      %swap3A_100 = tpu.vector_load %arg7[%swap3A_98, %swap3A_99] {strides = array<i32>} : memref<64x200xi32, #tpu.memory_space<vmem>>, vector<1x16xi32>,
      %swap3A_101 = vector.shape_cast %swap3A_100 : vector<1x16xi32> to vector<16xi32>
      %swap3A_102 = vector.shape_cast %add3A_97 : vector<16xi32> to vector<1x16xi32>
      tpu.vector_store %arg7[%swap3A_98, %swap3A_99], %swap3A_102 {strides = array<i32>} : memref<64x200xi32, #tpu.memory_space<vmem>>, vector<1x16xi32>,
      %get3A_103 = arith.index_cast %scan3A_20 : i32 to index
      %get3A_104 = arith.constant 80 : index
      %get3A_105 = tpu.vector_load %arg5[%get3A_103, %get3A_104] {strides = array<i32>} : memref<64x200xi32, #tpu.memory_space<vmem>>, vector<1x16xi32>,
      %get3A_106 = vector.shape_cast %get3A_105 : vector<1x16xi32> to vector<16xi32>
      %get3A_107 = arith.index_cast %scan3A_20 : i32 to index
      %get3A_108 = arith.constant 80 : index
      %get3A_109 = tpu.vector_load %arg6[%get3A_107, %get3A_108] {strides = array<i32>} : memref<64x200xi32, #tpu.memory_space<vmem>>, vector<1x16xi32>,
      %get3A_110 = vector.shape_cast %get3A_109 : vector<1x16xi32> to vector<16xi32>
      %shift_left3A_111 = arith.constant 2 : i32
      %shift_left3A_112 = vector.broadcast %shift_left3A_111 : i32 to vector<16xi32>
      %shift_left3A_113 = arith.shli %get3A_106, %shift_left3A_112 : vector<16xi32>
      %add3A_114 = arith.addi %shift_left3A_113, %get3A_110 : vector<16xi32>
      %swap3A_115 = arith.index_cast %scan3A_20 : i32 to index
      %swap3A_116 = arith.constant 80 : index
      %swap3A_117 = tpu.vector_load %arg7[%swap3A_115, %swap3A_116] {strides = array<i32>} : memref<64x200xi32, #tpu.memory_space<vmem>>, vector<1x16xi32>,
      %swap3A_118 = vector.shape_cast %swap3A_117 : vector<1x16xi32> to vector<16xi32>
      %swap3A_119 = vector.shape_cast %add3A_114 : vector<16xi32> to vector<1x16xi32>
      tpu.vector_store %arg7[%swap3A_115, %swap3A_116], %swap3A_119 {strides = array<i32>} : memref<64x200xi32, #tpu.memory_space<vmem>>, vector<1x16xi32>,
      %get3A_120 = arith.index_cast %scan3A_20 : i32 to index
      %get3A_121 = arith.constant 96 : index
      %get3A_122 = tpu.vector_load %arg5[%get3A_120, %get3A_121] {strides = array<i32>} : memref<64x200xi32, #tpu.memory_space<vmem>>, vector<1x16xi32>,
      %get3A_123 = vector.shape_cast %get3A_122 : vector<1x16xi32> to vector<16xi32>
      %get3A_124 = arith.index_cast %scan3A_20 : i32 to index
      %get3A_125 = arith.constant 96 : index
      %get3A_126 = tpu.vector_load %arg6[%get3A_124, %get3A_125] {strides = array<i32>} : memref<64x200xi32, #tpu.memory_space<vmem>>, vector<1x16xi32>,
      %get3A_127 = vector.shape_cast %get3A_126 : vector<1x16xi32> to vector<16xi32>
      %shift_left3A_128 = arith.constant 2 : i32
      %shift_left3A_129 = vector.broadcast %shift_left3A_128 : i32 to vector<16xi32>
      %shift_left3A_130 = arith.shli %get3A_123, %shift_left3A_129 : vector<16xi32>
      %add3A_131 = arith.addi %shift_left3A_130, %get3A_127 : vector<16xi32>
      %swap3A_132 = arith.index_cast %scan3A_20 : i32 to index
      %swap3A_133 = arith.constant 96 : index
      %swap3A_134 = tpu.vector_load %arg7[%swap3A_132, %swap3A_133] {strides = array<i32>} : memref<64x200xi32, #tpu.memory_space<vmem>>, vector<1x16xi32>,
      %swap3A_135 = vector.shape_cast %swap3A_134 : vector<1x16xi32> to vector<16xi32>
      %swap3A_136 = vector.shape_cast %add3A_131 : vector<16xi32> to vector<1x16xi32>
      tpu.vector_store %arg7[%swap3A_132, %swap3A_133], %swap3A_136 {strides = array<i32>} : memref<64x200xi32, #tpu.memory_space<vmem>>, vector<1x16xi32>,
      %get3A_137 = arith.index_cast %scan3A_20 : i32 to index
      %get3A_138 = arith.constant 112 : index
      %get3A_139 = tpu.vector_load %arg5[%get3A_137, %get3A_138] {strides = array<i32>} : memref<64x200xi32, #tpu.memory_space<vmem>>, vector<1x16xi32>,
      %get3A_140 = vector.shape_cast %get3A_139 : vector<1x16xi32> to vector<16xi32>
      %get3A_141 = arith.index_cast %scan3A_20 : i32 to index
      %get3A_142 = arith.constant 112 : index
      %get3A_143 = tpu.vector_load %arg6[%get3A_141, %get3A_142] {strides = array<i32>} : memref<64x200xi32, #tpu.memory_space<vmem>>, vector<1x16xi32>,
      %get3A_144 = vector.shape_cast %get3A_143 : vector<1x16xi32> to vector<16xi32>
      %shift_left3A_145 = arith.constant 2 : i32
      %shift_left3A_146 = vector.broadcast %shift_left3A_145 : i32 to vector<16xi32>
      %shift_left3A_147 = arith.shli %get3A_140, %shift_left3A_146 : vector<16xi32>
      %add3A_148 = arith.addi %shift_left3A_147, %get3A_144 : vector<16xi32>
      %swap3A_149 = arith.index_cast %scan3A_20 : i32 to index
      %swap3A_150 = arith.constant 112 : index
      %swap3A_151 = tpu.vector_load %arg7[%swap3A_149, %swap3A_150] {strides = array<i32>} : memref<64x200xi32, #tpu.memory_space<vmem>>, vector<1x16xi32>,
      %swap3A_152 = vector.shape_cast %swap3A_151 : vector<1x16xi32> to vector<16xi32>
      %swap3A_153 = vector.shape_cast %add3A_148 : vector<16xi32> to vector<1x16xi32>
      tpu.vector_store %arg7[%swap3A_149, %swap3A_150], %swap3A_153 {strides = array<i32>} : memref<64x200xi32, #tpu.memory_space<vmem>>, vector<1x16xi32>,
      %get3A_154 = arith.index_cast %scan3A_20 : i32 to index
      %get3A_155 = arith.constant 128 : index
      %get3A_156 = tpu.vector_load %arg5[%get3A_154, %get3A_155] {strides = array<i32>} : memref<64x200xi32, #tpu.memory_space<vmem>>, vector<1x16xi32>,
      %get3A_157 = vector.shape_cast %get3A_156 : vector<1x16xi32> to vector<16xi32>
      %get3A_158 = arith.index_cast %scan3A_20 : i32 to index
      %get3A_159 = arith.constant 128 : index
      %get3A_160 = tpu.vector_load %arg6[%get3A_158, %get3A_159] {strides = array<i32>} : memref<64x200xi32, #tpu.memory_space<vmem>>, vector<1x16xi32>,
      %get3A_161 = vector.shape_cast %get3A_160 : vector<1x16xi32> to vector<16xi32>
      %shift_left3A_162 = arith.constant 2 : i32
      %shift_left3A_163 = vector.broadcast %shift_left3A_162 : i32 to vector<16xi32>
      %shift_left3A_164 = arith.shli %get3A_157, %shift_left3A_163 : vector<16xi32>
      %add3A_165 = arith.addi %shift_left3A_164, %get3A_161 : vector<16xi32>
      %swap3A_166 = arith.index_cast %scan3A_20 : i32 to index
      %swap3A_167 = arith.constant 128 : index
      %swap3A_168 = tpu.vector_load %arg7[%swap3A_166, %swap3A_167] {strides = array<i32>} : memref<64x200xi32, #tpu.memory_space<vmem>>, vector<1x16xi32>,
      %swap3A_169 = vector.shape_cast %swap3A_168 : vector<1x16xi32> to vector<16xi32>
      %swap3A_170 = vector.shape_cast %add3A_165 : vector<16xi32> to vector<1x16xi32>
      tpu.vector_store %arg7[%swap3A_166, %swap3A_167], %swap3A_170 {strides = array<i32>} : memref<64x200xi32, #tpu.memory_space<vmem>>, vector<1x16xi32>,
      %get3A_171 = arith.index_cast %scan3A_20 : i32 to index
      %get3A_172 = arith.constant 144 : index
      %get3A_173 = tpu.vector_load %arg5[%get3A_171, %get3A_172] {strides = array<i32>} : memref<64x200xi32, #tpu.memory_space<vmem>>, vector<1x16xi32>,
      %get3A_174 = vector.shape_cast %get3A_173 : vector<1x16xi32> to vector<16xi32>
      %get3A_175 = arith.index_cast %scan3A_20 : i32 to index
      %get3A_176 = arith.constant 144 : index
      %get3A_177 = tpu.vector_load %arg6[%get3A_175, %get3A_176] {strides = array<i32>} : memref<64x200xi32, #tpu.memory_space<vmem>>, vector<1x16xi32>,
      %get3A_178 = vector.shape_cast %get3A_177 : vector<1x16xi32> to vector<16xi32>
      %shift_left3A_179 = arith.constant 2 : i32
      %shift_left3A_180 = vector.broadcast %shift_left3A_179 : i32 to vector<16xi32>
      %shift_left3A_181 = arith.shli %get3A_174, %shift_left3A_180 : vector<16xi32>
      %add3A_182 = arith.addi %shift_left3A_181, %get3A_178 : vector<16xi32>
      %swap3A_183 = arith.index_cast %scan3A_20 : i32 to index
      %swap3A_184 = arith.constant 144 : index
      %swap3A_185 = tpu.vector_load %arg7[%swap3A_183, %swap3A_184] {strides = array<i32>} : memref<64x200xi32, #tpu.memory_space<vmem>>, vector<1x16xi32>,
      %swap3A_186 = vector.shape_cast %swap3A_185 : vector<1x16xi32> to vector<16xi32>
      %swap3A_187 = vector.shape_cast %add3A_182 : vector<16xi32> to vector<1x16xi32>
      tpu.vector_store %arg7[%swap3A_183, %swap3A_184], %swap3A_187 {strides = array<i32>} : memref<64x200xi32, #tpu.memory_space<vmem>>, vector<1x16xi32>,
      %get3A_188 = arith.index_cast %scan3A_20 : i32 to index
      %get3A_189 = arith.constant 160 : index
      %get3A_190 = tpu.vector_load %arg5[%get3A_188, %get3A_189] {strides = array<i32>} : memref<64x200xi32, #tpu.memory_space<vmem>>, vector<1x16xi32>,
      %get3A_191 = vector.shape_cast %get3A_190 : vector<1x16xi32> to vector<16xi32>
      %get3A_192 = arith.index_cast %scan3A_20 : i32 to index
      %get3A_193 = arith.constant 160 : index
      %get3A_194 = tpu.vector_load %arg6[%get3A_192, %get3A_193] {strides = array<i32>} : memref<64x200xi32, #tpu.memory_space<vmem>>, vector<1x16xi32>,
      %get3A_195 = vector.shape_cast %get3A_194 : vector<1x16xi32> to vector<16xi32>
      %shift_left3A_196 = arith.constant 2 : i32
      %shift_left3A_197 = vector.broadcast %shift_left3A_196 : i32 to vector<16xi32>
      %shift_left3A_198 = arith.shli %get3A_191, %shift_left3A_197 : vector<16xi32>
      %add3A_199 = arith.addi %shift_left3A_198, %get3A_195 : vector<16xi32>
      %swap3A_200 = arith.index_cast %scan3A_20 : i32 to index
      %swap3A_201 = arith.constant 160 : index
      %swap3A_202 = tpu.vector_load %arg7[%swap3A_200, %swap3A_201] {strides = array<i32>} : memref<64x200xi32, #tpu.memory_space<vmem>>, vector<1x16xi32>,
      %swap3A_203 = vector.shape_cast %swap3A_202 : vector<1x16xi32> to vector<16xi32>
      %swap3A_204 = vector.shape_cast %add3A_199 : vector<16xi32> to vector<1x16xi32>
      tpu.vector_store %arg7[%swap3A_200, %swap3A_201], %swap3A_204 {strides = array<i32>} : memref<64x200xi32, #tpu.memory_space<vmem>>, vector<1x16xi32>,
      %get3A_205 = arith.index_cast %scan3A_20 : i32 to index
      %get3A_206 = arith.constant 176 : index
      %get3A_207 = tpu.vector_load %arg5[%get3A_205, %get3A_206] {strides = array<i32>} : memref<64x200xi32, #tpu.memory_space<vmem>>, vector<1x16xi32>,
      %get3A_208 = vector.shape_cast %get3A_207 : vector<1x16xi32> to vector<16xi32>
      %get3A_209 = arith.index_cast %scan3A_20 : i32 to index
      %get3A_210 = arith.constant 176 : index
      %get3A_211 = tpu.vector_load %arg6[%get3A_209, %get3A_210] {strides = array<i32>} : memref<64x200xi32, #tpu.memory_space<vmem>>, vector<1x16xi32>,
      %get3A_212 = vector.shape_cast %get3A_211 : vector<1x16xi32> to vector<16xi32>
      %shift_left3A_213 = arith.constant 2 : i32
      %shift_left3A_214 = vector.broadcast %shift_left3A_213 : i32 to vector<16xi32>
      %shift_left3A_215 = arith.shli %get3A_208, %shift_left3A_214 : vector<16xi32>
      %add3A_216 = arith.addi %shift_left3A_215, %get3A_212 : vector<16xi32>
      %swap3A_217 = arith.index_cast %scan3A_20 : i32 to index
      %swap3A_218 = arith.constant 176 : index
      %swap3A_219 = tpu.vector_load %arg7[%swap3A_217, %swap3A_218] {strides = array<i32>} : memref<64x200xi32, #tpu.memory_space<vmem>>, vector<1x16xi32>,
      %swap3A_220 = vector.shape_cast %swap3A_219 : vector<1x16xi32> to vector<16xi32>
      %swap3A_221 = vector.shape_cast %add3A_216 : vector<16xi32> to vector<1x16xi32>
      tpu.vector_store %arg7[%swap3A_217, %swap3A_218], %swap3A_221 {strides = array<i32>} : memref<64x200xi32, #tpu.memory_space<vmem>>, vector<1x16xi32>,
      %get3A_222 = arith.index_cast %scan3A_20 : i32 to index
      %get3A_223 = arith.constant 184 : index
      %get3A_224 = tpu.vector_load %arg5[%get3A_222, %get3A_223] {strides = array<i32>} : memref<64x200xi32, #tpu.memory_space<vmem>>, vector<1x16xi32>,
      %get3A_225 = vector.shape_cast %get3A_224 : vector<1x16xi32> to vector<16xi32>
      %get3A_226 = arith.index_cast %scan3A_20 : i32 to index
      %get3A_227 = arith.constant 184 : index
      %get3A_228 = tpu.vector_load %arg6[%get3A_226, %get3A_227] {strides = array<i32>} : memref<64x200xi32, #tpu.memory_space<vmem>>, vector<1x16xi32>,
      %get3A_229 = vector.shape_cast %get3A_228 : vector<1x16xi32> to vector<16xi32>
      %shift_left3A_230 = arith.constant 2 : i32
      %shift_left3A_231 = vector.broadcast %shift_left3A_230 : i32 to vector<16xi32>
      %shift_left3A_232 = arith.shli %get3A_225, %shift_left3A_231 : vector<16xi32>
      %add3A_233 = arith.addi %shift_left3A_232, %get3A_229 : vector<16xi32>
      %swap3A_234 = arith.index_cast %scan3A_20 : i32 to index
      %swap3A_235 = arith.constant 184 : index
      %swap3A_236 = tpu.vector_load %arg7[%swap3A_234, %swap3A_235] {strides = array<i32>} : memref<64x200xi32, #tpu.memory_space<vmem>>, vector<1x16xi32>,
      %swap3A_237 = vector.shape_cast %swap3A_236 : vector<1x16xi32> to vector<16xi32>
      %swap3A_238 = vector.shape_cast %add3A_233 : vector<16xi32> to vector<1x16xi32>
      tpu.vector_store %arg7[%swap3A_234, %swap3A_235], %swap3A_238 {strides = array<i32>} : memref<64x200xi32, #tpu.memory_space<vmem>>, vector<1x16xi32>,
    }
    %scan3A_9 = arith.constant 64 : i32
    "tpu.region"() ({
      %run_scoped3A = tpu.sem_alloc : memref<!tpu.dma_semaphore, #tpu.memory_space<semaphore_mem>>
      %dma_start3A = arith.constant 0 : i32
      %dma_start3A_20 = tpu.memref_slice %arg4[%add3A_4, %dma_start3A] : memref<4096x200xi32, #tpu.memory_space<hbm>> -> memref<64x200xi32, #tpu.memory_space<hbm>>
      %dma_start3A_21 = arith.constant 0 : i32
      %dma_start3A_22 = tpu.memref_slice %arg4[%add3A_4, %dma_start3A_21] : memref<4096x200xi32, #tpu.memory_space<hbm>> -> memref<64x200xi32, #tpu.memory_space<hbm>>
      tpu.enqueue_dma source(%arg7 : memref<64x200xi32, #tpu.memory_space<vmem>>) target(%dma_start3A_22 : memref<64x200xi32, #tpu.memory_space<hbm>>) target_semaphore(%run_scoped3A : memref<!tpu.dma_semaphore, #tpu.memory_space<semaphore_mem>>)
      %dma_wait3A = arith.constant 0 : i32
      %dma_wait3A_23 = tpu.memref_slice %arg4[%add3A_4, %dma_wait3A] : memref<4096x200xi32, #tpu.memory_space<hbm>> -> memref<64x200xi32, #tpu.memory_space<hbm>>
      %dma_wait3A_24 = arith.constant 0 : i32
      %dma_wait3A_25 = tpu.memref_slice %arg4[%add3A_4, %dma_wait3A_24] : memref<4096x200xi32, #tpu.memory_space<hbm>> -> memref<64x200xi32, #tpu.memory_space<hbm>>
      tpu.wait_dma2 semaphore(%run_scoped3A : memref<!tpu.dma_semaphore, #tpu.memory_space<semaphore_mem>>) src(%arg7 : memref<64x200xi32, #tpu.memory_space<vmem>>) dst(%dma_wait3A_25 : memref<64x200xi32, #tpu.memory_space<hbm>>)
      tpu.yield
    }) : () -> ()
    %mul3A_10 = arith.constant 128 : i32
    %mul3A_11 = arith.muli %add3A, %mul3A_10 : i32
    %add3A_12 = arith.constant 64 : i32
    %add3A_13 = arith.addi %mul3A_11, %add3A_12 : i32
    "tpu.region"() ({
      %run_scoped3A = tpu.sem_alloc : memref<!tpu.dma_semaphore, #tpu.memory_space<semaphore_mem>>
      %dma_start3A = arith.constant 0 : i32
      %dma_start3A_20 = tpu.memref_slice %arg2[%add3A_13, %dma_start3A] : memref<4096x200xi32, #tpu.memory_space<hbm>> -> memref<64x200xi32, #tpu.memory_space<hbm>>
      %dma_start3A_21 = arith.constant 0 : i32
      %dma_start3A_22 = tpu.memref_slice %arg2[%add3A_13, %dma_start3A_21] : memref<4096x200xi32, #tpu.memory_space<hbm>> -> memref<64x200xi32, #tpu.memory_space<hbm>>
      tpu.enqueue_dma source(%dma_start3A_22 : memref<64x200xi32, #tpu.memory_space<hbm>>) target(%arg5 : memref<64x200xi32, #tpu.memory_space<vmem>>) target_semaphore(%run_scoped3A : memref<!tpu.dma_semaphore, #tpu.memory_space<semaphore_mem>>)
      %dma_wait3A = arith.constant 0 : i32
      %dma_wait3A_23 = tpu.memref_slice %arg2[%add3A_13, %dma_wait3A] : memref<4096x200xi32, #tpu.memory_space<hbm>> -> memref<64x200xi32, #tpu.memory_space<hbm>>
      %dma_wait3A_24 = arith.constant 0 : i32
      %dma_wait3A_25 = tpu.memref_slice %arg2[%add3A_13, %dma_wait3A_24] : memref<4096x200xi32, #tpu.memory_space<hbm>> -> memref<64x200xi32, #tpu.memory_space<hbm>>
      tpu.wait_dma2 semaphore(%run_scoped3A : memref<!tpu.dma_semaphore, #tpu.memory_space<semaphore_mem>>) src(%dma_wait3A_25 : memref<64x200xi32, #tpu.memory_space<hbm>>) dst(%arg5 : memref<64x200xi32, #tpu.memory_space<vmem>>)
      tpu.yield
    }) : () -> ()
    "tpu.region"() ({
      %run_scoped3A = tpu.sem_alloc : memref<!tpu.dma_semaphore, #tpu.memory_space<semaphore_mem>>
      %dma_start3A = arith.constant 0 : i32
      %dma_start3A_20 = tpu.memref_slice %arg3[%add3A_13, %dma_start3A] : memref<4096x200xi32, #tpu.memory_space<hbm>> -> memref<64x200xi32, #tpu.memory_space<hbm>>
      %dma_start3A_21 = arith.constant 0 : i32
      %dma_start3A_22 = tpu.memref_slice %arg3[%add3A_13, %dma_start3A_21] : memref<4096x200xi32, #tpu.memory_space<hbm>> -> memref<64x200xi32, #tpu.memory_space<hbm>>
      tpu.enqueue_dma source(%dma_start3A_22 : memref<64x200xi32, #tpu.memory_space<hbm>>) target(%arg6 : memref<64x200xi32, #tpu.memory_space<vmem>>) target_semaphore(%run_scoped3A : memref<!tpu.dma_semaphore, #tpu.memory_space<semaphore_mem>>)
      %dma_wait3A = arith.constant 0 : i32
      %dma_wait3A_23 = tpu.memref_slice %arg3[%add3A_13, %dma_wait3A] : memref<4096x200xi32, #tpu.memory_space<hbm>> -> memref<64x200xi32, #tpu.memory_space<hbm>>
      %dma_wait3A_24 = arith.constant 0 : i32
      %dma_wait3A_25 = tpu.memref_slice %arg3[%add3A_13, %dma_wait3A_24] : memref<4096x200xi32, #tpu.memory_space<hbm>> -> memref<64x200xi32, #tpu.memory_space<hbm>>
      tpu.wait_dma2 semaphore(%run_scoped3A : memref<!tpu.dma_semaphore, #tpu.memory_space<semaphore_mem>>) src(%dma_wait3A_25 : memref<64x200xi32, #tpu.memory_space<hbm>>) dst(%arg6 : memref<64x200xi32, #tpu.memory_space<vmem>>)
      tpu.yield
    }) : () -> ()
    %scan3A_14 = arith.constant 0 : i32
    %scan3A_15 = arith.constant 0 : i32
    %scan3A_16 = arith.constant 64 : i32
    %scan3A_17 = arith.addi %scan3A_15, %scan3A_16 : i32
    %scan3A_18 = arith.constant 1 : i32
    scf.for %scan3A_20 = %scan3A_15 to %scan3A_17 step %scan3A_18  : i32 {
      %get3A = arith.index_cast %scan3A_20 : i32 to index
      %get3A_21 = arith.constant 0 : index
      %get3A_22 = tpu.vector_load %arg5[%get3A, %get3A_21] {strides = array<i32>} : memref<64x200xi32, #tpu.memory_space<vmem>>, vector<1x16xi32>,
      %get3A_23 = vector.shape_cast %get3A_22 : vector<1x16xi32> to vector<16xi32>
      %get3A_24 = arith.index_cast %scan3A_20 : i32 to index
      %get3A_25 = arith.constant 0 : index
      %get3A_26 = tpu.vector_load %arg6[%get3A_24, %get3A_25] {strides = array<i32>} : memref<64x200xi32, #tpu.memory_space<vmem>>, vector<1x16xi32>,
      %get3A_27 = vector.shape_cast %get3A_26 : vector<1x16xi32> to vector<16xi32>
      %shift_left3A = arith.constant 2 : i32
      %shift_left3A_28 = vector.broadcast %shift_left3A : i32 to vector<16xi32>
      %shift_left3A_29 = arith.shli %get3A_23, %shift_left3A_28 : vector<16xi32>
      %add3A_30 = arith.addi %shift_left3A_29, %get3A_27 : vector<16xi32>
      %swap3A = arith.index_cast %scan3A_20 : i32 to index
      %swap3A_31 = arith.constant 0 : index
      %swap3A_32 = tpu.vector_load %arg7[%swap3A, %swap3A_31] {strides = array<i32>} : memref<64x200xi32, #tpu.memory_space<vmem>>, vector<1x16xi32>,
      %swap3A_33 = vector.shape_cast %swap3A_32 : vector<1x16xi32> to vector<16xi32>
      %swap3A_34 = vector.shape_cast %add3A_30 : vector<16xi32> to vector<1x16xi32>
      tpu.vector_store %arg7[%swap3A, %swap3A_31], %swap3A_34 {strides = array<i32>} : memref<64x200xi32, #tpu.memory_space<vmem>>, vector<1x16xi32>,
      %get3A_35 = arith.index_cast %scan3A_20 : i32 to index
      %get3A_36 = arith.constant 16 : index
      %get3A_37 = tpu.vector_load %arg5[%get3A_35, %get3A_36] {strides = array<i32>} : memref<64x200xi32, #tpu.memory_space<vmem>>, vector<1x16xi32>,
      %get3A_38 = vector.shape_cast %get3A_37 : vector<1x16xi32> to vector<16xi32>
      %get3A_39 = arith.index_cast %scan3A_20 : i32 to index
      %get3A_40 = arith.constant 16 : index
      %get3A_41 = tpu.vector_load %arg6[%get3A_39, %get3A_40] {strides = array<i32>} : memref<64x200xi32, #tpu.memory_space<vmem>>, vector<1x16xi32>,
      %get3A_42 = vector.shape_cast %get3A_41 : vector<1x16xi32> to vector<16xi32>
      %shift_left3A_43 = arith.constant 2 : i32
      %shift_left3A_44 = vector.broadcast %shift_left3A_43 : i32 to vector<16xi32>
      %shift_left3A_45 = arith.shli %get3A_38, %shift_left3A_44 : vector<16xi32>
      %add3A_46 = arith.addi %shift_left3A_45, %get3A_42 : vector<16xi32>
      %swap3A_47 = arith.index_cast %scan3A_20 : i32 to index
      %swap3A_48 = arith.constant 16 : index
      %swap3A_49 = tpu.vector_load %arg7[%swap3A_47, %swap3A_48] {strides = array<i32>} : memref<64x200xi32, #tpu.memory_space<vmem>>, vector<1x16xi32>,
      %swap3A_50 = vector.shape_cast %swap3A_49 : vector<1x16xi32> to vector<16xi32>
      %swap3A_51 = vector.shape_cast %add3A_46 : vector<16xi32> to vector<1x16xi32>
      tpu.vector_store %arg7[%swap3A_47, %swap3A_48], %swap3A_51 {strides = array<i32>} : memref<64x200xi32, #tpu.memory_space<vmem>>, vector<1x16xi32>,
      %get3A_52 = arith.index_cast %scan3A_20 : i32 to index
      %get3A_53 = arith.constant 32 : index
      %get3A_54 = tpu.vector_load %arg5[%get3A_52, %get3A_53] {strides = array<i32>} : memref<64x200xi32, #tpu.memory_space<vmem>>, vector<1x16xi32>,
      %get3A_55 = vector.shape_cast %get3A_54 : vector<1x16xi32> to vector<16xi32>
      %get3A_56 = arith.index_cast %scan3A_20 : i32 to index
      %get3A_57 = arith.constant 32 : index
      %get3A_58 = tpu.vector_load %arg6[%get3A_56, %get3A_57] {strides = array<i32>} : memref<64x200xi32, #tpu.memory_space<vmem>>, vector<1x16xi32>,
      %get3A_59 = vector.shape_cast %get3A_58 : vector<1x16xi32> to vector<16xi32>
      %shift_left3A_60 = arith.constant 2 : i32
      %shift_left3A_61 = vector.broadcast %shift_left3A_60 : i32 to vector<16xi32>
      %shift_left3A_62 = arith.shli %get3A_55, %shift_left3A_61 : vector<16xi32>
      %add3A_63 = arith.addi %shift_left3A_62, %get3A_59 : vector<16xi32>
      %swap3A_64 = arith.index_cast %scan3A_20 : i32 to index
      %swap3A_65 = arith.constant 32 : index
      %swap3A_66 = tpu.vector_load %arg7[%swap3A_64, %swap3A_65] {strides = array<i32>} : memref<64x200xi32, #tpu.memory_space<vmem>>, vector<1x16xi32>,
      %swap3A_67 = vector.shape_cast %swap3A_66 : vector<1x16xi32> to vector<16xi32>
      %swap3A_68 = vector.shape_cast %add3A_63 : vector<16xi32> to vector<1x16xi32>
      tpu.vector_store %arg7[%swap3A_64, %swap3A_65], %swap3A_68 {strides = array<i32>} : memref<64x200xi32, #tpu.memory_space<vmem>>, vector<1x16xi32>,
      %get3A_69 = arith.index_cast %scan3A_20 : i32 to index
      %get3A_70 = arith.constant 48 : index
      %get3A_71 = tpu.vector_load %arg5[%get3A_69, %get3A_70] {strides = array<i32>} : memref<64x200xi32, #tpu.memory_space<vmem>>, vector<1x16xi32>,
      %get3A_72 = vector.shape_cast %get3A_71 : vector<1x16xi32> to vector<16xi32>
      %get3A_73 = arith.index_cast %scan3A_20 : i32 to index
      %get3A_74 = arith.constant 48 : index
      %get3A_75 = tpu.vector_load %arg6[%get3A_73, %get3A_74] {strides = array<i32>} : memref<64x200xi32, #tpu.memory_space<vmem>>, vector<1x16xi32>,
      %get3A_76 = vector.shape_cast %get3A_75 : vector<1x16xi32> to vector<16xi32>
      %shift_left3A_77 = arith.constant 2 : i32
      %shift_left3A_78 = vector.broadcast %shift_left3A_77 : i32 to vector<16xi32>
      %shift_left3A_79 = arith.shli %get3A_72, %shift_left3A_78 : vector<16xi32>
      %add3A_80 = arith.addi %shift_left3A_79, %get3A_76 : vector<16xi32>
      %swap3A_81 = arith.index_cast %scan3A_20 : i32 to index
      %swap3A_82 = arith.constant 48 : index
      %swap3A_83 = tpu.vector_load %arg7[%swap3A_81, %swap3A_82] {strides = array<i32>} : memref<64x200xi32, #tpu.memory_space<vmem>>, vector<1x16xi32>,
      %swap3A_84 = vector.shape_cast %swap3A_83 : vector<1x16xi32> to vector<16xi32>
      %swap3A_85 = vector.shape_cast %add3A_80 : vector<16xi32> to vector<1x16xi32>
      tpu.vector_store %arg7[%swap3A_81, %swap3A_82], %swap3A_85 {strides = array<i32>} : memref<64x200xi32, #tpu.memory_space<vmem>>, vector<1x16xi32>,
      %get3A_86 = arith.index_cast %scan3A_20 : i32 to index
      %get3A_87 = arith.constant 64 : index
      %get3A_88 = tpu.vector_load %arg5[%get3A_86, %get3A_87] {strides = array<i32>} : memref<64x200xi32, #tpu.memory_space<vmem>>, vector<1x16xi32>,
      %get3A_89 = vector.shape_cast %get3A_88 : vector<1x16xi32> to vector<16xi32>
      %get3A_90 = arith.index_cast %scan3A_20 : i32 to index
      %get3A_91 = arith.constant 64 : index
      %get3A_92 = tpu.vector_load %arg6[%get3A_90, %get3A_91] {strides = array<i32>} : memref<64x200xi32, #tpu.memory_space<vmem>>, vector<1x16xi32>,
      %get3A_93 = vector.shape_cast %get3A_92 : vector<1x16xi32> to vector<16xi32>
      %shift_left3A_94 = arith.constant 2 : i32
      %shift_left3A_95 = vector.broadcast %shift_left3A_94 : i32 to vector<16xi32>
      %shift_left3A_96 = arith.shli %get3A_89, %shift_left3A_95 : vector<16xi32>
      %add3A_97 = arith.addi %shift_left3A_96, %get3A_93 : vector<16xi32>
      %swap3A_98 = arith.index_cast %scan3A_20 : i32 to index
      %swap3A_99 = arith.constant 64 : index
      %swap3A_100 = tpu.vector_load %arg7[%swap3A_98, %swap3A_99] {strides = array<i32>} : memref<64x200xi32, #tpu.memory_space<vmem>>, vector<1x16xi32>,
      %swap3A_101 = vector.shape_cast %swap3A_100 : vector<1x16xi32> to vector<16xi32>
      %swap3A_102 = vector.shape_cast %add3A_97 : vector<16xi32> to vector<1x16xi32>
      tpu.vector_store %arg7[%swap3A_98, %swap3A_99], %swap3A_102 {strides = array<i32>} : memref<64x200xi32, #tpu.memory_space<vmem>>, vector<1x16xi32>,
      %get3A_103 = arith.index_cast %scan3A_20 : i32 to index
      %get3A_104 = arith.constant 80 : index
      %get3A_105 = tpu.vector_load %arg5[%get3A_103, %get3A_104] {strides = array<i32>} : memref<64x200xi32, #tpu.memory_space<vmem>>, vector<1x16xi32>,
      %get3A_106 = vector.shape_cast %get3A_105 : vector<1x16xi32> to vector<16xi32>
      %get3A_107 = arith.index_cast %scan3A_20 : i32 to index
      %get3A_108 = arith.constant 80 : index
      %get3A_109 = tpu.vector_load %arg6[%get3A_107, %get3A_108] {strides = array<i32>} : memref<64x200xi32, #tpu.memory_space<vmem>>, vector<1x16xi32>,
      %get3A_110 = vector.shape_cast %get3A_109 : vector<1x16xi32> to vector<16xi32>
      %shift_left3A_111 = arith.constant 2 : i32
      %shift_left3A_112 = vector.broadcast %shift_left3A_111 : i32 to vector<16xi32>
      %shift_left3A_113 = arith.shli %get3A_106, %shift_left3A_112 : vector<16xi32>
      %add3A_114 = arith.addi %shift_left3A_113, %get3A_110 : vector<16xi32>
      %swap3A_115 = arith.index_cast %scan3A_20 : i32 to index
      %swap3A_116 = arith.constant 80 : index
      %swap3A_117 = tpu.vector_load %arg7[%swap3A_115, %swap3A_116] {strides = array<i32>} : memref<64x200xi32, #tpu.memory_space<vmem>>, vector<1x16xi32>,
      %swap3A_118 = vector.shape_cast %swap3A_117 : vector<1x16xi32> to vector<16xi32>
      %swap3A_119 = vector.shape_cast %add3A_114 : vector<16xi32> to vector<1x16xi32>
      tpu.vector_store %arg7[%swap3A_115, %swap3A_116], %swap3A_119 {strides = array<i32>} : memref<64x200xi32, #tpu.memory_space<vmem>>, vector<1x16xi32>,
      %get3A_120 = arith.index_cast %scan3A_20 : i32 to index
      %get3A_121 = arith.constant 96 : index
      %get3A_122 = tpu.vector_load %arg5[%get3A_120, %get3A_121] {strides = array<i32>} : memref<64x200xi32, #tpu.memory_space<vmem>>, vector<1x16xi32>,
      %get3A_123 = vector.shape_cast %get3A_122 : vector<1x16xi32> to vector<16xi32>
      %get3A_124 = arith.index_cast %scan3A_20 : i32 to index
      %get3A_125 = arith.constant 96 : index
      %get3A_126 = tpu.vector_load %arg6[%get3A_124, %get3A_125] {strides = array<i32>} : memref<64x200xi32, #tpu.memory_space<vmem>>, vector<1x16xi32>,
      %get3A_127 = vector.shape_cast %get3A_126 : vector<1x16xi32> to vector<16xi32>
      %shift_left3A_128 = arith.constant 2 : i32
      %shift_left3A_129 = vector.broadcast %shift_left3A_128 : i32 to vector<16xi32>
      %shift_left3A_130 = arith.shli %get3A_123, %shift_left3A_129 : vector<16xi32>
      %add3A_131 = arith.addi %shift_left3A_130, %get3A_127 : vector<16xi32>
      %swap3A_132 = arith.index_cast %scan3A_20 : i32 to index
      %swap3A_133 = arith.constant 96 : index
      %swap3A_134 = tpu.vector_load %arg7[%swap3A_132, %swap3A_133] {strides = array<i32>} : memref<64x200xi32, #tpu.memory_space<vmem>>, vector<1x16xi32>,
      %swap3A_135 = vector.shape_cast %swap3A_134 : vector<1x16xi32> to vector<16xi32>
      %swap3A_136 = vector.shape_cast %add3A_131 : vector<16xi32> to vector<1x16xi32>
      tpu.vector_store %arg7[%swap3A_132, %swap3A_133], %swap3A_136 {strides = array<i32>} : memref<64x200xi32, #tpu.memory_space<vmem>>, vector<1x16xi32>,
      %get3A_137 = arith.index_cast %scan3A_20 : i32 to index
      %get3A_138 = arith.constant 112 : index
      %get3A_139 = tpu.vector_load %arg5[%get3A_137, %get3A_138] {strides = array<i32>} : memref<64x200xi32, #tpu.memory_space<vmem>>, vector<1x16xi32>,
      %get3A_140 = vector.shape_cast %get3A_139 : vector<1x16xi32> to vector<16xi32>
      %get3A_141 = arith.index_cast %scan3A_20 : i32 to index
      %get3A_142 = arith.constant 112 : index
      %get3A_143 = tpu.vector_load %arg6[%get3A_141, %get3A_142] {strides = array<i32>} : memref<64x200xi32, #tpu.memory_space<vmem>>, vector<1x16xi32>,
      %get3A_144 = vector.shape_cast %get3A_143 : vector<1x16xi32> to vector<16xi32>
      %shift_left3A_145 = arith.constant 2 : i32
      %shift_left3A_146 = vector.broadcast %shift_left3A_145 : i32 to vector<16xi32>
      %shift_left3A_147 = arith.shli %get3A_140, %shift_left3A_146 : vector<16xi32>
      %add3A_148 = arith.addi %shift_left3A_147, %get3A_144 : vector<16xi32>
      %swap3A_149 = arith.index_cast %scan3A_20 : i32 to index
      %swap3A_150 = arith.constant 112 : index
      %swap3A_151 = tpu.vector_load %arg7[%swap3A_149, %swap3A_150] {strides = array<i32>} : memref<64x200xi32, #tpu.memory_space<vmem>>, vector<1x16xi32>,
      %swap3A_152 = vector.shape_cast %swap3A_151 : vector<1x16xi32> to vector<16xi32>
      %swap3A_153 = vector.shape_cast %add3A_148 : vector<16xi32> to vector<1x16xi32>
      tpu.vector_store %arg7[%swap3A_149, %swap3A_150], %swap3A_153 {strides = array<i32>} : memref<64x200xi32, #tpu.memory_space<vmem>>, vector<1x16xi32>,
      %get3A_154 = arith.index_cast %scan3A_20 : i32 to index
      %get3A_155 = arith.constant 128 : index
      %get3A_156 = tpu.vector_load %arg5[%get3A_154, %get3A_155] {strides = array<i32>} : memref<64x200xi32, #tpu.memory_space<vmem>>, vector<1x16xi32>,
      %get3A_157 = vector.shape_cast %get3A_156 : vector<1x16xi32> to vector<16xi32>
      %get3A_158 = arith.index_cast %scan3A_20 : i32 to index
      %get3A_159 = arith.constant 128 : index
      %get3A_160 = tpu.vector_load %arg6[%get3A_158, %get3A_159] {strides = array<i32>} : memref<64x200xi32, #tpu.memory_space<vmem>>, vector<1x16xi32>,
      %get3A_161 = vector.shape_cast %get3A_160 : vector<1x16xi32> to vector<16xi32>
      %shift_left3A_162 = arith.constant 2 : i32
      %shift_left3A_163 = vector.broadcast %shift_left3A_162 : i32 to vector<16xi32>
      %shift_left3A_164 = arith.shli %get3A_157, %shift_left3A_163 : vector<16xi32>
      %add3A_165 = arith.addi %shift_left3A_164, %get3A_161 : vector<16xi32>
      %swap3A_166 = arith.index_cast %scan3A_20 : i32 to index
      %swap3A_167 = arith.constant 128 : index
      %swap3A_168 = tpu.vector_load %arg7[%swap3A_166, %swap3A_167] {strides = array<i32>} : memref<64x200xi32, #tpu.memory_space<vmem>>, vector<1x16xi32>,
      %swap3A_169 = vector.shape_cast %swap3A_168 : vector<1x16xi32> to vector<16xi32>
      %swap3A_170 = vector.shape_cast %add3A_165 : vector<16xi32> to vector<1x16xi32>
      tpu.vector_store %arg7[%swap3A_166, %swap3A_167], %swap3A_170 {strides = array<i32>} : memref<64x200xi32, #tpu.memory_space<vmem>>, vector<1x16xi32>,
      %get3A_171 = arith.index_cast %scan3A_20 : i32 to index
      %get3A_172 = arith.constant 144 : index
      %get3A_173 = tpu.vector_load %arg5[%get3A_171, %get3A_172] {strides = array<i32>} : memref<64x200xi32, #tpu.memory_space<vmem>>, vector<1x16xi32>,
      %get3A_174 = vector.shape_cast %get3A_173 : vector<1x16xi32> to vector<16xi32>
      %get3A_175 = arith.index_cast %scan3A_20 : i32 to index
      %get3A_176 = arith.constant 144 : index
      %get3A_177 = tpu.vector_load %arg6[%get3A_175, %get3A_176] {strides = array<i32>} : memref<64x200xi32, #tpu.memory_space<vmem>>, vector<1x16xi32>,
      %get3A_178 = vector.shape_cast %get3A_177 : vector<1x16xi32> to vector<16xi32>
      %shift_left3A_179 = arith.constant 2 : i32
      %shift_left3A_180 = vector.broadcast %shift_left3A_179 : i32 to vector<16xi32>
      %shift_left3A_181 = arith.shli %get3A_174, %shift_left3A_180 : vector<16xi32>
      %add3A_182 = arith.addi %shift_left3A_181, %get3A_178 : vector<16xi32>
      %swap3A_183 = arith.index_cast %scan3A_20 : i32 to index
      %swap3A_184 = arith.constant 144 : index
      %swap3A_185 = tpu.vector_load %arg7[%swap3A_183, %swap3A_184] {strides = array<i32>} : memref<64x200xi32, #tpu.memory_space<vmem>>, vector<1x16xi32>,
      %swap3A_186 = vector.shape_cast %swap3A_185 : vector<1x16xi32> to vector<16xi32>
      %swap3A_187 = vector.shape_cast %add3A_182 : vector<16xi32> to vector<1x16xi32>
      tpu.vector_store %arg7[%swap3A_183, %swap3A_184], %swap3A_187 {strides = array<i32>} : memref<64x200xi32, #tpu.memory_space<vmem>>, vector<1x16xi32>,
      %get3A_188 = arith.index_cast %scan3A_20 : i32 to index
      %get3A_189 = arith.constant 160 : index
      %get3A_190 = tpu.vector_load %arg5[%get3A_188, %get3A_189] {strides = array<i32>} : memref<64x200xi32, #tpu.memory_space<vmem>>, vector<1x16xi32>,
      %get3A_191 = vector.shape_cast %get3A_190 : vector<1x16xi32> to vector<16xi32>
      %get3A_192 = arith.index_cast %scan3A_20 : i32 to index
      %get3A_193 = arith.constant 160 : index
      %get3A_194 = tpu.vector_load %arg6[%get3A_192, %get3A_193] {strides = array<i32>} : memref<64x200xi32, #tpu.memory_space<vmem>>, vector<1x16xi32>,
      %get3A_195 = vector.shape_cast %get3A_194 : vector<1x16xi32> to vector<16xi32>
      %shift_left3A_196 = arith.constant 2 : i32
      %shift_left3A_197 = vector.broadcast %shift_left3A_196 : i32 to vector<16xi32>
      %shift_left3A_198 = arith.shli %get3A_191, %shift_left3A_197 : vector<16xi32>
      %add3A_199 = arith.addi %shift_left3A_198, %get3A_195 : vector<16xi32>
      %swap3A_200 = arith.index_cast %scan3A_20 : i32 to index
      %swap3A_201 = arith.constant 160 : index
      %swap3A_202 = tpu.vector_load %arg7[%swap3A_200, %swap3A_201] {strides = array<i32>} : memref<64x200xi32, #tpu.memory_space<vmem>>, vector<1x16xi32>,
      %swap3A_203 = vector.shape_cast %swap3A_202 : vector<1x16xi32> to vector<16xi32>
      %swap3A_204 = vector.shape_cast %add3A_199 : vector<16xi32> to vector<1x16xi32>
      tpu.vector_store %arg7[%swap3A_200, %swap3A_201], %swap3A_204 {strides = array<i32>} : memref<64x200xi32, #tpu.memory_space<vmem>>, vector<1x16xi32>,
      %get3A_205 = arith.index_cast %scan3A_20 : i32 to index
      %get3A_206 = arith.constant 176 : index
      %get3A_207 = tpu.vector_load %arg5[%get3A_205, %get3A_206] {strides = array<i32>} : memref<64x200xi32, #tpu.memory_space<vmem>>, vector<1x16xi32>,
      %get3A_208 = vector.shape_cast %get3A_207 : vector<1x16xi32> to vector<16xi32>
      %get3A_209 = arith.index_cast %scan3A_20 : i32 to index
      %get3A_210 = arith.constant 176 : index
      %get3A_211 = tpu.vector_load %arg6[%get3A_209, %get3A_210] {strides = array<i32>} : memref<64x200xi32, #tpu.memory_space<vmem>>, vector<1x16xi32>,
      %get3A_212 = vector.shape_cast %get3A_211 : vector<1x16xi32> to vector<16xi32>
      %shift_left3A_213 = arith.constant 2 : i32
      %shift_left3A_214 = vector.broadcast %shift_left3A_213 : i32 to vector<16xi32>
      %shift_left3A_215 = arith.shli %get3A_208, %shift_left3A_214 : vector<16xi32>
      %add3A_216 = arith.addi %shift_left3A_215, %get3A_212 : vector<16xi32>
      %swap3A_217 = arith.index_cast %scan3A_20 : i32 to index
      %swap3A_218 = arith.constant 176 : index
      %swap3A_219 = tpu.vector_load %arg7[%swap3A_217, %swap3A_218] {strides = array<i32>} : memref<64x200xi32, #tpu.memory_space<vmem>>, vector<1x16xi32>,
      %swap3A_220 = vector.shape_cast %swap3A_219 : vector<1x16xi32> to vector<16xi32>
      %swap3A_221 = vector.shape_cast %add3A_216 : vector<16xi32> to vector<1x16xi32>
      tpu.vector_store %arg7[%swap3A_217, %swap3A_218], %swap3A_221 {strides = array<i32>} : memref<64x200xi32, #tpu.memory_space<vmem>>, vector<1x16xi32>,
      %get3A_222 = arith.index_cast %scan3A_20 : i32 to index
      %get3A_223 = arith.constant 184 : index
      %get3A_224 = tpu.vector_load %arg5[%get3A_222, %get3A_223] {strides = array<i32>} : memref<64x200xi32, #tpu.memory_space<vmem>>, vector<1x16xi32>,
      %get3A_225 = vector.shape_cast %get3A_224 : vector<1x16xi32> to vector<16xi32>
      %get3A_226 = arith.index_cast %scan3A_20 : i32 to index
      %get3A_227 = arith.constant 184 : index
      %get3A_228 = tpu.vector_load %arg6[%get3A_226, %get3A_227] {strides = array<i32>} : memref<64x200xi32, #tpu.memory_space<vmem>>, vector<1x16xi32>,
      %get3A_229 = vector.shape_cast %get3A_228 : vector<1x16xi32> to vector<16xi32>
      %shift_left3A_230 = arith.constant 2 : i32
      %shift_left3A_231 = vector.broadcast %shift_left3A_230 : i32 to vector<16xi32>
      %shift_left3A_232 = arith.shli %get3A_225, %shift_left3A_231 : vector<16xi32>
      %add3A_233 = arith.addi %shift_left3A_232, %get3A_229 : vector<16xi32>
      %swap3A_234 = arith.index_cast %scan3A_20 : i32 to index
      %swap3A_235 = arith.constant 184 : index
      %swap3A_236 = tpu.vector_load %arg7[%swap3A_234, %swap3A_235] {strides = array<i32>} : memref<64x200xi32, #tpu.memory_space<vmem>>, vector<1x16xi32>,
      %swap3A_237 = vector.shape_cast %swap3A_236 : vector<1x16xi32> to vector<16xi32>
      %swap3A_238 = vector.shape_cast %add3A_233 : vector<16xi32> to vector<1x16xi32>
      tpu.vector_store %arg7[%swap3A_234, %swap3A_235], %swap3A_238 {strides = array<i32>} : memref<64x200xi32, #tpu.memory_space<vmem>>, vector<1x16xi32>,
    }
    %scan3A_19 = arith.constant 64 : i32
    "tpu.region"() ({
      %run_scoped3A = tpu.sem_alloc : memref<!tpu.dma_semaphore, #tpu.memory_space<semaphore_mem>>
      %dma_start3A = arith.constant 0 : i32
      %dma_start3A_20 = tpu.memref_slice %arg4[%add3A_13, %dma_start3A] : memref<4096x200xi32, #tpu.memory_space<hbm>> -> memref<64x200xi32, #tpu.memory_space<hbm>>
      %dma_start3A_21 = arith.constant 0 : i32
      %dma_start3A_22 = tpu.memref_slice %arg4[%add3A_13, %dma_start3A_21] : memref<4096x200xi32, #tpu.memory_space<hbm>> -> memref<64x200xi32, #tpu.memory_space<hbm>>
      tpu.enqueue_dma source(%arg7 : memref<64x200xi32, #tpu.memory_space<vmem>>) target(%dma_start3A_22 : memref<64x200xi32, #tpu.memory_space<hbm>>) target_semaphore(%run_scoped3A : memref<!tpu.dma_semaphore, #tpu.memory_space<semaphore_mem>>)
      %dma_wait3A = arith.constant 0 : i32
      %dma_wait3A_23 = tpu.memref_slice %arg4[%add3A_13, %dma_wait3A] : memref<4096x200xi32, #tpu.memory_space<hbm>> -> memref<64x200xi32, #tpu.memory_space<hbm>>
      %dma_wait3A_24 = arith.constant 0 : i32
      %dma_wait3A_25 = tpu.memref_slice %arg4[%add3A_13, %dma_wait3A_24] : memref<4096x200xi32, #tpu.memory_space<hbm>> -> memref<64x200xi32, #tpu.memory_space<hbm>>
      tpu.wait_dma2 semaphore(%run_scoped3A : memref<!tpu.dma_semaphore, #tpu.memory_space<semaphore_mem>>) src(%arg7 : memref<64x200xi32, #tpu.memory_space<vmem>>) dst(%dma_wait3A_25 : memref<64x200xi32, #tpu.memory_space<hbm>>)
      tpu.yield
    }) : () -> ()
    return
  }
}

</mosaic_0001>

<sc_bundles>
// kernel: kernel.4.cloned.1.call-start
scs
__scs_entry_jumppad:
0x0: {  	(pc) =	sbr.rel $0x88, $3  }
0x1: {  	(tag) =	ssettag $0x0;
	lr =	simm.s32 $0x1  }
0x2: {  	[smem:$0x3F9D] =	sst lr;
	_ =	strace $0xD0000000  }
0x3: {  	_ = 	snop  }
0x4: {  	_ = 	snop  }
0x5: {  	_ = 	snop  }
0x6: {  	_ = 	snop  }
0x7: {  	_ = 	snop  }
__scs_overlays_trampoline_lowered:
0x8: {  	[smem:$0x3FAC] =	sst s0  }
0x9: {  	[smem:$0x3FAD] =	sst s1  }
0xa: {  	[smem:$0x3FAE] =	sst s2  }
0xb: {  	[smem:$0x3FAF] =	sst s3  }
0xc: {  	[smem:$0x3FB0] =	sst s4  }
0xd: {  	[smem:$0x3FB1] =	sst s5  }
0xe: {  	[smem:$0x3FB2] =	sst s6  }
0xf: {  	[smem:$0x3FB3] =	sst s7  }
0x10: {  	[smem:$0x3FB4] =	sst s8  }
0x11: {  	[smem:$0x3FB5] =	sst s9;
	s0 =	simm.s32 @!p0 $0x0  }
0x12: {  	s1 =	sld [smem:$0x3F9B];
	s0 =	simm.s32 @p0 $0x1  }
0x13: {  	[smem:$0x3FB6] =	sst s0;
	s0 =	simm.s32 @!p1 $0x0  }
0x14: {  	s2 =	sld [smem:$0x3F9A];
	s0 =	simm.s32 @p1 $0x1  }
0x15: {  	[smem:$0x3FB7] =	sst s0;
	s0 =	simm.s32 @!p2 $0x0  }
0x16: {  	s3 =	sld [smem:$0x3FDB];
	s0 =	simm.s32 @p2 $0x1  }
0x17: {  	s4 =	simm.s32 $0x1BF5;
	[smem:$0x3FB9] =	sst s0  }
0x18: {  	s0 =	sld [smem:$0x3F9C];
	_ =	swait.ge [sflag:s4], $0x0  }
0x19: {  	s7 =	sld [smem:$0x3F9D]  }
0x1a: {  	s8 =	sadd.s32 $0xFFFFE003, lr  }
0x1b: {  	s9 =	sadd.s32 $0xFFFFFEF7, lr;
	s5 =	simm.s32 $0xFFFFFFFF;
	p2 =	slt.u32 s8, $0xFFFFF086  }
0x1c: {  	p1 =	slt.u32 s9, $0xF7A;
	s5 =	simm.s32 @!p2 $0x0  }
0x1d: {  	s5 =	simm.s32 @p1 $0x1;
	p0 =	seq.s32 s7, s2  }
0x1e: {  	s7 =	smul.u32 @!p0 $0xF7A, s2;
	p2 =	seq.s32 @!p0 s5, $0x0  }
0x1f: {  	s9 =	smul.u32 $0xF7A, s1;
	s8 =	simm.s32 @!p0 $0x1BF5;
	p2 =	por !p2, p0  }
0x20: {  	[sflag:s8] =	ssyncset.s32 @!p0 $0xFFFFF086;
	s6 =	sadd.s32 @!p0 s3, s7;
	s7 =	simm.s32 @!p0 $0x108  }
0x21: {  	s3 =	sadd.s32 s3, s9;
	s6 =	sadd.s32 @!p0 $0x88, s6;
	s7 =	simm.s32 @p2 $0x1082  }
0x22: {  	[simem:s7], [sflag:s8] =	dma.local @!p0 [hbm:s6], $0xF7A  }
0x23: {  	s9 =	sor.u32 $0xD0000000, s2;
	s6 =	simm.s32 $0x108;
	_ =	swait.ge @!p0 [sflag:s8], $0x0  }
0x24: {  	s3 =	sadd.s32 $0x88, s3;
	s6 =	simm.s32 @!p1 $0x1082;
	[sflag:s4] =	ssyncset.s32 $0xFFFFF086  }
0x25: {  	[simem:s6], [sflag:s4] =	dma.local [hbm:s3], $0xF7A  }
0x26: {  	[smem:$0x3F9D] =	sst s1;
	(tag) =	ssettag s2;
	_ =	strace s9  }
0x27: {  	s1 =	sld [smem:$0x3FAD]  }
0x28: {  	s2 =	sld [smem:$0x3FAE]  }
0x29: {  	s4 =	sld [smem:$0x3FB0]  }
0x2a: {  	p0 =	seq.s32 s5, $0x0;
	s5 =	sld [smem:$0x3FB1]  }
0x2b: {  	s6 =	sld [smem:$0x3FB2]  }
0x2c: {  	s7 =	sld [smem:$0x3FB3]  }
0x2d: {  	s3 =	simm.s32 $0x108;
	s8 =	sld [smem:$0x3FB4]  }
0x2e: {  	s3 =	simm.s32 @!p0 $0x1082;
	s9 =	sld [smem:$0x3FB5]  }
0x2f: {  	lr =	sadd.s32 s0, s3;
	s0 =	sld [smem:$0x3FAC]  }
0x30: {  	s3 =	sld [smem:$0x3FAF]  }
0x31: {  	[smem:$0x3FB8] =	sst s10  }
0x32: {  	s10 =	sld [smem:$0x3FB6];
	_ =	sdelay $0x3  }
0x33: {  	p0 =	seq.s32 s10, $0x1;
	s10 =	sld [smem:$0x3FB8];
	_ =	sdelay $0x3  }
0x34: {  	[smem:$0x3FB8] =	sst s10  }
0x35: {  	s10 =	sld [smem:$0x3FB7];
	_ =	sdelay $0x3  }
0x36: {  	p1 =	seq.s32 s10, $0x1;
	s10 =	sld [smem:$0x3FB8];
	_ =	sdelay $0x3  }
0x37: {  	[smem:$0x3FB8] =	sst s10  }
0x38: {  	s10 =	sld [smem:$0x3FB9]  }
0x39: {  	_ = 	snop;
	(pc) =	sbr.ind lr, $3  }
0x3a: {  	_ = 	snop  }
0x3b: {  	_ = 	snop  }
0x3c: {  	p2 =	seq.s32 s10, $0x1;
	s10 =	sld [smem:$0x3FB8]  }
0x3d: {  	_ =	shalt  }
0x3e: {  	_ =	shalt  }
0x3f: {  	_ =	shalt  }
0x40: {  	_ =	shalt  }
0x41: {  	_ =	shalt  }
0x42: {  	_ =	shalt  }
0x43: {  	_ =	shalt  }
0x44: {  	_ =	shalt  }
0x45: {  	_ =	shalt  }
0x46: {  	_ =	shalt  }
0x47: {  	_ =	shalt  }
0x48: {  	_ =	shalt  }
0x49: {  	_ =	shalt  }
0x4a: {  	_ =	shalt  }
0x4b: {  	_ =	shalt  }
0x4c: {  	_ =	shalt  }
0x4d: {  	_ =	shalt  }
0x4e: {  	_ =	shalt  }
0x4f: {  	_ =	shalt  }
0x50: {  	_ =	shalt  }
0x51: {  	_ =	shalt  }
0x52: {  	_ =	shalt  }
0x53: {  	_ =	shalt  }
0x54: {  	_ =	shalt  }
0x55: {  	_ =	shalt  }
0x56: {  	_ =	shalt  }
0x57: {  	_ =	shalt  }
0x58: {  	_ =	shalt  }
0x59: {  	_ =	shalt  }
0x5a: {  	_ =	shalt  }
0x5b: {  	_ =	shalt  }
0x5c: {  	_ =	shalt  }
0x5d: {  	_ =	shalt  }
0x5e: {  	_ =	shalt  }
0x5f: {  	_ =	shalt  }
0x60: {  	_ =	shalt  }
0x61: {  	_ =	shalt  }
0x62: {  	_ =	shalt  }
0x63: {  	_ =	shalt  }
0x64: {  	_ =	shalt  }
0x65: {  	_ =	shalt  }
0x66: {  	_ =	shalt  }
0x67: {  	_ =	shalt  }
0x68: {  	_ =	shalt  }
0x69: {  	_ =	shalt  }
0x6a: {  	_ =	shalt  }
0x6b: {  	_ =	shalt  }
0x6c: {  	_ =	shalt  }
0x6d: {  	_ =	shalt  }
0x6e: {  	_ =	shalt  }
0x6f: {  	_ =	shalt  }
0x70: {  	_ =	shalt  }
0x71: {  	_ =	shalt  }
0x72: {  	_ =	shalt  }
0x73: {  	_ =	shalt  }
0x74: {  	_ =	shalt  }
0x75: {  	_ =	shalt  }
0x76: {  	_ =	shalt  }
0x77: {  	_ =	shalt  }
0x78: {  	_ =	shalt  }
0x79: {  	_ =	shalt  }
0x7a: {  	_ =	shalt  }
0x7b: {  	_ =	shalt  }
0x7c: {  	_ =	shalt  }
0x7d: {  	_ =	shalt  }
0x7e: {  	_ =	shalt  }
0x7f: {  	_ =	shalt  }
0x80: {  	_ =	shalt  }
0x81: {  	_ =	shalt  }
0x82: {  	_ =	shalt  }
0x83: {  	_ =	shalt  }
0x84: {  	_ =	shalt  }
0x85: {  	_ =	shalt  }
0x86: {  	_ =	shalt  }
0x87: {  	_ =	shalt  }
.Lfunc_end0:
.L_simem_size_0:
called_computation.1_lowered:
.L_overlay_start_0:
0x88: {  	s2 =	sld [smem:$0x3FD9]  }
0x89: {  	s3 =	sld [smem:$0x3FFE];
	_ =	sdelay $0x1  }
0x8a: {  	s1 =	srdreg.scid  }
0x8b: {  	s0 =	sand.u32 $0x1, s1  }
0x8c: {  	s17 =	sshll.u32 s0, $0xA;
	s2 =	sadd.s32 s3, s2  }
0x8d: {  	s2 =	sadd.s32 s2, s17  }
0x8e: {  	[smem:$0x3FC4] =	sst s2  }
0x8f: {  	_ = 	snop  }
0x90: {  	s2 =	sld [smem:$0x3FD0];
	(tm) =	ssettm $0x1  }
0x91: {  	s18 =	sld [smem:$0x3FFB];
	_ =	sdelay $0x3  }
0x92: {  	_ =	strace s18  }
0x93: {  	s3 =	sld [smem:$0x3FFC];
	_ =	sdelay $0x3  }
0x94: {  	_ =	strace s3  }
0x95: {  	s3 =	sld [smem:$0x3FFD];
	_ =	sdelay $0x3  }
0x96: {  	_ =	strace s3  }
0x97: {  	_ =	strace $0x8FFFFFFF  }
0x98: {  	s19 =	sld [smem:$0x3FDB];
	_ =	sdelay $0x1  }
0x99: {  	s4 =	simm.s32 $_scs_section_size  }
0x9a: {  	s5 =	simm.s32 $_size__tile_overlayer_lowered;
	s6 =	simm.s32 $_tile_overlayer_lowered  }
0x9b: {  	s22 =	simm.s32 $0x1BFF;
	s21 =	sshll.u32 s6, $0x1;
	s3 =	sadd.s32 s4, s19  }
0x9c: {  	s7 =	simm.s32 $0x0;
	s20 =	sshll.u32 s5, $0x1;
	s5 =	sadd.s32 s21, s3  }
0x9d: {  	[timem:s7], [sflag:s22] =	dma.local [hbm:s5], s20  }
0x9e: {  	_ =	swait.ge [sflag:s22], s20  }
0x9f: {  	s4 =	ssub.s32 $0x0, s20;
	[sflag:s22] =	ssyncset.done $0x0  }
0xa0: {  	[sflag:s22] =	ssyncadd.s32 s4;
	_ =	sdelay $0x1  }
0xa1: {  	s23 =	simm.s32 $0x1B8B  }
0xa2: {  	_ =	swait.ge [sflag:s23], $0x1  }
0xa3: {  	[sflag:s23] =	ssyncset.done $0x0  }
0xa4: {  	s25 =	simm.s32 $0x1B8E;
	s24 =	sld [smem:$0x3FFE];
	[sflag:s23] =	ssyncadd.s32 $0xFFFFFFFF  }
0xa5: {  	s26 =	simm.s32 $execute0_lowered;
	[smem:$0x3FD2] =	sst s25  }
0xa6: {  	s5 =	sshll.u32 s26, $0x1;
	_ =	strace $0x80000046;
	[dreg:$0x1] =	wrdreg $0xFFFFFFFF  }
0xa7: {  	s28 =	simm.s32 $_size_execute0_lowered;
	s3 =	sadd.s32 s3, s5;
	[dreg:$0x0] =	wrdreg $0x0  }
0xa8: {  	s5 =	sshll.u32 s28, $0x1;
	[dreg:$0x2] =	wrdreg s3  }
0xa9: {  	[dreg:$0x3] =	wrdreg s5  }
0xaa: {  	[dreg:$0x4] =	wrdreg $0xC0  }
0xab: {  	_ =	task [dreg:s7], $0x5FFFF  }
0xac: {  	[dreg:$0x1] =	wrdreg $0xFFFFFFFF  }
0xad: {  	[dreg:$0x0] =	wrdreg $0x60  }
0xae: {  	[dreg:$0x2] =	wrdreg s2  }
0xaf: {  	[dreg:$0x3] =	wrdreg s24  }
0xb0: {  	[dreg:$0x4] =	wrdreg $0x9  }
0xb1: {  	_ =	task.clear_ibuf [dreg:s7], $0x5FFFF;
	_ =	strace $0x90000046  }
0xb2: {  	s29 =	simm.s32 $0x9;
	_ =	strace $0x80000048  }
0xb3: {  	_ =	swait.ge [sflag:s29], $0x1  }
0xb4: {  	[sflag:s29] =	ssyncadd.s32 $0xFFFFFFFF  }
0xb5: {  	_ =	strace $0x90000048  }
0xb6: {  	_ =	sfence  }
0xb7: {  	s30 =	sld [smem:$0x0];
	_ =	sdelay $0x2  }
0xb8: {  	s31 =	sshll.u32 s1, $0xD;
	s1 =	sshrl.u32 s1, $0x2  }
0xb9: {  	s3 =	sand.u32 $0x4000, s31;
	s1 =	sadd.s32 s1, s30  }
0xba: {  	s0 =	sor.u32 s3, s0;
	s1 =	sshll.u32 s1, $0x11  }
0xbb: {  	s0 =	sor.u32 s1, s0  }
0xbc: {  	s0 =	sadd.s32 $0x8F2B, s0  }
0xbd: {  	[sflag:s0] =	ssyncadd.remote.s32 $0x1  }
0xbe: {  	_ =	sfence.sel $0xFFFF  }
0xbf: {  	[dreg:$0x0] =	wrdreg $0xFFFFFFFF;
	(pc) =	sbr.abs _section_cstart, $3  }
0xc0: {  	[dreg:$0x1] =	wrdreg $0xFFFFFFFF  }
0xc1: {  	_ =	task.clear_ibuf [dreg:s7], $0x2FFFF;
	_ =	strace $0x9FFFFFFF  }
0xc2: {  	(tm) =	ssettm $0x7FFFFFFF  }
0xc3: {  	_ =	shalt  }
tec
execute0_lowered:
.L_overlay_start_1:
0x0: {  	(tag) =	ssettag $0x1  }
0x1: {  	s6 =	rddreg [dreg:$0x0]  }
0x2: {  	s3 =	rddreg [dreg:$0x1]  }
0x3: {  	s0 =	rddreg [dreg:$0x2];
	s1 =	simm.s32 $0x0;
	s2 =	srdreg.scid  }
0x4: {  	s12 =	simm.s32 $0x8000;
	s13 =	simm.s32 $0x0;
	[smem:$0x7FF] =	sst s1  }
0x5: {  	s4 =	sand.u32 $0x1, s2;
	s7 =	sadd.s32 $0x1200, s3;
	s2 =	stileid.u32  }
0x6: {  	s5 =	ssub.s32 $0x2, s4;
	s9 =	sshll.u32 s2, $0xD;
	s4 =	sshll.u32 s4, $0xC  }
0x7: {  	s10 =	sadd.s32 $0x21200, s3;
	s8 =	sshrl.u32 s5, $0x1;
	s30 =	sor.u32 s4, s9  }
0x8: {  	_ =	strace $0x80000047;
	s11 =	ssub.s32 s5, s8;
	s3 =	sadd.s32 s6, s30  }
0x9: {  	s4 =	sadd.s32 s7, s30;
	s31 =	sor.u32 $0x800, s30;
	s5 =	sadd.s32 s10, s30  }
0xa: {  	s6 =	sadd.s32 s6, s31;
	s7 =	sadd.s32 s7, s31;
	s8 =	sadd.s32 s10, s31  }
0xb: {  	s9 =	smax.u32 s11, $0x1;
	s10 =	simm.s32 $0x1;
	s11 =	simm.s32 $0x4000  }
.LBB2_1:
0xc: {  	[tilespmem:s1], [sflag:$0x1] =	stream.linear.gather [hbm4b:s3+s1], $0x4000, $0x38;
	[tilespmem:$0xC000] =	vst v63  }
0xd: {  	_ =	swait.ge [sflag:s10], $0x4000  }
0xe: {  	[sflag:s10] =	ssyncset.done $0x0  }
0xf: {  	[sflag:s10] =	ssyncadd.s32 $0xFFFFC000  }
0x10: {  	[tilespmem:s11], [sflag:$0x1] =	stream.linear.gather [hbm4b:s4+s1], $0x4000, $0x38;
	[tilespmem:$0xC000] =	vst v63  }
0x11: {  	_ =	swait.ge [sflag:s10], $0x4000  }
0x12: {  	s14 =	sand.u32 $0x3800, s1;
	s15 =	sand.u32 $0x380, s1;
	[sflag:s10] =	ssyncset.done $0x0  }
0x13: {  	s14 =	sor.u32 s15, s14;
	[sflag:s10] =	ssyncadd.s32 $0xFFFFC000  }
0x14: {  	v0 =	vld [tilespmem:s14+$0x4000]  }
0x15: {  	v3 =	vld [tilespmem:s14+$0x4410]  }
0x16: {  	v2 =	vld [tilespmem:s14+$0x4030]  }
0x17: {  	v1 =	vld [tilespmem:s14+$0x4040]  }
0x18: {  	v4 =	vld [tilespmem:s14+$0x410]  }
0x19: {  	s16 =	simm.s32 $0x0;
	s15 =	simm.s32 $0x100;
	v5 =	vld [tilespmem:s14+$0x70]  }
.LBB2_2:
0x1a: {  	p0 =	sne.s32 s15, $0x3F00  }
0x1b: {  	v6 =	vld [tilespmem:s14+$0x400];
	s16 =	sadd.s32 $0x80, s16;
	s17 =	smov.u32 s15;
	s15 =	sadd.s32 $0x100, s15  }
0x1c: {  	v7 =	vld [tilespmem:s14+$0x4420]  }
0x1d: {  	v8 =	vld [tilespmem:s14+$0x4070]  }
0x1e: {  	v9 =	vld [tilespmem:s14+$0x40]  }
0x1f: {  	v10 =	vld [tilespmem:s14+$0x4400]  }
0x20: {  	v11 =	vld [tilespmem:s14+$0x30]  }
0x21: {  	v6 =	vshll.u32 v6, $0x2;
	v12 =	vld [tilespmem:s14+$0x4020]  }
0x22: {  	v13 =	vld [tilespmem:s14+$0x4430]  }
0x23: {  	v5 =	vshll.u32 v5, $0x2;
	v14 =	vld [tilespmem:s14+$0x4060]  }
0x24: {  	v5 =	vadd.s32 v8, v5;
	v15 =	vld [tilespmem:s14+$0x50];
	v6 =	vadd.s32 v10, v6  }
0x25: {  	v8 =	vld [tilespmem:s14+$0x4050];
	[tilespmem:s14+$0x8070] =	vst v5  }
0x26: {  	v4 =	vshll.u32 v4, $0x2;
	v5 =	vld [tilespmem:s14+$0x60]  }
0x27: {  	v3 =	vadd.s32 v3, v4;
	v4 =	vld [tilespmem:s14+$0x430]  }
0x28: {  	v11 =	vshll.u32 v11, $0x2;
	v10 =	vld [tilespmem:s14+$0x20];
	[tilespmem:s14+$0x8410] =	vst v3  }
0x29: {  	v2 =	vadd.s32 v2, v11;
	v3 =	vshll.u32 v9, $0x2;
	v9 =	vshll.u32 v15, $0x2;
	[tilespmem:s14+$0x8400] =	vst v6;
	v6 =	vld [tilespmem:s14+$0x420]  }
0x2a: {  	v1 =	vadd.s32 v1, v3;
	v11 =	vld [tilespmem:s14+$0x0];
	[tilespmem:s14+$0x8030] =	vst v2;
	v2 =	vadd.s32 v8, v9  }
0x2b: {  	v3 =	vld [tilespmem:s14+$0x10];
	[tilespmem:s14+$0x8040] =	vst v1;
	v1 =	vshll.u32 v5, $0x2  }
0x2c: {  	v5 =	vld [tilespmem:s14+$0x4010];
	[tilespmem:s14+$0x8050] =	vst v2;
	v1 =	vadd.s32 v14, v1;
	v2 =	vshll.u32 v4, $0x2  }
0x2d: {  	v4 =	vshll.u32 v10, $0x2;
	[tilespmem:s14+$0x8060] =	vst v1;
	v1 =	vadd.s32 v2, v13  }
0x2e: {  	v2 =	vadd.s32 v12, v4;
	v4 =	vshll.u32 v6, $0x2;
	[tilespmem:s14+$0x8430] =	vst v1  }
0x2f: {  	v6 =	vshll.u32 v11, $0x2;
	[tilespmem:s14+$0x8020] =	vst v2;
	v2 =	vadd.s32 v7, v4  }
0x30: {  	s17 =	sand.u32 $0x3800, s17;
	s18 =	sand.u32 $0x380, s16;
	v0 =	vadd.s32 v0, v6;
	v3 =	vshll.u32 v3, $0x2;
	[tilespmem:s14+$0x8420] =	vst v2  }
0x31: {  	s17 =	sor.u32 s18, s17;
	[tilespmem:s14+$0x8000] =	vst v0;
	v0 =	vadd.s32 v5, v3  }
0x32: {  	s18 =	sor.u32 $0x440, s14;
	[tilespmem:s14+$0x8010] =	vst v0  }
0x33: {  	v0 =	vld.msk [tilespmem:s18+$0x0], $0xff;
	s18 =	sor.u32 $0x4440, s14  }
0x34: {  	v2 =	vld.msk [tilespmem:s18+$0x0], $0xff  }
0x35: {  	[tilespmem:s14+$0x8430] =	vst v1;
	_ =	sdelay $0x2  }
0x36: {  	v0 =	vshll.u32 v0, $0x2  }
0x37: {  	s18 =	sor.u32 $0x8440, s14;
	s14 =	smov.u32 s17;
	v0 =	vadd.s32 v0, v2  }
0x38: {  	[tilespmem:s18+$0x0] =	vst.msk $0xff, v0  }
0x39: {  	v0 =	vld [tilespmem:s14+$0x4000]  }
.Ltmp0:
0x3a: {  	v3 =	vld [tilespmem:s14+$0x4410];
	(pc) =	sbr.rel @p0 .LBB2_2-.Ltmp0, $4  }
0x3b: {  	v2 =	vld [tilespmem:s14+$0x4030]  }
0x3c: {  	v1 =	vld [tilespmem:s14+$0x4040]  }
0x3d: {  	v4 =	vld [tilespmem:s14+$0x410]  }
0x3e: {  	v5 =	vld [tilespmem:s14+$0x70]  }
0x3f: {  	v6 =	vld [tilespmem:s14+$0x400]  }
0x40: {  	v8 =	vld [tilespmem:s14+$0x4070]  }
0x41: {  	v9 =	vld [tilespmem:s14+$0x40]  }
0x42: {  	v10 =	vld [tilespmem:s14+$0x4400]  }
0x43: {  	v11 =	vld [tilespmem:s14+$0x30]  }
0x44: {  	v12 =	vld [tilespmem:s14+$0x4020]  }
0x45: {  	v13 =	vld [tilespmem:s14+$0x4430]  }
0x46: {  	v14 =	vld [tilespmem:s14+$0x4060]  }
0x47: {  	v15 =	vld [tilespmem:s14+$0x50]  }
0x48: {  	v61 =	vld [tilespmem:s14+$0x4050];
	v4 =	vshll.u32 v4, $0x2  }
0x49: {  	v16 =	vld [tilespmem:s14+$0x430];
	v5 =	vshll.u32 v5, $0x2;
	v3 =	vadd.s32 v3, v4  }
0x4a: {  	v4 =	vld [tilespmem:s14+$0x20];
	v5 =	vadd.s32 v8, v5;
	[tilespmem:s14+$0x8410] =	vst v3  }
0x4b: {  	v6 =	vshll.u32 v6, $0x2;
	v3 =	vshll.u32 v11, $0x2;
	[tilespmem:s14+$0x8070] =	vst v5;
	v5 =	vld [tilespmem:s14+$0x60]  }
0x4c: {  	v6 =	vadd.s32 v10, v6;
	v2 =	vadd.s32 v2, v3;
	v3 =	vld [tilespmem:s14+$0x0]  }
0x4d: {  	v63 =	vld [tilespmem:s14+$0x4010];
	v9 =	vshll.u32 v9, $0x2;
	[tilespmem:s14+$0x8400] =	vst v6  }
0x4e: {  	v62 =	vshll.u32 v15, $0x2;
	v1 =	vadd.s32 v1, v9;
	[tilespmem:s14+$0x8030] =	vst v2;
	v2 =	vld [tilespmem:s14+$0x10]  }
0x4f: {  	v6 =	vld [tilespmem:s14+$0x420];
	[tilespmem:s14+$0x8040] =	vst v1;
	v1 =	vadd.s32 v61, v62;
	v4 =	vshll.u32 v4, $0x2  }
0x50: {  	v7 =	vld [tilespmem:s14+$0x4420];
	[tilespmem:s14+$0x8050] =	vst v1;
	v4 =	vadd.s32 v12, v4;
	v5 =	vshll.u32 v5, $0x2  }
0x51: {  	v3 =	vshll.u32 v3, $0x2;
	[tilespmem:s14+$0x8020] =	vst v4;
	v1 =	vadd.s32 v14, v5  }
0x52: {  	v5 =	vshll.u32 v16, $0x2;
	v0 =	vadd.s32 v0, v3;
	[tilespmem:s14+$0x8060] =	vst v1  }
0x53: {  	v2 =	vshll.u32 v2, $0x2;
	v1 =	vadd.s32 v5, v13;
	[tilespmem:s14+$0x8000] =	vst v0  }
0x54: {  	v5 =	vshll.u32 v6, $0x2;
	v0 =	vadd.s32 v63, v2;
	[tilespmem:s14+$0x8430] =	vst v1  }
0x55: {  	v4 =	vadd.s32 v7, v5;
	[tilespmem:s14+$0x8010] =	vst v0  }
0x56: {  	s15 =	sor.u32 $0x440, s14;
	[tilespmem:s14+$0x8420] =	vst v4  }
0x57: {  	s29 =	sor.u32 $0x4440, s14;
	v0 =	vld.msk [tilespmem:s15+$0x0], $0xff  }
0x58: {  	v2 =	vld.msk [tilespmem:s29+$0x0], $0xff;
	_ =	sdelay $0x3  }
0x59: {  	v0 =	vshll.u32 v0, $0x2  }
0x5a: {  	s30 =	sor.u32 $0x8440, s14;
	[tilespmem:s14+$0x8430] =	vst v1;
	v0 =	vadd.s32 v0, v2  }
0x5b: {  	s15 =	simm.s32 $0x0;
	[tilespmem:s30+$0x0] =	vst.msk $0xff, v0  }
0x5c: {  	[hbm4b:s5+s15] =	stream.linear.scatter [tilespmem:s12], [sflag:$0x1], $0x4000, $0x38;
	[tilespmem:$0xC000] =	vst v63  }
0x5d: {  	_ =	swait.ge [sflag:s10], $0x4000  }
0x5e: {  	[sflag:s10] =	ssyncset.done $0x0  }
0x5f: {  	[sflag:s10] =	ssyncadd.s32 $0xFFFFC000  }
0x60: {  	[tilespmem:s15], [sflag:$0x1] =	stream.linear.gather [hbm4b:s6+s15], $0x4000, $0x38;
	[tilespmem:$0xC000] =	vst v63  }
0x61: {  	_ =	swait.ge [sflag:s10], $0x4000  }
0x62: {  	[sflag:s10] =	ssyncset.done $0x0  }
0x63: {  	[sflag:s10] =	ssyncadd.s32 $0xFFFFC000  }
0x64: {  	[tilespmem:s11], [sflag:$0x1] =	stream.linear.gather [hbm4b:s7+s15], $0x4000, $0x38;
	[tilespmem:$0xC000] =	vst v63  }
0x65: {  	_ =	swait.ge [sflag:s10], $0x4000  }
0x66: {  	s31 =	sand.u32 $0x3800, s15;
	s16 =	sand.u32 $0x380, s15;
	[sflag:s10] =	ssyncset.done $0x0  }
0x67: {  	s14 =	sor.u32 s16, s31;
	[sflag:s10] =	ssyncadd.s32 $0xFFFFC000  }
0x68: {  	v0 =	vld [tilespmem:s14+$0x4000]  }
0x69: {  	v3 =	vld [tilespmem:s14+$0x4410]  }
0x6a: {  	v2 =	vld [tilespmem:s14+$0x4030]  }
0x6b: {  	v1 =	vld [tilespmem:s14+$0x4040]  }
0x6c: {  	v4 =	vld [tilespmem:s14+$0x410]  }
0x6d: {  	s16 =	simm.s32 $0x100;
	v5 =	vld [tilespmem:s14+$0x70]  }
.LBB2_4:
0x6e: {  	p0 =	sne.s32 s16, $0x3F00  }
0x6f: {  	v6 =	vld [tilespmem:s14+$0x400];
	s15 =	sadd.s32 $0x80, s15;
	s17 =	smov.u32 s16;
	s16 =	sadd.s32 $0x100, s16  }
0x70: {  	v7 =	vld [tilespmem:s14+$0x4420]  }
0x71: {  	v8 =	vld [tilespmem:s14+$0x4070]  }
0x72: {  	v9 =	vld [tilespmem:s14+$0x40]  }
0x73: {  	v10 =	vld [tilespmem:s14+$0x4400]  }
0x74: {  	v11 =	vld [tilespmem:s14+$0x30]  }
0x75: {  	v6 =	vshll.u32 v6, $0x2;
	v12 =	vld [tilespmem:s14+$0x4020]  }
0x76: {  	v13 =	vld [tilespmem:s14+$0x4430]  }
0x77: {  	v5 =	vshll.u32 v5, $0x2;
	v14 =	vld [tilespmem:s14+$0x4060]  }
0x78: {  	v5 =	vadd.s32 v8, v5;
	v15 =	vld [tilespmem:s14+$0x50];
	v6 =	vadd.s32 v10, v6  }
0x79: {  	v8 =	vld [tilespmem:s14+$0x4050];
	[tilespmem:s14+$0x8070] =	vst v5  }
0x7a: {  	v4 =	vshll.u32 v4, $0x2;
	v5 =	vld [tilespmem:s14+$0x60]  }
0x7b: {  	v3 =	vadd.s32 v3, v4;
	v4 =	vld [tilespmem:s14+$0x430]  }
0x7c: {  	v11 =	vshll.u32 v11, $0x2;
	v10 =	vld [tilespmem:s14+$0x20];
	[tilespmem:s14+$0x8410] =	vst v3  }
0x7d: {  	v2 =	vadd.s32 v2, v11;
	v3 =	vshll.u32 v9, $0x2;
	v9 =	vshll.u32 v15, $0x2;
	[tilespmem:s14+$0x8400] =	vst v6;
	v6 =	vld [tilespmem:s14+$0x420]  }
0x7e: {  	v1 =	vadd.s32 v1, v3;
	v11 =	vld [tilespmem:s14+$0x0];
	[tilespmem:s14+$0x8030] =	vst v2;
	v2 =	vadd.s32 v8, v9  }
0x7f: {  	v3 =	vld [tilespmem:s14+$0x10];
	[tilespmem:s14+$0x8040] =	vst v1;
	v1 =	vshll.u32 v5, $0x2  }
0x80: {  	v5 =	vld [tilespmem:s14+$0x4010];
	[tilespmem:s14+$0x8050] =	vst v2;
	v1 =	vadd.s32 v14, v1;
	v2 =	vshll.u32 v4, $0x2  }
0x81: {  	v4 =	vshll.u32 v10, $0x2;
	[tilespmem:s14+$0x8060] =	vst v1;
	v1 =	vadd.s32 v2, v13  }
0x82: {  	v2 =	vadd.s32 v12, v4;
	v4 =	vshll.u32 v6, $0x2;
	[tilespmem:s14+$0x8430] =	vst v1  }
0x83: {  	v6 =	vshll.u32 v11, $0x2;
	[tilespmem:s14+$0x8020] =	vst v2;
	v2 =	vadd.s32 v7, v4  }
0x84: {  	s17 =	sand.u32 $0x3800, s17;
	s18 =	sand.u32 $0x380, s15;
	v0 =	vadd.s32 v0, v6;
	v3 =	vshll.u32 v3, $0x2;
	[tilespmem:s14+$0x8420] =	vst v2  }
0x85: {  	s17 =	sor.u32 s18, s17;
	[tilespmem:s14+$0x8000] =	vst v0;
	v0 =	vadd.s32 v5, v3  }
0x86: {  	s18 =	sor.u32 $0x440, s14;
	[tilespmem:s14+$0x8010] =	vst v0  }
0x87: {  	v0 =	vld.msk [tilespmem:s18+$0x0], $0xff;
	s18 =	sor.u32 $0x4440, s14  }
0x88: {  	v2 =	vld.msk [tilespmem:s18+$0x0], $0xff  }
0x89: {  	[tilespmem:s14+$0x8430] =	vst v1;
	_ =	sdelay $0x2  }
0x8a: {  	v0 =	vshll.u32 v0, $0x2  }
0x8b: {  	s18 =	sor.u32 $0x8440, s14;
	s14 =	smov.u32 s17;
	v0 =	vadd.s32 v0, v2  }
0x8c: {  	[tilespmem:s18+$0x0] =	vst.msk $0xff, v0  }
0x8d: {  	v0 =	vld [tilespmem:s14+$0x4000]  }
.Ltmp1:
0x8e: {  	v3 =	vld [tilespmem:s14+$0x4410];
	(pc) =	sbr.rel @p0 .LBB2_4-.Ltmp1, $4  }
0x8f: {  	v2 =	vld [tilespmem:s14+$0x4030]  }
0x90: {  	v1 =	vld [tilespmem:s14+$0x4040]  }
0x91: {  	v4 =	vld [tilespmem:s14+$0x410]  }
0x92: {  	v5 =	vld [tilespmem:s14+$0x70]  }
0x93: {  	v6 =	vld [tilespmem:s14+$0x400]  }
0x94: {  	v7 =	vld [tilespmem:s14+$0x4420]  }
0x95: {  	v8 =	vld [tilespmem:s14+$0x4070]  }
0x96: {  	v9 =	vld [tilespmem:s14+$0x40]  }
0x97: {  	v10 =	vld [tilespmem:s14+$0x4400]  }
0x98: {  	v11 =	vld [tilespmem:s14+$0x30]  }
0x99: {  	v12 =	vld [tilespmem:s14+$0x4020]  }
0x9a: {  	v13 =	vld [tilespmem:s14+$0x4430]  }
0x9b: {  	v14 =	vld [tilespmem:s14+$0x4060]  }
0x9c: {  	v15 =	vld [tilespmem:s14+$0x50]  }
0x9d: {  	v47 =	vld [tilespmem:s14+$0x4050];
	v4 =	vshll.u32 v4, $0x2  }
0x9e: {  	v16 =	vld [tilespmem:s14+$0x430];
	v5 =	vshll.u32 v5, $0x2;
	v3 =	vadd.s32 v3, v4  }
0x9f: {  	v49 =	vld [tilespmem:s14+$0x20];
	v5 =	vadd.s32 v8, v5;
	v6 =	vshll.u32 v6, $0x2;
	[tilespmem:s14+$0x8410] =	vst v3  }
0xa0: {  	v51 =	vld [tilespmem:s14+$0x420];
	v50 =	vshll.u32 v11, $0x2;
	[tilespmem:s14+$0x8070] =	vst v5;
	v6 =	vadd.s32 v10, v6  }
0xa1: {  	v52 =	vld [tilespmem:s14+$0x0];
	v9 =	vshll.u32 v9, $0x2;
	v2 =	vadd.s32 v2, v50;
	[tilespmem:s14+$0x8400] =	vst v6  }
0xa2: {  	v48 =	vld [tilespmem:s14+$0x60];
	v54 =	vshll.u32 v15, $0x2;
	v1 =	vadd.s32 v1, v9;
	[tilespmem:s14+$0x8030] =	vst v2  }
0xa3: {  	v53 =	vld [tilespmem:s14+$0x10];
	v58 =	vshll.u32 v16, $0x2;
	v55 =	vadd.s32 v47, v54;
	[tilespmem:s14+$0x8040] =	vst v1  }
0xa4: {  	v56 =	vld [tilespmem:s14+$0x4010];
	v4 =	vshll.u32 v49, $0x2;
	v59 =	vadd.s32 v58, v13;
	[tilespmem:s14+$0x8050] =	vst v55  }
0xa5: {  	v60 =	vshll.u32 v51, $0x2;
	v4 =	vadd.s32 v12, v4;
	[tilespmem:s14+$0x8430] =	vst v59  }
0xa6: {  	v3 =	vshll.u32 v52, $0x2;
	v61 =	vadd.s32 v7, v60;
	[tilespmem:s14+$0x8020] =	vst v4  }
0xa7: {  	v5 =	vshll.u32 v48, $0x2;
	v0 =	vadd.s32 v0, v3;
	[tilespmem:s14+$0x8420] =	vst v61  }
0xa8: {  	v57 =	vadd.s32 v14, v5;
	v2 =	vshll.u32 v53, $0x2;
	[tilespmem:s14+$0x8000] =	vst v0  }
0xa9: {  	[tilespmem:s14+$0x8060] =	vst v57;
	v62 =	vadd.s32 v56, v2  }
0xaa: {  	s15 =	sor.u32 $0x440, s14;
	[tilespmem:s14+$0x8010] =	vst v62  }
0xab: {  	s30 =	sor.u32 $0x4440, s14;
	v0 =	vld.msk [tilespmem:s15+$0x0], $0xff  }
0xac: {  	v63 =	vld.msk [tilespmem:s30+$0x0], $0xff;
	_ =	sdelay $0x3  }
0xad: {  	s13 =	sadd.s32 $0x1, s13;
	v0 =	vshll.u32 v0, $0x2  }
0xae: {  	s31 =	sor.u32 $0x8440, s14;
	p0 =	sne.s32 s13, s9;
	[tilespmem:s14+$0x8430] =	vst v59;
	v0 =	vadd.s32 v0, v63  }
.Ltmp2:
0xaf: {  	[tilespmem:s31+$0x0] =	vst.msk $0xff, v0;
	(pc) =	sbr.rel @p0 .LBB2_1-.Ltmp2, $4  }
0xb0: {  	[hbm4b:s8+s1] =	stream.linear.scatter [tilespmem:s12], [sflag:$0x1], $0x4000, $0x38;
	[tilespmem:$0xC000] =	vst v63  }
0xb1: {  	_ =	swait.ge [sflag:s10], $0x4000  }
0xb2: {  	[sflag:s10] =	ssyncset.done $0x0  }
0xb3: {  	[sflag:s10] =	ssyncadd.s32 $0xFFFFC000  }
0xb4: {  	_ =	sfence.sel $0x180000  }
0xb5: {  	[bflag:$0x0] =	sbarrier.arrive $0xFFFF  }
0xb6: {  	p0 =	sne.s32 s2, $0x0;
	_ =	strace $0x90000047  }
0xb7: {  	s0 =	sadd.s32 @!p0 $0x100000, s0;
	[bflag:$0x2] =	sbarrier.arrive $0xFFFF  }
0xb8: {  	[sflag:s0] =	ssyncadd.tile.s32 @!p0 $0x1;
	_ =	shalt  }
.Lfunc_end2:
_tile_overlayer_lowered:
.L_overlay_start_2:
0xb9: {  	(tag) =	ssettag $0x2  }
0xba: {  	s0 =	rddreg [dreg:$0x0];
	s2 =	stileid.u32  }
0xbb: {  	s1 =	rddreg [dreg:$0x1];
	p0 =	sne.s32 s2, $0x0  }
0xbc: {  	s3 =	rddreg [dreg:$0x2];
	[bflag:$0x3] =	sbarrier.arrive $0xFFFF;
	s2 =	simm.s32 @!p0 $0x1C01  }
0xbd: {  	[timem:s3], [sflag:s2] =	dma.local @!p0 [hbm:s0], s1  }
0xbe: {  	s0 =	simm.s32 @!p0 $0x1  }
0xbf: {  	_ =	swait.ge @!p0 [sflag:s0], s1  }
0xc0: {  	s1 =	ssub.s32 @!p0 $0x0, s1;
	[sflag:s0] =	ssyncset.done @!p0 $0x0  }
0xc1: {  	[sflag:s0] =	ssyncadd.s32 @!p0 s1  }
0xc2: {  	[bflag:$0x3] =	sbarrier.arrive $0xFFFF  }
0xc3: {  	_ =	shalt  }

// kernel: kernel.7.cloned.1.call-start
scs
__scs_entry_jumppad:
0x0: {  	(pc) =	sbr.rel $0x88, $3  }
0x1: {  	(tag) =	ssettag $0x0;
	lr =	simm.s32 $0x1  }
0x2: {  	[smem:$0x3F9D] =	sst lr;
	_ =	strace $0xD0000000  }
0x3: {  	_ = 	snop  }
0x4: {  	_ = 	snop  }
0x5: {  	_ = 	snop  }
0x6: {  	_ = 	snop  }
0x7: {  	_ = 	snop  }
__scs_overlays_trampoline_lowered:
0x8: {  	[smem:$0x3FAC] =	sst s0  }
0x9: {  	[smem:$0x3FAD] =	sst s1  }
0xa: {  	[smem:$0x3FAE] =	sst s2  }
0xb: {  	[smem:$0x3FAF] =	sst s3  }
0xc: {  	[smem:$0x3FB0] =	sst s4  }
0xd: {  	[smem:$0x3FB1] =	sst s5  }
0xe: {  	[smem:$0x3FB2] =	sst s6  }
0xf: {  	[smem:$0x3FB3] =	sst s7  }
0x10: {  	[smem:$0x3FB4] =	sst s8  }
0x11: {  	[smem:$0x3FB5] =	sst s9;
	s0 =	simm.s32 @!p0 $0x0  }
0x12: {  	s1 =	sld [smem:$0x3F9B];
	s0 =	simm.s32 @p0 $0x1  }
0x13: {  	[smem:$0x3FB6] =	sst s0;
	s0 =	simm.s32 @!p1 $0x0  }
0x14: {  	s2 =	sld [smem:$0x3F9A];
	s0 =	simm.s32 @p1 $0x1  }
0x15: {  	[smem:$0x3FB7] =	sst s0;
	s0 =	simm.s32 @!p2 $0x0  }
0x16: {  	s3 =	sld [smem:$0x3FDB];
	s0 =	simm.s32 @p2 $0x1  }
0x17: {  	s4 =	simm.s32 $0x1BF5;
	[smem:$0x3FB9] =	sst s0  }
0x18: {  	s0 =	sld [smem:$0x3F9C];
	_ =	swait.ge [sflag:s4], $0x0  }
0x19: {  	s7 =	sld [smem:$0x3F9D]  }
0x1a: {  	s8 =	sadd.s32 $0xFFFFE003, lr  }
0x1b: {  	s9 =	sadd.s32 $0xFFFFFEF7, lr;
	s5 =	simm.s32 $0xFFFFFFFF;
	p2 =	slt.u32 s8, $0xFFFFF086  }
0x1c: {  	p1 =	slt.u32 s9, $0xF7A;
	s5 =	simm.s32 @!p2 $0x0  }
0x1d: {  	s5 =	simm.s32 @p1 $0x1;
	p0 =	seq.s32 s7, s2  }
0x1e: {  	s7 =	smul.u32 @!p0 $0xF7A, s2;
	p2 =	seq.s32 @!p0 s5, $0x0  }
0x1f: {  	s9 =	smul.u32 $0xF7A, s1;
	s8 =	simm.s32 @!p0 $0x1BF5;
	p2 =	por !p2, p0  }
0x20: {  	[sflag:s8] =	ssyncset.s32 @!p0 $0xFFFFF086;
	s6 =	sadd.s32 @!p0 s3, s7;
	s7 =	simm.s32 @!p0 $0x108  }
0x21: {  	s3 =	sadd.s32 s3, s9;
	s6 =	sadd.s32 @!p0 $0x88, s6;
	s7 =	simm.s32 @p2 $0x1082  }
0x22: {  	[simem:s7], [sflag:s8] =	dma.local @!p0 [hbm:s6], $0xF7A  }
0x23: {  	s9 =	sor.u32 $0xD0000000, s2;
	s6 =	simm.s32 $0x108;
	_ =	swait.ge @!p0 [sflag:s8], $0x0  }
0x24: {  	s3 =	sadd.s32 $0x88, s3;
	s6 =	simm.s32 @!p1 $0x1082;
	[sflag:s4] =	ssyncset.s32 $0xFFFFF086  }
0x25: {  	[simem:s6], [sflag:s4] =	dma.local [hbm:s3], $0xF7A  }
0x26: {  	[smem:$0x3F9D] =	sst s1;
	(tag) =	ssettag s2;
	_ =	strace s9  }
0x27: {  	s1 =	sld [smem:$0x3FAD]  }
0x28: {  	s2 =	sld [smem:$0x3FAE]  }
0x29: {  	s4 =	sld [smem:$0x3FB0]  }
0x2a: {  	p0 =	seq.s32 s5, $0x0;
	s5 =	sld [smem:$0x3FB1]  }
0x2b: {  	s6 =	sld [smem:$0x3FB2]  }
0x2c: {  	s7 =	sld [smem:$0x3FB3]  }
0x2d: {  	s3 =	simm.s32 $0x108;
	s8 =	sld [smem:$0x3FB4]  }
0x2e: {  	s3 =	simm.s32 @!p0 $0x1082;
	s9 =	sld [smem:$0x3FB5]  }
0x2f: {  	lr =	sadd.s32 s0, s3;
	s0 =	sld [smem:$0x3FAC]  }
0x30: {  	s3 =	sld [smem:$0x3FAF]  }
0x31: {  	[smem:$0x3FB8] =	sst s10  }
0x32: {  	s10 =	sld [smem:$0x3FB6];
	_ =	sdelay $0x3  }
0x33: {  	p0 =	seq.s32 s10, $0x1;
	s10 =	sld [smem:$0x3FB8];
	_ =	sdelay $0x3  }
0x34: {  	[smem:$0x3FB8] =	sst s10  }
0x35: {  	s10 =	sld [smem:$0x3FB7];
	_ =	sdelay $0x3  }
0x36: {  	p1 =	seq.s32 s10, $0x1;
	s10 =	sld [smem:$0x3FB8];
	_ =	sdelay $0x3  }
0x37: {  	[smem:$0x3FB8] =	sst s10  }
0x38: {  	s10 =	sld [smem:$0x3FB9]  }
0x39: {  	_ = 	snop;
	(pc) =	sbr.ind lr, $3  }
0x3a: {  	_ = 	snop  }
0x3b: {  	_ = 	snop  }
0x3c: {  	p2 =	seq.s32 s10, $0x1;
	s10 =	sld [smem:$0x3FB8]  }
0x3d: {  	_ =	shalt  }
0x3e: {  	_ =	shalt  }
0x3f: {  	_ =	shalt  }
0x40: {  	_ =	shalt  }
0x41: {  	_ =	shalt  }
0x42: {  	_ =	shalt  }
0x43: {  	_ =	shalt  }
0x44: {  	_ =	shalt  }
0x45: {  	_ =	shalt  }
0x46: {  	_ =	shalt  }
0x47: {  	_ =	shalt  }
0x48: {  	_ =	shalt  }
0x49: {  	_ =	shalt  }
0x4a: {  	_ =	shalt  }
0x4b: {  	_ =	shalt  }
0x4c: {  	_ =	shalt  }
0x4d: {  	_ =	shalt  }
0x4e: {  	_ =	shalt  }
0x4f: {  	_ =	shalt  }
0x50: {  	_ =	shalt  }
0x51: {  	_ =	shalt  }
0x52: {  	_ =	shalt  }
0x53: {  	_ =	shalt  }
0x54: {  	_ =	shalt  }
0x55: {  	_ =	shalt  }
0x56: {  	_ =	shalt  }
0x57: {  	_ =	shalt  }
0x58: {  	_ =	shalt  }
0x59: {  	_ =	shalt  }
0x5a: {  	_ =	shalt  }
0x5b: {  	_ =	shalt  }
0x5c: {  	_ =	shalt  }
0x5d: {  	_ =	shalt  }
0x5e: {  	_ =	shalt  }
0x5f: {  	_ =	shalt  }
0x60: {  	_ =	shalt  }
0x61: {  	_ =	shalt  }
0x62: {  	_ =	shalt  }
0x63: {  	_ =	shalt  }
0x64: {  	_ =	shalt  }
0x65: {  	_ =	shalt  }
0x66: {  	_ =	shalt  }
0x67: {  	_ =	shalt  }
0x68: {  	_ =	shalt  }
0x69: {  	_ =	shalt  }
0x6a: {  	_ =	shalt  }
0x6b: {  	_ =	shalt  }
0x6c: {  	_ =	shalt  }
0x6d: {  	_ =	shalt  }
0x6e: {  	_ =	shalt  }
0x6f: {  	_ =	shalt  }
0x70: {  	_ =	shalt  }
0x71: {  	_ =	shalt  }
0x72: {  	_ =	shalt  }
0x73: {  	_ =	shalt  }
0x74: {  	_ =	shalt  }
0x75: {  	_ =	shalt  }
0x76: {  	_ =	shalt  }
0x77: {  	_ =	shalt  }
0x78: {  	_ =	shalt  }
0x79: {  	_ =	shalt  }
0x7a: {  	_ =	shalt  }
0x7b: {  	_ =	shalt  }
0x7c: {  	_ =	shalt  }
0x7d: {  	_ =	shalt  }
0x7e: {  	_ =	shalt  }
0x7f: {  	_ =	shalt  }
0x80: {  	_ =	shalt  }
0x81: {  	_ =	shalt  }
0x82: {  	_ =	shalt  }
0x83: {  	_ =	shalt  }
0x84: {  	_ =	shalt  }
0x85: {  	_ =	shalt  }
0x86: {  	_ =	shalt  }
0x87: {  	_ =	shalt  }
.Lfunc_end0:
.L_simem_size_0:
called_computation.2_lowered:
.L_overlay_start_0:
0x88: {  	s2 =	sld [smem:$0x3FD9]  }
0x89: {  	s3 =	sld [smem:$0x3FFE];
	_ =	sdelay $0x1  }
0x8a: {  	s1 =	srdreg.scid  }
0x8b: {  	s0 =	sand.u32 $0x1, s1  }
0x8c: {  	s17 =	sshll.u32 s0, $0xA;
	s2 =	sadd.s32 s3, s2  }
0x8d: {  	s2 =	sadd.s32 s2, s17  }
0x8e: {  	[smem:$0x3FC4] =	sst s2  }
0x8f: {  	_ = 	snop  }
0x90: {  	s2 =	sld [smem:$0x3FD0];
	(tm) =	ssettm $0x1  }
0x91: {  	s18 =	sld [smem:$0x3FFB];
	_ =	sdelay $0x3  }
0x92: {  	_ =	strace s18  }
0x93: {  	s3 =	sld [smem:$0x3FFC];
	_ =	sdelay $0x3  }
0x94: {  	_ =	strace s3  }
0x95: {  	s3 =	sld [smem:$0x3FFD];
	_ =	sdelay $0x3  }
0x96: {  	_ =	strace s3  }
0x97: {  	_ =	strace $0x8FFFFFFF  }
0x98: {  	s19 =	sld [smem:$0x3FDB];
	_ =	sdelay $0x1  }
0x99: {  	s4 =	simm.s32 $_scs_section_size  }
0x9a: {  	s5 =	simm.s32 $_size__tile_overlayer_lowered;
	s6 =	simm.s32 $_tile_overlayer_lowered  }
0x9b: {  	s22 =	simm.s32 $0x1BFF;
	s21 =	sshll.u32 s6, $0x1;
	s3 =	sadd.s32 s4, s19  }
0x9c: {  	s7 =	simm.s32 $0x0;
	s20 =	sshll.u32 s5, $0x1;
	s5 =	sadd.s32 s21, s3  }
0x9d: {  	[timem:s7], [sflag:s22] =	dma.local [hbm:s5], s20  }
0x9e: {  	_ =	swait.ge [sflag:s22], s20  }
0x9f: {  	s4 =	ssub.s32 $0x0, s20;
	[sflag:s22] =	ssyncset.done $0x0  }
0xa0: {  	[sflag:s22] =	ssyncadd.s32 s4;
	_ =	sdelay $0x1  }
0xa1: {  	s23 =	simm.s32 $0x1B8B  }
0xa2: {  	_ =	swait.ge [sflag:s23], $0x1  }
0xa3: {  	[sflag:s23] =	ssyncset.done $0x0  }
0xa4: {  	s25 =	simm.s32 $0x1B8E;
	s24 =	sld [smem:$0x3FFE];
	[sflag:s23] =	ssyncadd.s32 $0xFFFFFFFF  }
0xa5: {  	s26 =	simm.s32 $execute0_lowered;
	[smem:$0x3FD2] =	sst s25  }
0xa6: {  	s5 =	sshll.u32 s26, $0x1;
	_ =	strace $0x80000049;
	[dreg:$0x1] =	wrdreg $0xFFFFFFFF  }
0xa7: {  	s28 =	simm.s32 $_size_execute0_lowered;
	s3 =	sadd.s32 s3, s5;
	[dreg:$0x0] =	wrdreg $0x0  }
0xa8: {  	s5 =	sshll.u32 s28, $0x1;
	[dreg:$0x2] =	wrdreg s3  }
0xa9: {  	[dreg:$0x3] =	wrdreg s5  }
0xaa: {  	[dreg:$0x4] =	wrdreg $0xC0  }
0xab: {  	_ =	task [dreg:s7], $0x5FFFF  }
0xac: {  	[dreg:$0x1] =	wrdreg $0xFFFFFFFF  }
0xad: {  	[dreg:$0x0] =	wrdreg $0x60  }
0xae: {  	[dreg:$0x2] =	wrdreg s24  }
0xaf: {  	[dreg:$0x3] =	wrdreg s2  }
0xb0: {  	[dreg:$0x4] =	wrdreg $0x0  }
0xb1: {  	[dreg:$0x5] =	wrdreg $0x9  }
0xb2: {  	_ =	task.clear_ibuf [dreg:s7], $0x6FFFF;
	_ =	strace $0x90000049  }
0xb3: {  	s29 =	simm.s32 $0x9;
	_ =	strace $0x8000004B  }
0xb4: {  	_ =	swait.ge [sflag:s29], $0x1  }
0xb5: {  	[sflag:s29] =	ssyncadd.s32 $0xFFFFFFFF  }
0xb6: {  	_ =	strace $0x9000004B  }
0xb7: {  	_ =	sfence  }
0xb8: {  	s30 =	sld [smem:$0x0];
	_ =	sdelay $0x2  }
0xb9: {  	s31 =	sshll.u32 s1, $0xD;
	s1 =	sshrl.u32 s1, $0x2  }
0xba: {  	s3 =	sand.u32 $0x4000, s31;
	s1 =	sadd.s32 s1, s30  }
0xbb: {  	s0 =	sor.u32 s3, s0;
	s1 =	sshll.u32 s1, $0x11  }
0xbc: {  	s0 =	sor.u32 s1, s0  }
0xbd: {  	s0 =	sadd.s32 $0x8F2B, s0  }
0xbe: {  	[sflag:s0] =	ssyncadd.remote.s32 $0x1  }
0xbf: {  	_ =	sfence.sel $0xFFFF  }
0xc0: {  	[dreg:$0x0] =	wrdreg $0xFFFFFFFF;
	(pc) =	sbr.abs _section_cstart, $3  }
0xc1: {  	[dreg:$0x1] =	wrdreg $0xFFFFFFFF  }
0xc2: {  	_ =	task.clear_ibuf [dreg:s7], $0x2FFFF;
	_ =	strace $0x9FFFFFFF  }
0xc3: {  	(tm) =	ssettm $0x7FFFFFFF  }
tec
execute0_lowered:
.L_overlay_start_1:
0x0: {  	(tag) =	ssettag $0x1  }
0x1: {  	s0 =	rddreg [dreg:$0x0]  }
0x2: {  	s1 =	rddreg [dreg:$0x1]  }
0x3: {  	s2 =	rddreg [dreg:$0x2];
	s3 =	simm.s32 $0x0  }
0x4: {  	s22 =	stileid.u32;
	s4 =	srdreg.scid;
	s28 =	simm.s32 $0x4F50  }
0x5: {  	s29 =	simm.s32 $0xB140;
	s30 =	simm.s32 $0x4FB0;
	s5 =	smul.u32 $0x1900, s22  }
0x6: {  	s31 =	simm.s32 $0xCF40;
	[smem:$0x7FF] =	sst s3;
	s9 =	smul.u32 $0xFA, s22  }
0x7: {  	s6 =	sand.u32 $0x1, s4;
	s24 =	sadd.s32 $0x41400, s0;
	s17 =	smul.u32 $0x13880, s22  }
0x8: {  	_ =	strace $0x8000004A;
	s7 =	ssub.s32 $0x2, s6;
	s19 =	smul.u32 $0xC80, s6  }
0x9: {  	v7 =	vlaneseq.u32;
	[dreg:$0x5] =	wrdreg s24;
	s6 =	smul.u32 $0x3E800, s6;
	s5 =	sadd.s32 s5, s0  }
0xa: {  	s8 =	sshrl.u32 s7, $0x1;
	s0 =	sadd.s32 $0x41200, s0;
	s26 =	sadd.s32 $0x10, s9;
	v0 =	vadd.s32 s9, v7  }
0xb: {  	s4 =	sadd.s32 $0x20, s9;
	s10 =	sadd.s32 $0x30, s9;
	s11 =	sadd.s32 $0x40, s9;
	v0 =	vshrl.u32 v0, $0x2;
	v1 =	vadd.s32 s26, v7  }
0xc: {  	s12 =	sadd.s32 $0x50, s9;
	s13 =	sadd.s32 $0x60, s9;
	s14 =	sadd.s32 $0x70, s9;
	v2 =	vadd.s32 s4, v7;
	v3 =	vadd.s32 s10, v7;
	v4 =	vadd.s32 s11, v7  }
0xd: {  	s15 =	sadd.s32 $0x80, s9;
	s16 =	sadd.s32 $0x90, s9;
	s18 =	sadd.s32 $0xA0, s9;
	v5 =	vadd.s32 s12, v7;
	v6 =	vadd.s32 s13, v7;
	v8 =	vadd.s32 s14, v7  }
0xe: {  	s20 =	sadd.s32 $0xB0, s9;
	s21 =	sadd.s32 $0xC0, s9;
	s23 =	sadd.s32 $0xD0, s9;
	v9 =	vadd.s32 s15, v7;
	v10 =	vadd.s32 s16, v7;
	v11 =	vadd.s32 s18, v7  }
0xf: {  	[dreg:$0x6] =	wrdreg s0;
	s25 =	ssub.s32 s7, s8;
	s7 =	sadd.s32 $0xE0, s9;
	v12 =	vadd.s32 s20, v7;
	v13 =	vadd.s32 s21, v7;
	v14 =	vadd.s32 s23, v7  }
0x10: {  	s10 =	sshrl.u32 s17, $0x2;
	s17 =	smul.u32 $0x7D000, s22;
	s9 =	sadd.s32 $0xF0, s9;
	v0 =	vmin.u32 v0, $0x3E7;
	v1 =	vshrl.u32 v1, $0x2;
	v2 =	vshrl.u32 v2, $0x2  }
0x11: {  	s8 =	smul.u32 $0xFA0, s22;
	s11 =	simm.s32 $0x5;
	s20 =	simm.s32 $0x68;
	v3 =	vshrl.u32 v3, $0x2;
	v4 =	vshrl.u32 v4, $0x2;
	v5 =	vshrl.u32 v5, $0x2  }
0x12: {  	s21 =	simm.s32 $0x5240;
	s22 =	simm.s32 $0x60;
	s23 =	simm.s32 $0x4E88;
	v6 =	vshrl.u32 v6, $0x2;
	v8 =	vshrl.u32 v8, $0x2;
	v9 =	vshrl.u32 v9, $0x2  }
0x13: {  	s13 =	simm.s32 $0x10DC0;
	s14 =	simm.s32 $0x50E0;
	s15 =	simm.s32 $0x12E40;
	v10 =	vshrl.u32 v10, $0x2;
	v15 =	vadd.s32 s7, v7;
	v16 =	vadd.s32 s9, v7  }
0x14: {  	s16 =	simm.s32 $0x2;
	s24 =	sadd.s32 s10, s2;
	s0 =	smax.u32 s25, $0x1;
	v1 =	vmin.u32 v1, $0x3E7;
	v2 =	vmin.u32 v2, $0x3E7;
	v3 =	vmin.u32 v3, $0x3E7  }
0x15: {  	s25 =	sadd.s32 s19, s5;
	s19 =	simm.s32 $0x4E20;
	[dreg:$0x7] =	wrdreg s24;
	v4 =	vmin.u32 v4, $0x3E7;
	v5 =	vmin.u32 v5, $0x3E7;
	v6 =	vmin.u32 v6, $0x3E7  }
0x16: {  	s10 =	simm.s32 $0x5078;
	[dreg:$0x8] =	wrdreg s0;
	s1 =	sadd.s32 s17, s1;
	v7 =	vmin.u32 v8, $0x3E7;
	v8 =	vmin.u32 v9, $0x3E7;
	v9 =	vmin.u32 v10, $0x3E7  }
0x17: {  	s0 =	sadd.s32 $0x1200, s25;
	s17 =	simm.s32 $0x1;
	s24 =	simm.s32 $0x72C0;
	v10 =	vshrl.u32 v11, $0x2;
	v11 =	vshrl.u32 v12, $0x2;
	v12 =	vshrl.u32 v13, $0x2  }
0x18: {  	s25 =	simm.s32 $0x4EE8;
	v13 =	vshrl.u32 v14, $0x2;
	v14 =	vshrl.u32 v15, $0x2;
	v15 =	vshrl.u32 v16, $0x2;
	s1 =	sadd.s32 s6, s1;
	[dreg:$0x4] =	wrdreg s0  }
0x19: {  	s0 =	simm.s32 $0x5018;
	v10 =	vmin.u32 v10, $0x3E7;
	v11 =	vmin.u32 v11, $0x3E7;
	v12 =	vmin.u32 v12, $0x3E7;
	s6 =	simm.s32 $0x0;
	s26 =	sadd.s32 $0xFA0, s1  }
0x1a: {  	v13 =	vmin.u32 v13, $0x3E7;
	v14 =	vmin.u32 v14, $0x3E7;
	v15 =	vmin.u32 v15, $0x3E7;
	s1 =	simm.s32 $0xEFC0;
	[dreg:$0x9] =	wrdreg s26;
	s26 =	simm.s32 $0x90C0  }
.LBB2_1:
0x1b: {  	[tilespmem:$0x5140] =	vst v0  }
0x1c: {  	[tilespmem:$0x5150] =	vst v1  }
0x1d: {  	[tilespmem:$0x5160] =	vst v2  }
0x1e: {  	[tilespmem:$0x5170] =	vst v3  }
0x1f: {  	[tilespmem:$0x5180] =	vst v4  }
0x20: {  	[tilespmem:$0x5190] =	vst v5  }
0x21: {  	[tilespmem:$0x51A0] =	vst v6  }
0x22: {  	[tilespmem:$0x51B0] =	vst v7  }
0x23: {  	[tilespmem:$0x51C0] =	vst v8  }
0x24: {  	[tilespmem:$0x51D0] =	vst v9  }
0x25: {  	[tilespmem:$0x51E0] =	vst v10  }
0x26: {  	[tilespmem:$0x51F0] =	vst v11  }
0x27: {  	[tilespmem:$0x5200] =	vst v12  }
0x28: {  	[tilespmem:$0x5210] =	vst v13  }
0x29: {  	[dreg:$0xa] =	wrdreg s6;
	[tilespmem:$0x5220] =	vst v14  }
0x2a: {  	[tilespmem:$0x5230] =	vst v15;
	s4 =	rddreg [dreg:$0x6];
	s5 =	simm.s32 $0x1DA60  }
0x2b: {  	[tilespmem:s5], [sflag:$0x5] =	stream.linear.gather [hbm4b:s4+s3], $0x40, $0x38;
	[tilespmem:$0x1DAA0] =	vst v63  }
0x2c: {  	_ =	swait.ge [sflag:s11], $0x40  }
0x2d: {  	s18 =	simm.s32 $0x5140;
	s7 =	simm.s32 $0x19A60;
	[sflag:s11] =	ssyncset.done $0x0  }
0x2e: {  	s5 =	simm.s32 $0x80;
	s4 =	rddreg [dreg:$0x5];
	[sflag:s11] =	ssyncadd.s32 $0xFFFFFFC0  }
0x2f: {  	[tilespmem:s7], [sflag:$0x1] =	stream.indirect.gather [hbm4b:s4+s5], $0x40, s18, s5, $0xb8;
	[tilespmem:$0x1DAA0] =	vst v63  }
0x30: {  	s9 =	simm.s32 $0x51C0;
	s12 =	simm.s32 $0x1BA60  }
0x31: {  	[tilespmem:s12], [sflag:$0x1] =	stream.indirect.gather [hbm4b:s4+s5], $0x40, s9, s5, $0xb8;
	[tilespmem:$0x1DAA0] =	vst v63  }
0x32: {  	_ =	swait.ge [sflag:s17], $0x2000  }
0x33: {  	[sflag:s17] =	ssyncset.done $0x0  }
0x34: {  	[sflag:s17] =	ssyncadd.s32 $0xFFFFE000  }
0x35: {  	_ =	swait.ge [sflag:s17], $0x2000  }
0x36: {  	[sflag:s17] =	ssyncset.done $0x0  }
0x37: {  	s9 =	simm.s32 $0x19A80;
	[sflag:s17] =	ssyncadd.s32 $0xFFFFE000  }
0x38: {  	v16 =	vld [tilespmem:s9+$0xFFFFFFE0];
	_ =	sdelay $0x3  }
0x39: {  	s7 =	simm.s32 $0x14C60  }
0x3a: {  	[tilespmem:s7+$0xFFFFFFE0] =	vst v16  }
0x3b: {  	v16 =	vld [tilespmem:s9+$0xFFFFFFF0];
	_ =	sdelay $0x4  }
0x3c: {  	[tilespmem:s7+$0xFFFFFFF0] =	vst v16  }
0x3d: {  	v16 =	vld [tilespmem:s9+$0x0];
	_ =	sdelay $0x4  }
0x3e: {  	[tilespmem:s7+$0x0] =	vst v16  }
0x3f: {  	v16 =	vld [tilespmem:s9+$0x10];
	_ =	sdelay $0x3  }
0x40: {  	s18 =	sadd.s32 $0x0, s8  }
0x41: {  	s9 =	sand.u32 $0x30, s18;
	[tilespmem:s7+$0x10] =	vst v16  }
0x42: {  	v16 =	vld [tilespmem:s9+$0x1DA60];
	_ =	sdelay $0x4  }
0x43: {  	s9 =	simm.s32 $0x19AC0;
	[tilespmem:s7+$0x20] =	vst v16  }
0x44: {  	s12 =	simm.s32 $0x10;
	s18 =	simm.s32 $0x20;
	v16 =	vld [tilespmem:s9+$0xFFFFFFE0]  }
.LBB2_2:
0x45: {  	p0 =	sne.s32 s18, $0xF90;
	_ =	sdelay $0x2  }
0x46: {  	s7 =	sadd.s32 $0x50, s7  }
0x47: {  	[tilespmem:s7+$0xFFFFFFE0] =	vst v16  }
0x48: {  	v16 =	vld [tilespmem:s9+$0xFFFFFFF0];
	_ =	sdelay $0x4  }
0x49: {  	[tilespmem:s7+$0xFFFFFFF0] =	vst v16  }
0x4a: {  	v16 =	vld [tilespmem:s9+$0x0];
	_ =	sdelay $0x4  }
0x4b: {  	[tilespmem:s7+$0x0] =	vst v16  }
0x4c: {  	v16 =	vld [tilespmem:s9+$0x10];
	_ =	sdelay $0x3  }
0x4d: {  	s4 =	sadd.s32 s12, s8;
	s12 =	smov.u32 s18  }
0x4e: {  	s4 =	sand.u32 $0x30, s4;
	[tilespmem:s7+$0x10] =	vst v16  }
0x4f: {  	v16 =	vld [tilespmem:s4+$0x1DA60];
	_ =	sdelay $0x1  }
.Ltmp0:
0x50: {  	(pc) =	sbr.rel @p0 .LBB2_2-.Ltmp0, $3  }
0x51: {  	_ =	sdelay $0x1  }
0x52: {  	s9 =	sadd.s32 $0x40, s9;
	[tilespmem:s7+$0x20] =	vst v16  }
0x53: {  	s18 =	sadd.s32 $0x10, s18;
	v16 =	vld [tilespmem:s9+$0xFFFFFFE0]  }
0x54: {  	_ =	sdelay $0x2  }
0x55: {  	s4 =	sadd.s32 $0x50, s7  }
0x56: {  	[tilespmem:s4+$0xFFFFFFE0] =	vst v16  }
0x57: {  	v16 =	vld [tilespmem:s9+$0xFFFFFFF0];
	_ =	sdelay $0x4  }
0x58: {  	[tilespmem:s4+$0xFFFFFFF0] =	vst v16  }
0x59: {  	v16 =	vld [tilespmem:s9+$0x0];
	_ =	sdelay $0x4  }
0x5a: {  	[tilespmem:s4+$0x0] =	vst v16  }
0x5b: {  	v16 =	vld [tilespmem:s9+$0x10];
	_ =	sdelay $0x3  }
0x5c: {  	s6 =	sadd.s32 s12, s8  }
0x5d: {  	s7 =	sand.u32 $0x30, s6;
	[tilespmem:s4+$0x10] =	vst v16  }
0x5e: {  	v16 =	vld [tilespmem:s7+$0x1DA60];
	_ =	sdelay $0x4  }
0x5f: {  	s5 =	simm.s32 $0x14C40;
	s7 =	rddreg [dreg:$0x7];
	[tilespmem:s4+$0x20] =	vst v16  }
0x60: {  	[spmem:s7] =	stream.linear.scatter [tilespmem:s5], [sflag:$0x5], $0x4E20, $0x38;
	[tilespmem:$0x1DAA0] =	vst v63  }
0x61: {  	_ =	swait.ge [sflag:s11], $0x4E20  }
0x62: {  	[sflag:s11] =	ssyncset.done $0x0  }
0x63: {  	p0 =	por $0x1, $0x1;
	[sflag:s11] =	ssyncadd.s32 $0xFFFFB1E0  }
0x64: {  	s4 =	simm.s32 @!p0 $0x3;
	[bflag:$0x0] =	sbarrier.arrive $0xFFFF  }
0x65: {  	_ =	swait.ge @!p0 [sflag:s4], $0x7D00  }
0x66: {  	s9 =	rddreg [dreg:$0x4];
	[sflag:s4] =	ssyncset.done @!p0 $0x0  }
0x67: {  	[sflag:s4] =	ssyncadd.s32 @!p0 $0xFFFF8300;
	s12 =	sadd.s32 $0x0, s9  }
0x68: {  	[tilespmem:s19], [sflag:$0x5] =	stream.linear.gather [hbm4b:s12+s3], $0x190, $0x38;
	[tilespmem:$0x1DAA0] =	vst v63  }
0x69: {  	_ =	swait.ge [sflag:s11], $0x190  }
0x6a: {  	[sflag:s11] =	ssyncset.done $0x0  }
0x6b: {  	[sflag:s11] =	ssyncadd.s32 $0xFFFFFE70  }
0x6c: {  	[tilespmem:s21], [sflag:$0x1] =	stream.indirect.gather [spmem:s2], $0x50, s19, s20, $0xb8;
	[tilespmem:$0x1DAA0] =	vst v63  }
0x6d: {  	_ = 	snop  }
0x6e: {  	[tilespmem:s24], [sflag:$0x1] =	stream.indirect.gather [spmem:s2], $0x50, s23, s22, $0xb8;
	[tilespmem:$0x1DAA0] =	vst v63  }
0x6f: {  	_ = 	snop  }
0x70: {  	[tilespmem:s26], [sflag:$0x1] =	stream.indirect.gather [spmem:s2], $0x50, s25, s20, $0xb8;
	[tilespmem:$0x1DAA0] =	vst v63  }
0x71: {  	s7 =	simm.s32 @!p0 $0x4  }
0x72: {  	[tilespmem:s29], [sflag:$0x1] =	stream.indirect.gather [spmem:s2], $0x50, s28, s22, $0xb8;
	[tilespmem:$0x1DAA0] =	vst v63  }
0x73: {  	_ =	swait.ge @!p0 [sflag:s7], $0x7D00  }
0x74: {  	[sflag:s7] =	ssyncset.done @!p0 $0x0  }
0x75: {  	s4 =	sadd.s32 $0x32, s12;
	[sflag:s7] =	ssyncadd.s32 @!p0 $0xFFFF8300  }
0x76: {  	[tilespmem:s30], [sflag:$0x5] =	stream.linear.gather [hbm4b:s4+s3], $0x190, $0x38;
	[tilespmem:$0x1DAA0] =	vst v63  }
0x77: {  	_ =	swait.ge [sflag:s11], $0x190  }
0x78: {  	[sflag:s11] =	ssyncset.done $0x0  }
0x79: {  	[sflag:s11] =	ssyncadd.s32 $0xFFFFFE70  }
0x7a: {  	[tilespmem:s31], [sflag:$0x2] =	stream.indirect.gather [spmem:s2], $0x50, s30, s20, $0xb8;
	[tilespmem:$0x1DAA0] =	vst v63  }
0x7b: {  	_ = 	snop  }
0x7c: {  	[tilespmem:s1], [sflag:$0x2] =	stream.indirect.gather [spmem:s2], $0x50, s0, s22, $0xb8;
	[tilespmem:$0x1DAA0] =	vst v63  }
0x7d: {  	_ = 	snop  }
0x7e: {  	[tilespmem:s13], [sflag:$0x2] =	stream.indirect.gather [spmem:s2], $0x50, s10, s20, $0xb8;
	[tilespmem:$0x1DAA0] =	vst v63  }
0x7f: {  	_ = 	snop  }
0x80: {  	[tilespmem:s15], [sflag:$0x2] =	stream.indirect.gather [spmem:s2], $0x50, s14, s22, $0xb8;
	[tilespmem:$0x1DAA0] =	vst v63  }
0x81: {  	_ =	swait.ge [sflag:s17], $0x2080  }
0x82: {  	[sflag:s17] =	ssyncset.done $0x0  }
0x83: {  	[sflag:s17] =	ssyncadd.s32 $0xFFFFDF80  }
0x84: {  	_ =	swait.ge [sflag:s17], $0x1E00  }
0x85: {  	[sflag:s17] =	ssyncset.done $0x0  }
0x86: {  	[sflag:s17] =	ssyncadd.s32 $0xFFFFE200  }
0x87: {  	_ =	swait.ge [sflag:s17], $0x2080  }
0x88: {  	[sflag:s17] =	ssyncset.done $0x0  }
0x89: {  	[sflag:s17] =	ssyncadd.s32 $0xFFFFDF80  }
0x8a: {  	_ =	swait.ge [sflag:s17], $0x1E00  }
0x8b: {  	[sflag:s17] =	ssyncset.done $0x0;
	s9 =	rddreg [dreg:$0x9]  }
0x8c: {  	[sflag:s17] =	ssyncadd.s32 $0xFFFFE200;
	s18 =	sadd.s32 $0xFFFFF060, s9  }
0x8d: {  	[hbm4b:s18+s3] =	stream.linear.scatter [tilespmem:s21], [sflag:$0x3], $0x7D00, $0x38;
	[tilespmem:$0x1DAA0] =	vst v63  }
0x8e: {  	_ =	swait.ge [sflag:s16], $0x2080  }
0x8f: {  	[sflag:s16] =	ssyncset.done $0x0  }
0x90: {  	[sflag:s16] =	ssyncadd.s32 $0xFFFFDF80  }
0x91: {  	_ =	swait.ge [sflag:s16], $0x1E00  }
0x92: {  	[sflag:s16] =	ssyncset.done $0x0  }
0x93: {  	[sflag:s16] =	ssyncadd.s32 $0xFFFFE200  }
0x94: {  	_ =	swait.ge [sflag:s16], $0x2080  }
0x95: {  	[sflag:s16] =	ssyncset.done $0x0  }
0x96: {  	[sflag:s16] =	ssyncadd.s32 $0xFFFFDF80  }
0x97: {  	p1 =	por $0x0, $0x0;
	s12 =	simm.s32 $0x64;
	_ =	swait.ge [sflag:s16], $0x1E00  }
0x98: {  	s7 =	sadd.s32 $0x1F40, s9;
	s18 =	simm.s32 $0xC8;
	[sflag:s16] =	ssyncset.done $0x0  }
.LBB2_4:
0x99: {  	s4 =	simm.s32 @!p1 $0x3;
	[sflag:s16] =	ssyncadd.s32 $0xFFFFE200  }
0x9a: {  	[hbm4b:s9+s3] =	stream.linear.scatter [tilespmem:s31], [sflag:$0x4], $0x7D00, $0x38;
	[tilespmem:$0x1DAA0] =	vst v63  }
0x9b: {  	_ =	swait.ge @!p1 [sflag:s4], $0x7D00  }
0x9c: {  	[sflag:s4] =	ssyncset.done @!p1 $0x0;
	s6 =	rddreg [dreg:$0x4]  }
0x9d: {  	[sflag:s4] =	ssyncadd.s32 @!p1 $0xFFFF8300;
	s6 =	sadd.s32 s12, s6  }
0x9e: {  	[tilespmem:s19], [sflag:$0x5] =	stream.linear.gather [hbm4b:s6+s3], $0x190, $0x38;
	[tilespmem:$0x1DAA0] =	vst v63  }
0x9f: {  	_ =	swait.ge [sflag:s11], $0x190  }
0xa0: {  	[sflag:s11] =	ssyncset.done $0x0  }
0xa1: {  	[sflag:s11] =	ssyncadd.s32 $0xFFFFFE70  }
0xa2: {  	[tilespmem:s21], [sflag:$0x1] =	stream.indirect.gather [spmem:s2], $0x50, s19, s20, $0xb8;
	[tilespmem:$0x1DAA0] =	vst v63  }
0xa3: {  	_ = 	snop  }
0xa4: {  	[tilespmem:s24], [sflag:$0x1] =	stream.indirect.gather [spmem:s2], $0x50, s23, s22, $0xb8;
	[tilespmem:$0x1DAA0] =	vst v63  }
0xa5: {  	s5 =	smov.u32 s18  }
0xa6: {  	[tilespmem:s26], [sflag:$0x1] =	stream.indirect.gather [spmem:s2], $0x50, s25, s20, $0xb8;
	[tilespmem:$0x1DAA0] =	vst v63  }
0xa7: {  	s12 =	smov.u32 s5;
	s5 =	simm.s32 @!p1 $0x4  }
0xa8: {  	[tilespmem:s29], [sflag:$0x1] =	stream.indirect.gather [spmem:s2], $0x50, s28, s22, $0xb8;
	[tilespmem:$0x1DAA0] =	vst v63  }
0xa9: {  	_ =	swait.ge @!p1 [sflag:s5], $0x7D00  }
0xaa: {  	[sflag:s5] =	ssyncset.done @!p1 $0x0  }
0xab: {  	s4 =	sadd.s32 $0x32, s6;
	[sflag:s5] =	ssyncadd.s32 @!p1 $0xFFFF8300  }
0xac: {  	[tilespmem:s30], [sflag:$0x5] =	stream.linear.gather [hbm4b:s4+s3], $0x190, $0x38;
	[tilespmem:$0x1DAA0] =	vst v63  }
0xad: {  	_ =	swait.ge [sflag:s11], $0x190  }
0xae: {  	[sflag:s11] =	ssyncset.done $0x0  }
0xaf: {  	[sflag:s11] =	ssyncadd.s32 $0xFFFFFE70  }
0xb0: {  	[tilespmem:s31], [sflag:$0x2] =	stream.indirect.gather [spmem:s2], $0x50, s30, s20, $0xb8;
	[tilespmem:$0x1DAA0] =	vst v63  }
0xb1: {  	_ = 	snop  }
0xb2: {  	[tilespmem:s1], [sflag:$0x2] =	stream.indirect.gather [spmem:s2], $0x50, s0, s22, $0xb8;
	[tilespmem:$0x1DAA0] =	vst v63  }
0xb3: {  	_ = 	snop  }
0xb4: {  	[tilespmem:s13], [sflag:$0x2] =	stream.indirect.gather [spmem:s2], $0x50, s10, s20, $0xb8;
	[tilespmem:$0x1DAA0] =	vst v63  }
0xb5: {  	_ = 	snop  }
0xb6: {  	[tilespmem:s15], [sflag:$0x2] =	stream.indirect.gather [spmem:s2], $0x50, s14, s22, $0xb8;
	[tilespmem:$0x1DAA0] =	vst v63  }
0xb7: {  	_ =	swait.ge [sflag:s17], $0x2080  }
0xb8: {  	[sflag:s17] =	ssyncset.done $0x0  }
0xb9: {  	[sflag:s17] =	ssyncadd.s32 $0xFFFFDF80  }
0xba: {  	_ =	swait.ge [sflag:s17], $0x1E00  }
0xbb: {  	[sflag:s17] =	ssyncset.done $0x0  }
0xbc: {  	[sflag:s17] =	ssyncadd.s32 $0xFFFFE200  }
0xbd: {  	_ =	swait.ge [sflag:s17], $0x2080  }
0xbe: {  	[sflag:s17] =	ssyncset.done $0x0  }
0xbf: {  	[sflag:s17] =	ssyncadd.s32 $0xFFFFDF80  }
0xc0: {  	_ =	swait.ge [sflag:s17], $0x1E00  }
0xc1: {  	[sflag:s17] =	ssyncset.done $0x0  }
0xc2: {  	s6 =	sadd.s32 $0xFFFFF060, s7;
	[sflag:s17] =	ssyncadd.s32 $0xFFFFE200  }
0xc3: {  	[hbm4b:s6+s3] =	stream.linear.scatter [tilespmem:s21], [sflag:$0x3], $0x7D00, $0x38;
	[tilespmem:$0x1DAA0] =	vst v63  }
0xc4: {  	_ =	swait.ge [sflag:s16], $0x2080  }
0xc5: {  	[sflag:s16] =	ssyncset.done $0x0  }
0xc6: {  	[sflag:s16] =	ssyncadd.s32 $0xFFFFDF80  }
0xc7: {  	_ =	swait.ge [sflag:s16], $0x1E00  }
0xc8: {  	s18 =	sadd.s32 $0x64, s18;
	[sflag:s16] =	ssyncset.done $0x0  }
0xc9: {  	p0 =	sne.s32 s18, $0xC80;
	[sflag:s16] =	ssyncadd.s32 $0xFFFFE200  }
.Ltmp1:
0xca: {  	_ =	swait.ge [sflag:s16], $0x2080;
	(pc) =	sbr.rel @p0 .LBB2_4-.Ltmp1, $4  }
0xcb: {  	[sflag:s16] =	ssyncset.done $0x0  }
0xcc: {  	[sflag:s16] =	ssyncadd.s32 $0xFFFFDF80  }
0xcd: {  	s9 =	smov.u32 s7;
	_ =	swait.ge [sflag:s16], $0x1E00  }
0xce: {  	s7 =	sadd.s32 $0x1F40, s7;
	p1 =	seq.s32 s12, $0x0;
	[sflag:s16] =	ssyncset.done $0x0  }
0xcf: {  	s4 =	simm.s32 @!p1 $0x3;
	[sflag:s16] =	ssyncadd.s32 $0xFFFFE200  }
0xd0: {  	[hbm4b:s9+s3] =	stream.linear.scatter [tilespmem:s31], [sflag:$0x4], $0x7D00, $0x38;
	[tilespmem:$0x1DAA0] =	vst v63  }
0xd1: {  	_ =	swait.ge @!p1 [sflag:s4], $0x7D00  }
0xd2: {  	s5 =	rddreg [dreg:$0x4];
	[sflag:s4] =	ssyncset.done @!p1 $0x0  }
0xd3: {  	[sflag:s4] =	ssyncadd.s32 @!p1 $0xFFFF8300;
	s18 =	sadd.s32 s12, s5  }
0xd4: {  	[tilespmem:s19], [sflag:$0x5] =	stream.linear.gather [hbm4b:s18+s3], $0x190, $0x38;
	[tilespmem:$0x1DAA0] =	vst v63  }
0xd5: {  	_ =	swait.ge [sflag:s11], $0x190  }
0xd6: {  	[sflag:s11] =	ssyncset.done $0x0  }
0xd7: {  	[sflag:s11] =	ssyncadd.s32 $0xFFFFFE70  }
0xd8: {  	[tilespmem:s21], [sflag:$0x1] =	stream.indirect.gather [spmem:s2], $0x50, s19, s20, $0xb8;
	[tilespmem:$0x1DAA0] =	vst v63  }
0xd9: {  	_ = 	snop  }
0xda: {  	[tilespmem:s24], [sflag:$0x1] =	stream.indirect.gather [spmem:s2], $0x50, s23, s22, $0xb8;
	[tilespmem:$0x1DAA0] =	vst v63  }
0xdb: {  	_ = 	snop  }
0xdc: {  	[tilespmem:s26], [sflag:$0x1] =	stream.indirect.gather [spmem:s2], $0x50, s25, s20, $0xb8;
	[tilespmem:$0x1DAA0] =	vst v63  }
0xdd: {  	s5 =	simm.s32 @!p1 $0x4  }
0xde: {  	[tilespmem:s29], [sflag:$0x1] =	stream.indirect.gather [spmem:s2], $0x50, s28, s22, $0xb8;
	[tilespmem:$0x1DAA0] =	vst v63  }
0xdf: {  	_ =	swait.ge @!p1 [sflag:s5], $0x7D00  }
0xe0: {  	[sflag:s5] =	ssyncset.done @!p1 $0x0  }
0xe1: {  	s4 =	sadd.s32 $0x32, s18;
	[sflag:s5] =	ssyncadd.s32 @!p1 $0xFFFF8300  }
0xe2: {  	[tilespmem:s30], [sflag:$0x5] =	stream.linear.gather [hbm4b:s4+s3], $0x190, $0x38;
	[tilespmem:$0x1DAA0] =	vst v63  }
0xe3: {  	_ =	swait.ge [sflag:s11], $0x190  }
0xe4: {  	[sflag:s11] =	ssyncset.done $0x0  }
0xe5: {  	[sflag:s11] =	ssyncadd.s32 $0xFFFFFE70  }
0xe6: {  	[tilespmem:s31], [sflag:$0x2] =	stream.indirect.gather [spmem:s2], $0x50, s30, s20, $0xb8;
	[tilespmem:$0x1DAA0] =	vst v63  }
0xe7: {  	_ = 	snop  }
0xe8: {  	[tilespmem:s1], [sflag:$0x2] =	stream.indirect.gather [spmem:s2], $0x50, s0, s22, $0xb8;
	[tilespmem:$0x1DAA0] =	vst v63  }
0xe9: {  	_ = 	snop  }
0xea: {  	[tilespmem:s13], [sflag:$0x2] =	stream.indirect.gather [spmem:s2], $0x50, s10, s20, $0xb8;
	[tilespmem:$0x1DAA0] =	vst v63  }
0xeb: {  	_ = 	snop  }
0xec: {  	[tilespmem:s15], [sflag:$0x2] =	stream.indirect.gather [spmem:s2], $0x50, s14, s22, $0xb8;
	[tilespmem:$0x1DAA0] =	vst v63  }
0xed: {  	_ =	swait.ge [sflag:s17], $0x2080  }
0xee: {  	[sflag:s17] =	ssyncset.done $0x0  }
0xef: {  	[sflag:s17] =	ssyncadd.s32 $0xFFFFDF80  }
0xf0: {  	_ =	swait.ge [sflag:s17], $0x1E00  }
0xf1: {  	[sflag:s17] =	ssyncset.done $0x0  }
0xf2: {  	[sflag:s17] =	ssyncadd.s32 $0xFFFFE200  }
0xf3: {  	_ =	swait.ge [sflag:s17], $0x2080  }
0xf4: {  	[sflag:s17] =	ssyncset.done $0x0  }
0xf5: {  	[sflag:s17] =	ssyncadd.s32 $0xFFFFDF80  }
0xf6: {  	_ =	swait.ge [sflag:s17], $0x1E00  }
0xf7: {  	[sflag:s17] =	ssyncset.done $0x0  }
0xf8: {  	s6 =	sadd.s32 $0xFFFFF060, s7;
	[sflag:s17] =	ssyncadd.s32 $0xFFFFE200  }
0xf9: {  	[hbm4b:s6+s3] =	stream.linear.scatter [tilespmem:s21], [sflag:$0x3], $0x7D00, $0x38;
	[tilespmem:$0x1DAA0] =	vst v63  }
0xfa: {  	_ =	swait.ge [sflag:s16], $0x2080  }
0xfb: {  	[sflag:s16] =	ssyncset.done $0x0  }
0xfc: {  	[sflag:s16] =	ssyncadd.s32 $0xFFFFDF80  }
0xfd: {  	_ =	swait.ge [sflag:s16], $0x1E00  }
0xfe: {  	[sflag:s16] =	ssyncset.done $0x0  }
0xff: {  	[sflag:s16] =	ssyncadd.s32 $0xFFFFE200  }
0x100: {  	_ =	swait.ge [sflag:s16], $0x2080  }
0x101: {  	[sflag:s16] =	ssyncset.done $0x0  }
0x102: {  	[sflag:s16] =	ssyncadd.s32 $0xFFFFDF80  }
0x103: {  	_ =	swait.ge [sflag:s16], $0x1E00  }
0x104: {  	[sflag:s16] =	ssyncset.done $0x0  }
0x105: {  	s9 =	simm.s32 $0x3;
	[sflag:s16] =	ssyncadd.s32 $0xFFFFE200  }
0x106: {  	[hbm4b:s7+s3] =	stream.linear.scatter [tilespmem:s31], [sflag:$0x4], $0x7D00, $0x38;
	[tilespmem:$0x1DAA0] =	vst v63  }
0x107: {  	_ =	swait.ge [sflag:s9], $0x7D00  }
0x108: {  	[sflag:s9] =	ssyncset.done $0x0  }
0x109: {  	s12 =	simm.s32 $0x4;
	[sflag:s9] =	ssyncadd.s32 $0xFFFF8300  }
0x10a: {  	_ =	swait.ge [sflag:s12], $0x7D00  }
0x10b: {  	s6 =	rddreg [dreg:$0xa]  }
0x10c: {  	s18 =	rddreg [dreg:$0x8];
	s6 =	sadd.s32 $0x1, s6  }
0x10d: {  	p0 =	sne.s32 s6, s18  }
.Ltmp2:
0x10e: {  	_ = 	snop;
	(pc) =	sbr.rel @p0 .LBB2_1-.Ltmp2, $3  }
0x10f: {  	_ =	sdelay $0x1  }
0x110: {  	[sflag:s12] =	ssyncset.done $0x0  }
0x111: {  	[sflag:s12] =	ssyncadd.s32 $0xFFFF8300  }
0x112: {  	_ =	sfence.sel $0x180000  }
0x113: {  	[bflag:$0x0] =	sbarrier.arrive $0xFFFF  }
0x114: {  	_ =	strace $0x9000004A  }
0x115: {  	s0 =	stileid.u32;
	[bflag:$0x2] =	sbarrier.arrive $0xFFFF  }
0x116: {  	p0 =	sne.s32 s0, $0x0;
	s0 =	rddreg [dreg:$0x3]  }
0x117: {  	s0 =	sadd.s32 @!p0 $0x100000, s0  }
0x118: {  	[sflag:s0] =	ssyncadd.tile.s32 @!p0 $0x1;
	_ =	shalt  }
.Lfunc_end2:
_tile_overlayer_lowered:
.L_overlay_start_2:
0x119: {  	(tag) =	ssettag $0x2  }
0x11a: {  	s0 =	rddreg [dreg:$0x0];
	s2 =	stileid.u32  }
0x11b: {  	s1 =	rddreg [dreg:$0x1];
	p0 =	sne.s32 s2, $0x0  }
0x11c: {  	s3 =	rddreg [dreg:$0x2];
	[bflag:$0x3] =	sbarrier.arrive $0xFFFF;
	s2 =	simm.s32 @!p0 $0x1C05  }
0x11d: {  	[timem:s3], [sflag:s2] =	dma.local @!p0 [hbm:s0], s1  }
0x11e: {  	s0 =	simm.s32 @!p0 $0x5  }
0x11f: {  	_ =	swait.ge @!p0 [sflag:s0], s1  }
0x120: {  	s1 =	ssub.s32 @!p0 $0x0, s1;
	[sflag:s0] =	ssyncset.done @!p0 $0x0  }
0x121: {  	[sflag:s0] =	ssyncadd.s32 @!p0 s1  }
0x122: {  	[bflag:$0x3] =	sbarrier.arrive $0xFFFF  }
0x123: {  	_ =	shalt  }

// kernel: sparse-core-data-format-call.cloned.1.call-start
scs
called_computation_lowered:
.L_overlay_start_0:
0x0: {  	s2 =	sld [smem:$0x3FD9]  }
0x1: {  	s3 =	sld [smem:$0x3FFE];
	_ =	sdelay $0x1  }
0x2: {  	s1 =	srdreg.scid  }
0x3: {  	s0 =	sand.u32 $0x1, s1  }
0x4: {  	s18 =	sshll.u32 s0, $0xA;
	s2 =	sadd.s32 s3, s2  }
0x5: {  	s2 =	sadd.s32 s2, s18  }
0x6: {  	[smem:$0x3FC4] =	sst s2  }
0x7: {  	_ = 	snop  }
0x8: {  	s2 =	sld [smem:$0x3FD0];
	(tm) =	ssettm $0x1  }
0x9: {  	s19 =	sld [smem:$0x3FFB];
	_ =	sdelay $0x3  }
0xa: {  	_ =	strace s19  }
0xb: {  	s3 =	sld [smem:$0x3FFC];
	_ =	sdelay $0x3  }
0xc: {  	_ =	strace s3  }
0xd: {  	s3 =	sld [smem:$0x3FFD];
	_ =	sdelay $0x3  }
0xe: {  	_ =	strace s3  }
0xf: {  	_ =	strace $0x8FFFFFFF  }
0x10: {  	s20 =	sld [smem:$0x3FDB];
	_ =	sdelay $0x1  }
0x11: {  	s4 =	simm.s32 $_scs_section_size  }
0x12: {  	s5 =	simm.s32 $_size__tile_overlayer_lowered;
	s6 =	simm.s32 $_tile_overlayer_lowered  }
0x13: {  	s23 =	simm.s32 $0x1BFF;
	s22 =	sshll.u32 s6, $0x1;
	s3 =	sadd.s32 s4, s20  }
0x14: {  	s7 =	simm.s32 $0x0;
	s21 =	sshll.u32 s5, $0x1;
	s5 =	sadd.s32 s22, s3  }
0x15: {  	[timem:s7], [sflag:s23] =	dma.local [hbm:s5], s21  }
0x16: {  	_ =	swait.ge [sflag:s23], s21  }
0x17: {  	s4 =	ssub.s32 $0x0, s21;
	[sflag:s23] =	ssyncset.done $0x0  }
0x18: {  	[sflag:s23] =	ssyncadd.s32 s4;
	_ =	sdelay $0x1  }
0x19: {  	s24 =	simm.s32 $0x1B8B  }
0x1a: {  	_ =	swait.ge [sflag:s24], $0x1  }
0x1b: {  	[sflag:s24] =	ssyncset.done $0x0  }
0x1c: {  	s26 =	simm.s32 $0x1B8E;
	s25 =	sld [smem:$0x3FFE];
	[sflag:s24] =	ssyncadd.s32 $0xFFFFFFFF  }
0x1d: {  	s27 =	simm.s32 $execute0_lowered;
	[smem:$0x3FD2] =	sst s26  }
0x1e: {  	s5 =	sshll.u32 s27, $0x1;
	_ =	strace $0x8000004C;
	[dreg:$0x1] =	wrdreg $0xFFFFFFFF  }
0x1f: {  	s28 =	simm.s32 $_size_execute0_lowered;
	s3 =	sadd.s32 s3, s5;
	[dreg:$0x0] =	wrdreg $0x0  }
0x20: {  	s5 =	sshll.u32 s28, $0x1;
	[dreg:$0x2] =	wrdreg s3  }
0x21: {  	[dreg:$0x3] =	wrdreg s5  }
0x22: {  	[dreg:$0x4] =	wrdreg $0xC0  }
0x23: {  	_ =	task [dreg:s7], $0x5FFFF  }
0x24: {  	[dreg:$0x1] =	wrdreg $0xFFFFFFFF  }
0x25: {  	[dreg:$0x0] =	wrdreg $0x60  }
0x26: {  	[dreg:$0x2] =	wrdreg s25  }
0x27: {  	[dreg:$0x3] =	wrdreg s2  }
0x28: {  	[dreg:$0x4] =	wrdreg $0x9  }
0x29: {  	_ =	task.clear_ibuf [dreg:s7], $0x5FFFF;
	_ =	strace $0x9000004C  }
0x2a: {  	s29 =	simm.s32 $0x9;
	_ =	strace $0x8000004E  }
0x2b: {  	_ =	swait.ge [sflag:s29], $0x1  }
0x2c: {  	[sflag:s29] =	ssyncadd.s32 $0xFFFFFFFF  }
0x2d: {  	_ =	strace $0x9000004E  }
0x2e: {  	_ =	sfence  }
0x2f: {  	s30 =	sld [smem:$0x0];
	_ =	sdelay $0x2  }
0x30: {  	s31 =	sshll.u32 s1, $0xD;
	s1 =	sshrl.u32 s1, $0x2  }
0x31: {  	s3 =	sand.u32 $0x4000, s31;
	s1 =	sadd.s32 s1, s30  }
0x32: {  	s0 =	sor.u32 s3, s0;
	s1 =	sshll.u32 s1, $0x11  }
0x33: {  	s0 =	sor.u32 s1, s0  }
0x34: {  	s0 =	sadd.s32 $0x8F2B, s0  }
0x35: {  	[sflag:s0] =	ssyncadd.remote.s32 $0x1  }
0x36: {  	_ =	sfence.sel $0xFFFF  }
0x37: {  	[dreg:$0x0] =	wrdreg $0xFFFFFFFF;
	(pc) =	sbr.abs _section_cstart, $3  }
0x38: {  	[dreg:$0x1] =	wrdreg $0xFFFFFFFF  }
0x39: {  	_ =	task.clear_ibuf [dreg:s7], $0x2FFFF;
	_ =	strace $0x9FFFFFFF  }
0x3a: {  	(tm) =	ssettm $0x7FFFFFFF  }
0x3b: {  	_ =	shalt  }
tec
execute0_lowered:
.L_overlay_start_1:
0x0: {  	(tag) =	ssettag $0x1  }
0x1: {  	s0 =	srdreg.scid  }
0x2: {  	s1 =	sshll.u32 s0, $0x4  }
0x3: {  	s6 =	rddreg [dreg:$0x0];
	s0 =	stileid.u32;
	s1 =	sand.u32 $0x10, s1  }
0x4: {  	s3 =	rddreg [dreg:$0x1];
	s1 =	sor.u32 s0, s1  }
0x5: {  	s5 =	simm.s32 $0x1;
	s31 =	simm.s32 $0x2;
	s2 =	sshll.u32 s1, $0x7  }
0x6: {  	s15 =	simm.s32 $0x0;
	s8 =	simm.s32 $0x8000;
	s4 =	ssub.s32 $0x1000, s2  }
0x7: {  	s14 =	simm.s32 $0x0;
	s9 =	simm.s32 $0x0;
	s30 =	sand.u32 $0xF80, s4  }
0x8: {  	s10 =	simm.s32 $0x0;
	s11 =	simm.s32 $0x0;
	p0 =	sne.s32 s30, $0x0  }
.Ltmp0:
0x9: {  	s7 =	sshrl.u32 s4, $0xC;
	s5 =	simm.s32 @!p0 $0x0;
	(pc) =	sbr.rel .LBB1_1-.Ltmp0, $4  }
0xa: {  	s13 =	simm.s32 $0x0;
	s1 =	rddreg [dreg:$0x2];
	s5 =	sadd.s32 s5, s7  }
0xb: {  	_ =	strace $0x8000004D;
	s4 =	simm.s32 $0x1;
	s5 =	smul.u32 $0xC8, s5  }
0xc: {  	s6 =	sadd.s32 $0x1200, s6;
	s12 =	smov.u32 s2;
	[sflag:s4] =	ssyncpa.u1 $0x0  }
0xd: {  	[sflag:s31] =	ssyncpa.u1 $0x0;
	p0 =	por $0x0, $0x0;
	s7 =	sor.u32 $0x1, s5  }
.LBB1_4:
0xe: {  	s20 =	sshra.s32 s20, $0x2;
	s28 =	sshll.u32 s10, $0x3;
	p1 =	sgt.s32 s9, $0xC7  }
0xf: {  	s21 =	smov.u32 s9;
	s23 =	sshra.s32 s9, $0x1F;
	s24 =	smov.u32 s10  }
0x10: {  	v5 =	vld [tilespmem:s17+$0xFFFFFFD0];
	[tilespmem:s18+$0x2040 ss:$0x81] =	vst.msk $0xffff, v4;
	s25 =	sshra.s32 s10, $0x1F;
	s26 =	sand.u32 $0x78, s10;
	s19 =	sadd.s32 s20, s19  }
0x11: {  	v58 =	vld [tilespmem:s17+$0xFFFFFFE0];
	[tilespmem:s18+$0x2850 ss:$0x81] =	vst.msk $0xffff, v3;
	s22 =	sshrl.u32 s28, $0xC;
	s21 =	simm.s32 @!p1 $0xC7;
	s23 =	sand.u32 s23, s9  }
0x12: {  	v59 =	vld [tilespmem:s17+$0xFFFFFFF0];
	[tilespmem:s18+$0x3060 ss:$0x81] =	vst.msk $0xffff, v2;
	p1 =	sgt.s32 s10, $0xF80;
	s29 =	sand.u32 s25, s10;
	s20 =	sand.u32 $0xC00, s28  }
0x13: {  	v60 =	vld [tilespmem:s17+$0x0];
	[tilespmem:s18+$0x0 ss:$0x81] =	vst.msk $0xffff, v0;
	s28 =	smul.u32 $0xA000, s9;
	s21 =	ssub.s32 s21, s23;
	s24 =	simm.s32 @!p1 $0xF80  }
0x14: {  	v61 =	vld [tilespmem:s17+$0x10];
	s30 =	smulhi.u32 $0x3333334, s22;
	[tilespmem:s19+$0x3870 ss:$0x81] =	vst.msk $0xffff, v1;
	s20 =	sor.u32 s26, s20;
	s31 =	ssub.s32 $0xC8, s21  }
0x15: {  	v62 =	vld [tilespmem:s17+$0x20];
	s23 =	ssub.s32 s24, s29;
	s21 =	sadd.s32 $0xFFFFFF39, s21;
	s25 =	smul.u32 $0x50, s31;
	[tilespmem:s19+$0x810 ss:$0x81] =	vst.msk $0xffff, v5  }
0x16: {  	v63 =	vld [tilespmem:s17+$0xFFFFFFC0];
	s18 =	smul.u32 $0x50, s30;
	p1 =	sgt.s32 s21, $0x0;
	s27 =	sadd.s32 $0xFFFFF080, s23;
	[tilespmem:s19+$0x1020 ss:$0x81] =	vst.msk $0xffff, v58  }
0x17: {  	s17 =	ssub.s32 $0x1000, s23;
	[tilespmem:s19+$0x1830 ss:$0x81] =	vst.msk $0xffff, v59;
	s25 =	simm.s32 @p1 $0x0;
	p1 =	sgt.s32 s27, $0x7F  }
0x18: {  	s29 =	sand.u32 $0x7, s10;
	[tilespmem:s19+$0x2040 ss:$0x81] =	vst.msk $0xffff, v60;
	s18 =	ssub.s32 s22, s18;
	s17 =	simm.s32 @p1 $0x0  }
0x19: {  	s21 =	sadd.s32 s3, s28;
	[tilespmem:s19+$0x2850 ss:$0x81] =	vst.msk $0xffff, v61;
	s18 =	sshll.u32 s18, $0x9;
	s17 =	smul.u32 s17, s25  }
0x1a: {  	s20 =	sshrl.u32 s20, $0x3;
	s30 =	sshll.u32 s29, $0x12;
	[tilespmem:s19+$0x3060 ss:$0x81] =	vst.msk $0xffff, v62;
	s18 =	sadd.s32 s18, s21  }
0x1b: {  	[tilespmem:s19+$0x0 ss:$0x81] =	vst.msk $0xffff, v63;
	s31 =	sor.u32 $0x400, s30;
	s18 =	sadd.s32 s20, s18;
	s17 =	sand.u32 $0x3FFFFFF0, s17  }
0x1c: {  	[hbm4b:s18+s31] =	stream.strided.scatter [tilespmem:s16], [sflag:$0x2], s17, s8, s31, $0x20;
	[tilespmem:$0x10100] =	vst v63  }
.LBB1_5:
0x1d: {  	p1 =	slt.u32 s13, $0x2  }
0x1e: {  	s17 =	smov.u32 s15;
	p2 =	sgt.s32 @!p1 s15, $0xC7;
	s16 =	sshra.s32 @!p1 s15, $0x1F  }
0x1f: {  	p3 =	sgt.s32 @!p1 s14, $0xF80;
	s18 =	sshra.s32 @!p1 s14, $0x1F;
	p2 =	por !p2, p1  }
0x20: {  	s15 =	sand.u32 @!p1 s16, s15;
	p3 =	por !p3, p1;
	s16 =	smov.u32 s14  }
0x21: {  	s14 =	sand.u32 @!p1 s18, s14;
	s17 =	simm.s32 @p2 $0xC7;
	s16 =	simm.s32 @p3 $0xF80  }
0x22: {  	s18 =	smov.u32 s12;
	s15 =	ssub.s32 @!p1 s17, s15;
	s14 =	ssub.s32 @!p1 s16, s14  }
0x23: {  	s16 =	sadd.s32 @!p1 $0xFFFFFF39, s15;
	s15 =	ssub.s32 @!p1 $0xC8, s15;
	s17 =	sadd.s32 @!p1 $0xFFFFF080, s14  }
0x24: {  	p2 =	sgt.s32 @!p1 s16, $0x0;
	s15 =	smul.u32 @!p1 $0x50, s15;
	p3 =	sgt.s32 @!p1 s17, $0x7F  }
0x25: {  	s14 =	ssub.s32 @!p1 $0x1000, s14;
	p2 =	por !p2, p1;
	p3 =	por !p3, p1  }
0x26: {  	s16 =	sadd.s32 $0x1, s11;
	s15 =	simm.s32 @!p2 $0x0;
	s14 =	simm.s32 @!p3 $0x0  }
0x27: {  	p2 =	sgt.s32 s16, $0xC7;
	s14 =	smul.u32 @!p1 s14, s15;
	s15 =	sadd.s32 $0x1000, s12  }
0x28: {  	s18 =	smov.u32 @p2 s15  }
0x29: {  	s16 =	simm.s32 @p2 $0x0;
	p2 =	sgt.s32 s18, $0xFFF  }
0x2a: {  	s18 =	smov.u32 @p2 s2;
	p2 =	sne.s32 s13, s7  }
.Ltmp1:
0x2b: {  	p0 =	por !p0, !p0;
	s17 =	simm.s32 @!p1 $0x2;
	(pc) =	sbr.rel @!p2 .LBB1_6-.Ltmp1, $4  }
0x2c: {  	s15 =	smov.u32 s9;
	s9 =	smov.u32 s11;
	s14 =	sand.u32 @!p1 $0x3FFFFFF0, s14  }
0x2d: {  	s11 =	smov.u32 s16;
	_ =	swait.ge @!p1 [sflag:s17], s14;
	s19 =	ssub.s32 @!p1 $0x0, s14  }
0x2e: {  	s14 =	smov.u32 s10;
	s13 =	sadd.s32 $0x1, s13;
	[sflag:s17] =	ssyncset.done @!p1 $0x0  }
0x2f: {  	s10 =	smov.u32 s12;
	s12 =	smov.u32 s18;
	[sflag:s17] =	ssyncadd.s32 @!p1 s19  }
.LBB1_1:
0x30: {  	p1 =	sge.u32 s13, s5  }
0x31: {  	s16 =	sand.u32 @!p1 $0x1FFFFFF, s11  }
0x32: {  	s17 =	smulhi.u32 @!p1 $0x147AE15, s16;
	_ =	sdelay $0x1  }
0x33: {  	s17 =	smul.u32 @!p1 $0xC8, s17  }
0x34: {  	s18 =	sxor.u32 @!p1 $0xFFFFFFFF, s13;
	s19 =	smul.u32 @!p1 $0xC80, s12  }
0x35: {  	s31 =	sadd.s32 $0xFFFFFFFF, s13;
	s18 =	sshll.u32 @!p1 s18, $0xE;
	s16 =	ssub.s32 @!p1 s16, s17  }
0x36: {  	s17 =	sand.u32 @!p1 $0x4000, s18;
	s18 =	sadd.s32 @!p1 s6, s19;
	s16 =	sshll.u32 @!p1 s16, $0x4  }
0x37: {  	s19 =	simm.s32 @!p1 $0x6400;
	s16 =	sadd.s32 @!p1 s16, s18;
	s18 =	simm.s32 @!p1 $0x80  }
0x38: {  	[tilespmem:s17], [sflag:$0x1] =	stream.strided.gather @!p1 [hbm4b:s16+s18], $0x4000, s19, s18, $0x38;
	[tilespmem:$0x10100] =	vst v63  }
0x39: {  	p1 =	sge.u32 s31, s5  }
.Ltmp2:
0x3a: {  	_ = 	snop;
	(pc) =	sbr.rel @p1 .LBB1_5-.Ltmp2, $1  }
0x3b: {  	_ =	sdelay $0x3  }
0x3c: {  	s16 =	simm.s32 $0x1  }
0x3d: {  	_ =	swait.ge [sflag:s4], $0x4000;
	s16 =	simm.s32 @!p0 $0x0  }
0x3e: {  	[sflag:s4] =	ssyncset.done $0x0;
	s17 =	sshll.u32 s16, $0xE  }
0x3f: {  	[sflag:s4] =	ssyncadd.s32 $0xFFFFC000;
	s17 =	sor.u32 $0x40, s17  }
0x40: {  	s16 =	smul.u32 $0x10200, s16;
	v0 =	vld [tilespmem:s17+$0x30]  }
0x41: {  	v1 =	vld [tilespmem:s17+$0xFFFFFFD0]  }
0x42: {  	s16 =	sshrl.u32 s16, $0x2;
	v5 =	vld [tilespmem:s17+$0xFFFFFFE0]  }
0x43: {  	v6 =	vld [tilespmem:s17+$0xFFFFFFF0];
	s19 =	sor.u32 $0x8000, s16  }
0x44: {  	s31 =	sand.u32 $0x1, s13;
	v4 =	vld [tilespmem:s17+$0x0];
	s18 =	sadd.s32 $0x0, s19  }
0x45: {  	v3 =	vld [tilespmem:s17+$0x10];
	s16 =	smul.u32 $0x10200, s31;
	[tilespmem:s18+$0x3870 ss:$0x81] =	vst.msk $0xffff, v0  }
0x46: {  	v2 =	vld [tilespmem:s17+$0x20];
	[tilespmem:s18+$0x810 ss:$0x81] =	vst.msk $0xffff, v1  }
0x47: {  	s16 =	sshrl.u32 s16, $0x2;
	v0 =	vld [tilespmem:s17+$0xFFFFFFC0];
	[tilespmem:s18+$0x1020 ss:$0x81] =	vst.msk $0xffff, v5;
	s17 =	sadd.s32 $0x80, s17  }
0x48: {  	s20 =	simm.s32 $0x4;
	s21 =	simm.s32 $0x8;
	s16 =	sor.u32 $0x8000, s16;
	[tilespmem:s18+$0x1830 ss:$0x81] =	vst.msk $0xffff, v6;
	v1 =	vld [tilespmem:s17+$0x30]  }
.LBB1_3:
0x49: {  	p1 =	sne.s32 s21, $0x1FC;
	v5 =	vld [tilespmem:s17+$0xFFFFFFD0];
	[tilespmem:s18+$0x2040 ss:$0x81] =	vst.msk $0xffff, v4  }
0x4a: {  	v6 =	vld [tilespmem:s17+$0xFFFFFFE0];
	[tilespmem:s18+$0x2850 ss:$0x81] =	vst.msk $0xffff, v3  }
0x4b: {  	s22 =	sshra.s32 s20, $0x2;
	s20 =	smov.u32 s21;
	v7 =	vld [tilespmem:s17+$0xFFFFFFF0];
	[tilespmem:s18+$0x3060 ss:$0x81] =	vst.msk $0xffff, v2  }
.Ltmp3:
0x4c: {  	v4 =	vld [tilespmem:s17+$0x0];
	[tilespmem:s18+$0x0 ss:$0x81] =	vst.msk $0xffff, v0;
	s18 =	sadd.s32 s22, s19;
	(pc) =	sbr.rel @p1 .LBB1_3-.Ltmp3, $4  }
0x4d: {  	v3 =	vld [tilespmem:s17+$0x10];
	[tilespmem:s18+$0x3870 ss:$0x81] =	vst.msk $0xffff, v1  }
0x4e: {  	[tilespmem:s18+$0x810 ss:$0x81] =	vst.msk $0xffff, v5;
	v2 =	vld [tilespmem:s17+$0x20]  }
0x4f: {  	v0 =	vld [tilespmem:s17+$0xFFFFFFC0];
	[tilespmem:s18+$0x1020 ss:$0x81] =	vst.msk $0xffff, v6;
	s17 =	sadd.s32 $0x80, s17  }
0x50: {  	s21 =	sadd.s32 $0x4, s21;
	v1 =	vld [tilespmem:s17+$0x30];
	[tilespmem:s18+$0x1830 ss:$0x81] =	vst.msk $0xffff, v7  }
.Ltmp4:
0x51: {  	_ = 	snop;
	(pc) =	sbr.rel .LBB1_4-.Ltmp4, $1  }
0x52: {  	_ =	sdelay $0x3  }
.LBB1_6:
0x53: {  	_ =	sfence.sel $0x180000  }
0x54: {  	s2 =	simm.s32 $0x1;
	[bflag:$0x0] =	sbarrier.arrive $0xFFFF  }
0x55: {  	s31 =	simm.s32 $0x2;
	[sflag:s2] =	ssyncpa.u1 $0x1  }
0x56: {  	[sflag:s31] =	ssyncpa.u1 $0x1  }
0x57: {  	p0 =	sne.s32 s0, $0x0;
	_ =	strace $0x9000004D  }
0x58: {  	s0 =	sadd.s32 @!p0 $0x100000, s1;
	[bflag:$0x2] =	sbarrier.arrive $0xFFFF  }
0x59: {  	[sflag:s0] =	ssyncadd.tile.s32 @!p0 $0x1;
	_ =	shalt  }
.Lfunc_end1:
_tile_overlayer_lowered:
.L_overlay_start_2:
0x5a: {  	(tag) =	ssettag $0x2  }
0x5b: {  	s0 =	rddreg [dreg:$0x0];
	s2 =	stileid.u32  }
0x5c: {  	s1 =	rddreg [dreg:$0x1];
	p0 =	sne.s32 s2, $0x0  }
0x5d: {  	s3 =	rddreg [dreg:$0x2];
	[bflag:$0x3] =	sbarrier.arrive $0xFFFF;
	s2 =	simm.s32 @!p0 $0x1C01  }
0x5e: {  	[timem:s3], [sflag:s2] =	dma.local @!p0 [hbm:s0], s1  }
0x5f: {  	s0 =	simm.s32 @!p0 $0x1  }
0x60: {  	_ =	swait.ge @!p0 [sflag:s0], s1  }
0x61: {  	s1 =	ssub.s32 @!p0 $0x0, s1;
	[sflag:s0] =	ssyncset.done @!p0 $0x0  }
0x62: {  	[sflag:s0] =	ssyncadd.s32 @!p0 s1  }
0x63: {  	[bflag:$0x3] =	sbarrier.arrive $0xFFFF  }
0x64: {  	_ =	shalt  }

</sc_bundles>
